<compile_context>
chip_gen: v7x
topology: tpu7x:2x2x1
jax: 0.10.2.dev20260603
libtpu: 0.0.44.dev20260713+nightly
codegen_flags: <defaults>
</compile_context>

<pallas_src>
import functools
import jax
import jax.numpy as jnp
from jax import lax
from jax.experimental import pallas as pl
from jax.experimental.pallas import tpu as pltpu
from jax.experimental.pallas import tpu_sc as plsc

_NS = 10
_FPAD = 5120
_NV = 2500
_NC = 2
_NSUB = 16
_NW = _NC * _NSUB
_FPW = _FPAD // _NW
_CHUNKS = _FPW // 16
_PCW = 32

_I_BLK = 256
_J_BLK = 512
_NI = _FPAD // _I_BLK
_NJ = _FPAD // _J_BLK

_SC_MESH = plsc.VectorSubcoreMesh(
    core_axis_name="c", subcore_axis_name="s",
    num_cores=_NC, num_subcores=_NSUB)
_SC_PARAMS = pltpu.CompilerParams(needs_layout_passes=False)


def _keys_body(vx_h, f0_h, f1_h, f2_h, keys_h, vx, f0b, f1b, f2b, keysb):
    wid = lax.axis_index("s") * _NC + lax.axis_index("c")
    tb = wid * _FPW
    pltpu.sync_copy(vx_h, vx)
    pltpu.sync_copy(f0_h.at[pl.ds(tb, _FPW)], f0b)
    pltpu.sync_copy(f1_h.at[pl.ds(tb, _FPW)], f1b)
    pltpu.sync_copy(f2_h.at[pl.ds(tb, _FPW)], f2b)
    third = jnp.float32(1.0 / 3.0)

    def chunk(k, _):
        o = k * 16
        v1x = plsc.load_gather(vx, [f0b[pl.ds(o, 16)]])
        v2x = plsc.load_gather(vx, [f1b[pl.ds(o, 16)]])
        v3x = plsc.load_gather(vx, [f2b[pl.ds(o, 16)]])
        cx = (v1x + v2x + v3x) * third
        gid = tb + o + lax.iota(jnp.int32, 16)
        keysb[pl.ds(o, 16)] = jnp.where(gid < jnp.int32(5000), cx,
                                        jnp.float32(1e9))
        return ()

    lax.fori_loop(0, _CHUNKS, chunk, ())
    pltpu.sync_copy(keysb, keys_h.at[pl.ds(tb, _FPW)])


_sc_keys = functools.partial(
    pl.kernel,
    _keys_body,
    out_type=[jax.ShapeDtypeStruct((_FPAD,), jnp.float32)],
    mesh=_SC_MESH,
    compiler_params=_SC_PARAMS,
    scratch_types=[
        pltpu.VMEM((_NV,), jnp.float32),
        pltpu.VMEM((_FPW,), jnp.int32),
        pltpu.VMEM((_FPW,), jnp.int32),
        pltpu.VMEM((_FPW,), jnp.int32),
        pltpu.VMEM((_FPW,), jnp.float32),
    ],
)


def _sc_body(vx_h, vy_h, vz_h, abg_h, perm_h,
             w_h, cit_h, cj_h, pt2_h, fps_h,
             vx, vy, vz, permb, abgb,
             wb, citb, cjb, ptb2, fpsb, sem):
    wid = lax.axis_index("s") * _NC + lax.axis_index("c")
    tb = wid * _FPW

    pltpu.sync_copy(vx_h, vx)
    pltpu.sync_copy(vy_h, vy)
    pltpu.sync_copy(vz_h, vz)
    pltpu.sync_copy(perm_h.at[pl.ds(tb, _FPW)], permb)
    copies = []
    for k in range(_CHUNKS):
        idxv = permb[pl.ds(k * 16, 16)]
        copies.append(pltpu.async_copy(
            abg_h.at[idxv], abgb.at[pl.ds(k * 16, 16)], sem))
    for c in copies:
        c.wait()

    one = jnp.full((16,), 1.0, jnp.float32)
    third = jnp.float32(1.0 / 3.0)

    def chunk(k, _):
        o = k * 16
        rows = o + lax.iota(jnp.int32, 16)
        pch = permb[pl.ds(o, 16)]
        c30 = jnp.full((16,), 30, jnp.int32)
        f0v = plsc.bitcast(plsc.load_gather(abgb, [rows, c30]), jnp.int32)
        f1v = plsc.bitcast(plsc.load_gather(abgb, [rows, c30 + 1]), jnp.int32)
        f2v = plsc.bitcast(plsc.load_gather(abgb, [rows, c30 + 2]), jnp.int32)
        fpv = plsc.load_gather(abgb, [rows, c30 + 3])
        v1x = plsc.load_gather(vx, [f0v])
        v1y = plsc.load_gather(vy, [f0v])
        v1z = plsc.load_gather(vz, [f0v])
        v2x = plsc.load_gather(vx, [f1v])
        v2y = plsc.load_gather(vy, [f1v])
        v2z = plsc.load_gather(vz, [f1v])
        v3x = plsc.load_gather(vx, [f2v])
        v3y = plsc.load_gather(vy, [f2v])
        v3z = plsc.load_gather(vz, [f2v])

        e0x = v2x - v1x
        e0y = v2y - v1y
        e0z = v2z - v1z
        e1x = v3x - v1x
        e1y = v3y - v1y
        e1z = v3z - v1z
        d00 = e0x * e0x + e0y * e0y + e0z * e0z
        d01 = e0x * e1x + e0y * e1y + e0z * e1z
        d11 = e1x * e1x + e1y * e1y + e1z * e1z
        den = d00 * d11 - d01 * d01
        c0 = v1x * e0x + v1y * e0y + v1z * e0z
        c1 = v1x * e1x + v1y * e1y + v1z * e1z
        sgn = jnp.where(den > 0.0, 1.0, -1.0).astype(jnp.float32)
        dnz = den != 0.0
        sd00 = sgn * d00
        sd01 = sgn * d01
        sd11 = sgn * d11
        ax = sd11 * e0x - sd01 * e1x
        ay = sd11 * e0y - sd01 * e1y
        az = sd11 * e0z - sd01 * e1z
        a4 = sd01 * c1 - sd11 * c0
        bx = sd00 * e1x - sd01 * e0x
        by = sd00 * e1y - sd01 * e0y
        bz = sd00 * e1z - sd01 * e0z
        b4 = sd01 * c0 - sd00 * c1
        dds = jnp.where(dnz, sgn * den, jnp.float32(-1.0))

        cenx = (v1x + v2x + v3x) * third
        ceny = (v1y + v2y + v3y) * third
        cenz = (v1z + v2z + v3z) * third
        sq = cenx * cenx + ceny * ceny + cenz * cenz
        sqm = jnp.where(pch < jnp.int32(5000), sq, jnp.float32(1e9))

        wb[pl.ds(0 * _FPW + o, 16)] = ax
        wb[pl.ds(1 * _FPW + o, 16)] = ay
        wb[pl.ds(2 * _FPW + o, 16)] = az
        wb[pl.ds(3 * _FPW + o, 16)] = a4
        wb[pl.ds(4 * _FPW + o, 16)] = bx
        wb[pl.ds(5 * _FPW + o, 16)] = by
        wb[pl.ds(6 * _FPW + o, 16)] = bz
        wb[pl.ds(7 * _FPW + o, 16)] = b4

        citb[pl.ds(0 * _FPW + o, 16)] = cenx
        citb[pl.ds(1 * _FPW + o, 16)] = ceny
        citb[pl.ds(2 * _FPW + o, 16)] = cenz
        citb[pl.ds(3 * _FPW + o, 16)] = sqm
        citb[pl.ds(4 * _FPW + o, 16)] = one
        citb[pl.ds(5 * _FPW + o, 16)] = jnp.zeros((16,), jnp.float32)

        m2 = jnp.float32(-2.0)
        cjb[pl.ds(0 * _FPW + o, 16)] = m2 * cenx
        cjb[pl.ds(1 * _FPW + o, 16)] = m2 * ceny
        cjb[pl.ds(2 * _FPW + o, 16)] = m2 * cenz
        cjb[pl.ds(3 * _FPW + o, 16)] = one
        cjb[pl.ds(4 * _FPW + o, 16)] = sqm
        cjb[pl.ds(5 * _FPW + o, 16)] = dds

        fpsb[pl.ds(o, 16)] = fpv

        rowbase = lax.iota(jnp.int32, 16) * _PCW + o * _PCW
        for s in range(_NS):
            colal = jnp.full((16,), s, jnp.int32)
            colbe = jnp.full((16,), _NS + s, jnp.int32)
            colga = jnp.full((16,), 2 * _NS + s, jnp.int32)
            al = plsc.load_gather(abgb, [rows, colal])
            be = plsc.load_gather(abgb, [rows, colbe])
            ga = plsc.load_gather(abgb, [rows, colga])
            px = al * v1x + be * v2x + ga * v3x
            py = al * v1y + be * v2y + ga * v3y
            pz = al * v1z + be * v2z + ga * v3z
            plsc.store_scatter(ptb2, [rowbase + (s * 3 + 0)], px)
            plsc.store_scatter(ptb2, [rowbase + (s * 3 + 1)], py)
            plsc.store_scatter(ptb2, [rowbase + (s * 3 + 2)], pz)
        return ()

    lax.fori_loop(0, _CHUNKS, chunk, ())

    drains = []
    for r in range(8):
        drains.append(pltpu.async_copy(
            wb.at[pl.ds(r * _FPW, _FPW)], w_h.at[pl.ds(r * _FPAD + tb, _FPW)], sem))
    for r in range(6):
        drains.append(pltpu.async_copy(
            citb.at[pl.ds(r * _FPW, _FPW)], cit_h.at[pl.ds(r * _FPAD + tb, _FPW)], sem))
        drains.append(pltpu.async_copy(
            cjb.at[pl.ds(r * _FPW, _FPW)], cj_h.at[pl.ds(r * _FPAD + tb, _FPW)], sem))
    drains.append(pltpu.async_copy(
        ptb2, pt2_h.at[pl.ds(tb * _PCW, _FPW * _PCW)], sem))
    drains.append(pltpu.async_copy(
        fpsb, fps_h.at[pl.ds(tb, _FPW)], sem))
    for c in drains:
        c.wait()


_sc_stage1 = functools.partial(
    pl.kernel,
    _sc_body,
    out_type=[
        jax.ShapeDtypeStruct((8 * _FPAD,), jnp.float32),
        jax.ShapeDtypeStruct((6 * _FPAD,), jnp.float32),
        jax.ShapeDtypeStruct((6 * _FPAD,), jnp.float32),
        jax.ShapeDtypeStruct((_FPAD * _PCW,), jnp.float32),
        jax.ShapeDtypeStruct((_FPAD,), jnp.float32),
    ],
    mesh=_SC_MESH,
    compiler_params=_SC_PARAMS,
    scratch_types=[
        pltpu.VMEM((_NV,), jnp.float32),
        pltpu.VMEM((_NV,), jnp.float32),
        pltpu.VMEM((_NV,), jnp.float32),
        pltpu.VMEM((_FPW,), jnp.int32),
        pltpu.VMEM((_FPW, 128), jnp.float32),
        pltpu.VMEM((8 * _FPW,), jnp.float32),
        pltpu.VMEM((6 * _FPW,), jnp.float32),
        pltpu.VMEM((6 * _FPW,), jnp.float32),
        pltpu.VMEM((_FPW * _PCW,), jnp.float32),
        pltpu.VMEM((_FPW,), jnp.float32),
        pltpu.SemaphoreType.DMA,
    ],
)


def _tc_body(flags_ref, pc_ref, w_ref, cit_ref, cj_ref, fp_ref,
             out_ref):
    i = pl.program_id(0)
    j = pl.program_id(1)

    @pl.when((i == 0) & (j == 0))
    def _():
        out_ref[0, 0] = 0.0

    @pl.when(flags_ref[i, j] != 0)
    def _():
        dn = (((0,), (0,)), ((), ()))
        hi = lax.Precision.HIGHEST
        d2 = lax.dot_general(cit_ref[...], cj_ref[...], dn, precision=hi)
        ri = lax.broadcasted_iota(jnp.int32, (_I_BLK, _J_BLK), 0) + i * _I_BLK
        rj = lax.broadcasted_iota(jnp.int32, (_I_BLK, _J_BLK), 1) + j * _J_BLK
        mask = (d2 < 1.0) & (ri != rj)
        dds = cj_ref[5:6, :]
        hasm = jnp.full((_I_BLK, _J_BLK), -1.0, jnp.float32)
        ax = w_ref[0, 0:1, :]
        ay = w_ref[0, 1:2, :]
        az = w_ref[0, 2:3, :]
        a4 = w_ref[0, 3:4, :]
        bx = w_ref[1, 0:1, :]
        by = w_ref[1, 1:2, :]
        bz = w_ref[1, 2:3, :]
        b4 = w_ref[1, 3:4, :]
        for s in range(_NS):
            px = pc_ref[:, (s * 3 + 0):(s * 3 + 1)]
            py = pc_ref[:, (s * 3 + 1):(s * 3 + 2)]
            pz = pc_ref[:, (s * 3 + 2):(s * 3 + 3)]
            nv = px * ax + py * ay + pz * az + a4
            nw = px * bx + py * by + pz * bz + b4
            m = jnp.minimum(jnp.minimum(nv, nw), dds - (nv + nw))
            hasm = jnp.maximum(hasm, m)
        partial = jnp.sum(jnp.where(mask & (hasm >= 0.0), fp_ref[...], 0.0))
        out_ref[0, 0] = out_ref[0, 0] + partial

    @pl.when((i == _NI - 1) & (j == _NJ - 1))
    def _():
        out_ref[0, 0] = out_ref[0, 0] * (1.0 / 5000.0)


def _stage2(flags, PC, W, CIT, CJ, fp2):
    out = pl.pallas_call(
        _tc_body,
        grid=(_NI, _NJ),
        in_specs=[
            pl.BlockSpec(memory_space=pltpu.SMEM),
            pl.BlockSpec((_I_BLK, _PCW), lambda i, j: (i, 0)),
            pl.BlockSpec((2, 4, _J_BLK), lambda i, j: (0, 0, j)),
            pl.BlockSpec((6, _I_BLK), lambda i, j: (0, i)),
            pl.BlockSpec((6, _J_BLK), lambda i, j: (0, j)),
            pl.BlockSpec((_I_BLK, 1), lambda i, j: (i, 0)),
        ],
        out_specs=pl.BlockSpec(memory_space=pltpu.SMEM),
        out_shape=jax.ShapeDtypeStruct((1, 1), jnp.float32),
    )(flags, PC, W, CIT, CJ, fp2)
    return out[0, 0]


@jax.jit
def kernel(vertices, faces, face_probs):
    F = faces.shape[0]
    kk = jax.random.key(42)
    ka, kb = jax.random.split(kk)
    alpha = jax.random.uniform(ka, (F, _NS), dtype=jnp.float32)
    beta = jax.random.uniform(kb, (F, _NS), dtype=jnp.float32) * (1.0 - alpha)
    gamma = 1.0 - alpha - beta
    pad = _FPAD - F
    abg = jnp.pad(
        jnp.concatenate(
            [alpha, beta, gamma,
             lax.bitcast_convert_type(faces, jnp.float32),
             face_probs[:, None]], axis=1),
        ((0, pad), (0, 128 - 3 * _NS - 4)))
    facesP = jnp.pad(faces, ((0, pad), (0, 0)))
    f0 = facesP[:, 0]
    f1 = facesP[:, 1]
    f2 = facesP[:, 2]
    vx = vertices[:, 0]
    vy = vertices[:, 1]
    vz = vertices[:, 2]
    fpP = jnp.pad(face_probs, (0, pad))

    (keys,) = _sc_keys()(vx, f0, f1, f2)
    xs, perm = lax.sort((keys, lax.iota(jnp.int32, _FPAD)),
                        dimension=0, num_keys=1)
    xlo_i = xs[::_I_BLK]
    xhi_i = xs[_I_BLK - 1::_I_BLK]
    xlo_j = xs[::_J_BLK]
    xhi_j = xs[_J_BLK - 1::_J_BLK]
    eps = jnp.float32(1e-3)
    flags = ((xlo_j[None, :] <= xhi_i[:, None] + 1.0 + eps)
             & (xlo_i[:, None] <= xhi_j[None, :] + 1.0 + eps)).astype(jnp.int32)

    wf, citf, cjf, pt2f, fps = _sc_stage1()(vx, vy, vz, abg, perm)
    PC = pt2f.reshape(_FPAD, _PCW)
    W = wf.reshape(2, 4, _FPAD)
    CIT = citf.reshape(6, _FPAD)
    CJ = cjf.reshape(6, _FPAD)
    fp2 = fps.reshape(_FPAD, 1)
    loss = _stage2(flags, PC, W, CIT, CJ, fp2)
    return loss

# --- scband reference (transcript-rebuilt; emitter-appended) ---
"""Pipeline reference for scband-triangle-overlap-loss-16166256902863 (READ-ONLY COPY).

The authoritative reference and input builder live on the scoring server;
editing this copy changes nothing except your own understanding.
"""

import jax, jax.numpy as jnp
import numpy as np

NUM_SAMPLES = 10


def setup_inputs(seed: int = 0):
    key = jax.random.key(seed)
    k1, k2, k3 = jax.random.split(key, 3)
    # scale vertices so that the 'dists < 1.0' neighborhood test yields a
    # realistic (sparse) set of candidate overlap pairs rather than all F^2 pairs
    vertices = jax.random.normal(k1, (2500, 3), dtype=jnp.float32) * 5.0
    faces = jax.random.randint(k2, (5000, 3), 0, 2500, dtype=jnp.int32)
    face_probs = jax.random.uniform(k3, (5000,), dtype=jnp.float32)
    return {"vertices": vertices, "faces": faces, "face_probs": face_probs}


def reference(vertices, faces, face_probs):
    num_faces = faces.shape[0]
    kk = jax.random.key(42)
    ka, kb = jax.random.split(kk)
    alpha = jax.random.uniform(ka, (num_faces, NUM_SAMPLES), dtype=jnp.float32)
    beta = jax.random.uniform(kb, (num_faces, NUM_SAMPLES), dtype=jnp.float32) * (1.0 - alpha)
    gamma = 1.0 - alpha - beta
    v1 = vertices[faces[:, 0]]
    v2 = vertices[faces[:, 1]]
    v3 = vertices[faces[:, 2]]
    sampled_points = (alpha[..., None] * v1[:, None, :]
                      + beta[..., None] * v2[:, None, :]
                      + gamma[..., None] * v3[:, None, :])
    centroids = vertices[faces].mean(axis=1)
    sq = jnp.sum(centroids * centroids, axis=1)
    d2 = sq[:, None] + sq[None, :] - 2.0 * centroids @ centroids.T
    dists = jnp.sqrt(jnp.maximum(d2, 0.0))
    mask = (dists < 1.0) & (~jnp.eye(num_faces, dtype=bool))
    w1 = vertices[faces[:, 0]]
    w2 = vertices[faces[:, 1]]
    w3 = vertices[faces[:, 2]]
    e0 = w2 - w1
    e1 = w3 - w1
    d00 = jnp.sum(e0 * e0, axis=-1, keepdims=True)
    d01 = jnp.sum(e0 * e1, axis=-1, keepdims=True)
    d11 = jnp.sum(e1 * e1, axis=-1, keepdims=True)
    denom = d00 * d11 - d01 * d01

    def body(carry, xs):
        points_i, mask_i = xs
        e2 = points_i[None, :, :] - w1[:, None, :]
        d20 = jnp.sum(e2 * e0[:, None, :], axis=-1)
        d21 = jnp.sum(e2 * e1[:, None, :], axis=-1)
        vbar = (d11 * d20 - d01 * d21) / denom
        wbar = (d00 * d21 - d01 * d20) / denom
        ubar = 1.0 - vbar - wbar
        inside = (ubar >= 0) & (vbar >= 0) & (wbar >= 0)
        has_overlap = jnp.any(inside, axis=1)
        count_i = jnp.sum(jnp.where(mask_i, has_overlap.astype(jnp.float32), jnp.float32(0.0)))
        return carry, count_i

    _, overlap_count = jax.lax.scan(body, jnp.float32(0.0), (sampled_points, mask))
    return (face_probs * overlap_count).mean()

if __name__ == "__main__":
    import jax
    _d = setup_inputs()
    print(jax.jit(kernel)(*tuple(_d.values())))

</pallas_src>

<mosaic_0001>
#map = affine_map<(d0, d1) -> (0)>
module attributes {stable_mosaic.version = 14 : i64} {
  func.func @_keys_body(%arg0: i32, %arg1: i32, %arg2: memref<2500xf32, #tpu.memory_space<hbm>>, %arg3: memref<5120xi32, #tpu.memory_space<hbm>>, %arg4: memref<5120xi32, #tpu.memory_space<hbm>>, %arg5: memref<5120xi32, #tpu.memory_space<hbm>>, %arg6: memref<5120xf32, #tpu.memory_space<hbm>>, %arg7: memref<2500xf32, #tpu.memory_space<vmem>>, %arg8: memref<160xi32, #tpu.memory_space<vmem>>, %arg9: memref<160xi32, #tpu.memory_space<vmem>>, %arg10: memref<160xi32, #tpu.memory_space<vmem>>, %arg11: memref<160xf32, #tpu.memory_space<vmem>>) attributes {dimension_semantics = [#tpu.dimension_semantics<core_parallel>, #tpu.dimension_semantics<subcore_parallel>], iteration_bounds = array<i64: 2, 16>, scalar_prefetch = 0 : i64, scratch_operands = 5 : i64, tpu.core_type = #tpu.core_type<sc_vector_subcore>, window_params = [{transform_indices = #map}, {transform_indices = #map}, {transform_indices = #map}, {transform_indices = #map}, {transform_indices = #map}]} {
    %mul3A = arith.constant 2 : i32
    %mul3A_0 = arith.muli %arg1, %mul3A : i32
    %add3A = arith.addi %mul3A_0, %arg0 : i32
    %mul3A_1 = arith.constant 160 : i32
    %mul3A_2 = arith.muli %add3A, %mul3A_1 : i32
    "tpu.region"() ({
      %run_scoped3A = tpu.sem_alloc : memref<!tpu.dma_semaphore, #tpu.memory_space<semaphore_mem>>
      tpu.enqueue_dma source(%arg2 : memref<2500xf32, #tpu.memory_space<hbm>>) target(%arg7 : memref<2500xf32, #tpu.memory_space<vmem>>) target_semaphore(%run_scoped3A : memref<!tpu.dma_semaphore, #tpu.memory_space<semaphore_mem>>)
      tpu.wait_dma2 semaphore(%run_scoped3A : memref<!tpu.dma_semaphore, #tpu.memory_space<semaphore_mem>>) src(%arg2 : memref<2500xf32, #tpu.memory_space<hbm>>) dst(%arg7 : memref<2500xf32, #tpu.memory_space<vmem>>)
      tpu.yield
    }) : () -> ()
    "tpu.region"() ({
      %run_scoped3A = tpu.sem_alloc : memref<!tpu.dma_semaphore, #tpu.memory_space<semaphore_mem>>
      %dma_start3A = tpu.memref_slice %arg3[%mul3A_2] : memref<5120xi32, #tpu.memory_space<hbm>> -> memref<160xi32, #tpu.memory_space<hbm>>
      %dma_start3A_8 = tpu.memref_slice %arg3[%mul3A_2] : memref<5120xi32, #tpu.memory_space<hbm>> -> memref<160xi32, #tpu.memory_space<hbm>>
      tpu.enqueue_dma source(%dma_start3A_8 : memref<160xi32, #tpu.memory_space<hbm>>) target(%arg8 : memref<160xi32, #tpu.memory_space<vmem>>) target_semaphore(%run_scoped3A : memref<!tpu.dma_semaphore, #tpu.memory_space<semaphore_mem>>)
      %dma_wait3A = tpu.memref_slice %arg3[%mul3A_2] : memref<5120xi32, #tpu.memory_space<hbm>> -> memref<160xi32, #tpu.memory_space<hbm>>
      %dma_wait3A_9 = tpu.memref_slice %arg3[%mul3A_2] : memref<5120xi32, #tpu.memory_space<hbm>> -> memref<160xi32, #tpu.memory_space<hbm>>
      tpu.wait_dma2 semaphore(%run_scoped3A : memref<!tpu.dma_semaphore, #tpu.memory_space<semaphore_mem>>) src(%dma_wait3A_9 : memref<160xi32, #tpu.memory_space<hbm>>) dst(%arg8 : memref<160xi32, #tpu.memory_space<vmem>>)
      tpu.yield
    }) : () -> ()
    "tpu.region"() ({
      %run_scoped3A = tpu.sem_alloc : memref<!tpu.dma_semaphore, #tpu.memory_space<semaphore_mem>>
      %dma_start3A = tpu.memref_slice %arg4[%mul3A_2] : memref<5120xi32, #tpu.memory_space<hbm>> -> memref<160xi32, #tpu.memory_space<hbm>>
      %dma_start3A_8 = tpu.memref_slice %arg4[%mul3A_2] : memref<5120xi32, #tpu.memory_space<hbm>> -> memref<160xi32, #tpu.memory_space<hbm>>
      tpu.enqueue_dma source(%dma_start3A_8 : memref<160xi32, #tpu.memory_space<hbm>>) target(%arg9 : memref<160xi32, #tpu.memory_space<vmem>>) target_semaphore(%run_scoped3A : memref<!tpu.dma_semaphore, #tpu.memory_space<semaphore_mem>>)
      %dma_wait3A = tpu.memref_slice %arg4[%mul3A_2] : memref<5120xi32, #tpu.memory_space<hbm>> -> memref<160xi32, #tpu.memory_space<hbm>>
      %dma_wait3A_9 = tpu.memref_slice %arg4[%mul3A_2] : memref<5120xi32, #tpu.memory_space<hbm>> -> memref<160xi32, #tpu.memory_space<hbm>>
      tpu.wait_dma2 semaphore(%run_scoped3A : memref<!tpu.dma_semaphore, #tpu.memory_space<semaphore_mem>>) src(%dma_wait3A_9 : memref<160xi32, #tpu.memory_space<hbm>>) dst(%arg9 : memref<160xi32, #tpu.memory_space<vmem>>)
      tpu.yield
    }) : () -> ()
    "tpu.region"() ({
      %run_scoped3A = tpu.sem_alloc : memref<!tpu.dma_semaphore, #tpu.memory_space<semaphore_mem>>
      %dma_start3A = tpu.memref_slice %arg5[%mul3A_2] : memref<5120xi32, #tpu.memory_space<hbm>> -> memref<160xi32, #tpu.memory_space<hbm>>
      %dma_start3A_8 = tpu.memref_slice %arg5[%mul3A_2] : memref<5120xi32, #tpu.memory_space<hbm>> -> memref<160xi32, #tpu.memory_space<hbm>>
      tpu.enqueue_dma source(%dma_start3A_8 : memref<160xi32, #tpu.memory_space<hbm>>) target(%arg10 : memref<160xi32, #tpu.memory_space<vmem>>) target_semaphore(%run_scoped3A : memref<!tpu.dma_semaphore, #tpu.memory_space<semaphore_mem>>)
      %dma_wait3A = tpu.memref_slice %arg5[%mul3A_2] : memref<5120xi32, #tpu.memory_space<hbm>> -> memref<160xi32, #tpu.memory_space<hbm>>
      %dma_wait3A_9 = tpu.memref_slice %arg5[%mul3A_2] : memref<5120xi32, #tpu.memory_space<hbm>> -> memref<160xi32, #tpu.memory_space<hbm>>
      tpu.wait_dma2 semaphore(%run_scoped3A : memref<!tpu.dma_semaphore, #tpu.memory_space<semaphore_mem>>) src(%dma_wait3A_9 : memref<160xi32, #tpu.memory_space<hbm>>) dst(%arg10 : memref<160xi32, #tpu.memory_space<vmem>>)
      tpu.yield
    }) : () -> ()
    %scan3A = arith.constant 0.333333343 : f32
    %scan3A_3 = arith.constant 0 : i32
    %scan3A_4 = arith.constant 10 : i32
    %scan3A_5 = arith.addi %scan3A_3, %scan3A_4 : i32
    %scan3A_6 = arith.constant 1 : i32
    scf.for %scan3A_8 = %scan3A_3 to %scan3A_5 step %scan3A_6  : i32 {
      %mul3A_9 = arith.constant 16 : i32
      %mul3A_10 = arith.muli %scan3A_8, %mul3A_9 : i32
      %get3A = arith.index_cast %mul3A_10 : i32 to index
      %get3A_11 = tpu.vector_load %arg8[%get3A] {strides = array<i32>} : memref<160xi32, #tpu.memory_space<vmem>>, vector<16xi32>,
      %gather3A = tpu.vector_load_idx %arg7[%get3A_11] : memref<2500xf32, #tpu.memory_space<vmem>>[vector<16xi32>], vector<16xf32>,
      %get3A_12 = arith.index_cast %mul3A_10 : i32 to index
      %get3A_13 = tpu.vector_load %arg9[%get3A_12] {strides = array<i32>} : memref<160xi32, #tpu.memory_space<vmem>>, vector<16xi32>,
      %gather3A_14 = tpu.vector_load_idx %arg7[%get3A_13] : memref<2500xf32, #tpu.memory_space<vmem>>[vector<16xi32>], vector<16xf32>,
      %get3A_15 = arith.index_cast %mul3A_10 : i32 to index
      %get3A_16 = tpu.vector_load %arg10[%get3A_15] {strides = array<i32>} : memref<160xi32, #tpu.memory_space<vmem>>, vector<16xi32>,
      %gather3A_17 = tpu.vector_load_idx %arg7[%get3A_16] : memref<2500xf32, #tpu.memory_space<vmem>>[vector<16xi32>], vector<16xf32>,
      %add3A_18 = arith.addf %gather3A, %gather3A_14 : vector<16xf32>
      %add3A_19 = arith.addf %add3A_18, %gather3A_17 : vector<16xf32>
      %mul3A_20 = vector.broadcast %scan3A : f32 to vector<16xf32>
      %mul3A_21 = arith.mulf %add3A_19, %mul3A_20 : vector<16xf32>
      %add3A_22 = arith.addi %mul3A_2, %mul3A_10 : i32
      %iota3A = tpu.iota {dimensions = array<i32: 0>} : vector<16xi32>
      %add3A_23 = vector.broadcast %add3A_22 : i32 to vector<16xi32>
      %add3A_24 = arith.addi %add3A_23, %iota3A : vector<16xi32>
      %lt3A = arith.constant 5000 : i32
      %lt3A_25 = vector.broadcast %lt3A : i32 to vector<16xi32>
      %lt3A_26 = arith.cmpi slt, %add3A_24, %lt3A_25 : vector<16xi32>
      %jit3A = arith.constant 1.000000e+09 : f32
      %broadcast_in_dim3A = vector.broadcast %jit3A : f32 to vector<16xf32>
      %select_n3A = arith.select %lt3A_26, %mul3A_21, %broadcast_in_dim3A : vector<16xi1>, vector<16xf32>
      %swap3A = arith.index_cast %mul3A_10 : i32 to index
      %swap3A_27 = tpu.vector_load %arg11[%swap3A] {strides = array<i32>} : memref<160xf32, #tpu.memory_space<vmem>>, vector<16xf32>,
      tpu.vector_store %arg11[%swap3A], %select_n3A {strides = array<i32>} : memref<160xf32, #tpu.memory_space<vmem>>, vector<16xf32>,
    }
    %scan3A_7 = arith.constant 10 : i32
    "tpu.region"() ({
      %run_scoped3A = tpu.sem_alloc : memref<!tpu.dma_semaphore, #tpu.memory_space<semaphore_mem>>
      %dma_start3A = tpu.memref_slice %arg6[%mul3A_2] : memref<5120xf32, #tpu.memory_space<hbm>> -> memref<160xf32, #tpu.memory_space<hbm>>
      %dma_start3A_8 = tpu.memref_slice %arg6[%mul3A_2] : memref<5120xf32, #tpu.memory_space<hbm>> -> memref<160xf32, #tpu.memory_space<hbm>>
      tpu.enqueue_dma source(%arg11 : memref<160xf32, #tpu.memory_space<vmem>>) target(%dma_start3A_8 : memref<160xf32, #tpu.memory_space<hbm>>) target_semaphore(%run_scoped3A : memref<!tpu.dma_semaphore, #tpu.memory_space<semaphore_mem>>)
      %dma_wait3A = tpu.memref_slice %arg6[%mul3A_2] : memref<5120xf32, #tpu.memory_space<hbm>> -> memref<160xf32, #tpu.memory_space<hbm>>
      %dma_wait3A_9 = tpu.memref_slice %arg6[%mul3A_2] : memref<5120xf32, #tpu.memory_space<hbm>> -> memref<160xf32, #tpu.memory_space<hbm>>
      tpu.wait_dma2 semaphore(%run_scoped3A : memref<!tpu.dma_semaphore, #tpu.memory_space<semaphore_mem>>) src(%arg11 : memref<160xf32, #tpu.memory_space<vmem>>) dst(%dma_wait3A_9 : memref<160xf32, #tpu.memory_space<hbm>>)
      tpu.yield
    }) : () -> ()
    return
  }
}

#map = affine_map<(d0, d1) -> (0)>
#map1 = affine_map<(d0, d1) -> (0, 0)>
module attributes {stable_mosaic.version = 14 : i64} {
  func.func @_sc_body(%arg0: i32, %arg1: i32, %arg2: memref<2500xf32, #tpu.memory_space<hbm>>, %arg3: memref<2500xf32, #tpu.memory_space<hbm>>, %arg4: memref<2500xf32, #tpu.memory_space<hbm>>, %arg5: memref<5120x128xf32, #tpu.memory_space<hbm>>, %arg6: memref<5120xi32, #tpu.memory_space<hbm>>, %arg7: memref<40960xf32, #tpu.memory_space<hbm>>, %arg8: memref<30720xf32, #tpu.memory_space<hbm>>, %arg9: memref<30720xf32, #tpu.memory_space<hbm>>, %arg10: memref<163840xf32, #tpu.memory_space<hbm>>, %arg11: memref<5120xf32, #tpu.memory_space<hbm>>, %arg12: memref<2500xf32, #tpu.memory_space<vmem>>, %arg13: memref<2500xf32, #tpu.memory_space<vmem>>, %arg14: memref<2500xf32, #tpu.memory_space<vmem>>, %arg15: memref<160xi32, #tpu.memory_space<vmem>>, %arg16: memref<160x128xf32, #tpu.memory_space<vmem>>, %arg17: memref<1280xf32, #tpu.memory_space<vmem>>, %arg18: memref<960xf32, #tpu.memory_space<vmem>>, %arg19: memref<960xf32, #tpu.memory_space<vmem>>, %arg20: memref<5120xf32, #tpu.memory_space<vmem>>, %arg21: memref<160xf32, #tpu.memory_space<vmem>>, %arg22: memref<!tpu.dma_semaphore, #tpu.memory_space<semaphore_mem>>) attributes {dimension_semantics = [#tpu.dimension_semantics<core_parallel>, #tpu.dimension_semantics<subcore_parallel>], iteration_bounds = array<i64: 2, 16>, scalar_prefetch = 0 : i64, scratch_operands = 11 : i64, tpu.core_type = #tpu.core_type<sc_vector_subcore>, window_params = [{transform_indices = #map}, {transform_indices = #map}, {transform_indices = #map}, {transform_indices = #map1}, {transform_indices = #map}, {transform_indices = #map}, {transform_indices = #map}, {transform_indices = #map}, {transform_indices = #map}, {transform_indices = #map}]} {
    %mul3A = arith.constant 2 : i32
    %mul3A_0 = arith.muli %arg1, %mul3A : i32
    %add3A = arith.addi %mul3A_0, %arg0 : i32
    %mul3A_1 = arith.constant 160 : i32
    %mul3A_2 = arith.muli %add3A, %mul3A_1 : i32
    "tpu.region"() ({
      %run_scoped3A = tpu.sem_alloc : memref<!tpu.dma_semaphore, #tpu.memory_space<semaphore_mem>>
      tpu.enqueue_dma source(%arg2 : memref<2500xf32, #tpu.memory_space<hbm>>) target(%arg12 : memref<2500xf32, #tpu.memory_space<vmem>>) target_semaphore(%run_scoped3A : memref<!tpu.dma_semaphore, #tpu.memory_space<semaphore_mem>>)
      tpu.wait_dma2 semaphore(%run_scoped3A : memref<!tpu.dma_semaphore, #tpu.memory_space<semaphore_mem>>) src(%arg2 : memref<2500xf32, #tpu.memory_space<hbm>>) dst(%arg12 : memref<2500xf32, #tpu.memory_space<vmem>>)
      tpu.yield
    }) : () -> ()
    "tpu.region"() ({
      %run_scoped3A = tpu.sem_alloc : memref<!tpu.dma_semaphore, #tpu.memory_space<semaphore_mem>>
      tpu.enqueue_dma source(%arg3 : memref<2500xf32, #tpu.memory_space<hbm>>) target(%arg13 : memref<2500xf32, #tpu.memory_space<vmem>>) target_semaphore(%run_scoped3A : memref<!tpu.dma_semaphore, #tpu.memory_space<semaphore_mem>>)
      tpu.wait_dma2 semaphore(%run_scoped3A : memref<!tpu.dma_semaphore, #tpu.memory_space<semaphore_mem>>) src(%arg3 : memref<2500xf32, #tpu.memory_space<hbm>>) dst(%arg13 : memref<2500xf32, #tpu.memory_space<vmem>>)
      tpu.yield
    }) : () -> ()
    "tpu.region"() ({
      %run_scoped3A = tpu.sem_alloc : memref<!tpu.dma_semaphore, #tpu.memory_space<semaphore_mem>>
      tpu.enqueue_dma source(%arg4 : memref<2500xf32, #tpu.memory_space<hbm>>) target(%arg14 : memref<2500xf32, #tpu.memory_space<vmem>>) target_semaphore(%run_scoped3A : memref<!tpu.dma_semaphore, #tpu.memory_space<semaphore_mem>>)
      tpu.wait_dma2 semaphore(%run_scoped3A : memref<!tpu.dma_semaphore, #tpu.memory_space<semaphore_mem>>) src(%arg4 : memref<2500xf32, #tpu.memory_space<hbm>>) dst(%arg14 : memref<2500xf32, #tpu.memory_space<vmem>>)
      tpu.yield
    }) : () -> ()
    "tpu.region"() ({
      %run_scoped3A = tpu.sem_alloc : memref<!tpu.dma_semaphore, #tpu.memory_space<semaphore_mem>>
      %dma_start3A_436 = tpu.memref_slice %arg6[%mul3A_2] : memref<5120xi32, #tpu.memory_space<hbm>> -> memref<160xi32, #tpu.memory_space<hbm>>
      %dma_start3A_437 = tpu.memref_slice %arg6[%mul3A_2] : memref<5120xi32, #tpu.memory_space<hbm>> -> memref<160xi32, #tpu.memory_space<hbm>>
      tpu.enqueue_dma source(%dma_start3A_437 : memref<160xi32, #tpu.memory_space<hbm>>) target(%arg15 : memref<160xi32, #tpu.memory_space<vmem>>) target_semaphore(%run_scoped3A : memref<!tpu.dma_semaphore, #tpu.memory_space<semaphore_mem>>)
      %dma_wait3A_438 = tpu.memref_slice %arg6[%mul3A_2] : memref<5120xi32, #tpu.memory_space<hbm>> -> memref<160xi32, #tpu.memory_space<hbm>>
      %dma_wait3A_439 = tpu.memref_slice %arg6[%mul3A_2] : memref<5120xi32, #tpu.memory_space<hbm>> -> memref<160xi32, #tpu.memory_space<hbm>>
      tpu.wait_dma2 semaphore(%run_scoped3A : memref<!tpu.dma_semaphore, #tpu.memory_space<semaphore_mem>>) src(%dma_wait3A_439 : memref<160xi32, #tpu.memory_space<hbm>>) dst(%arg15 : memref<160xi32, #tpu.memory_space<vmem>>)
      tpu.yield
    }) : () -> ()
    %get3A = arith.constant 0 : index
    %get3A_3 = tpu.vector_load %arg15[%get3A] {strides = array<i32>} : memref<160xi32, #tpu.memory_space<vmem>>, vector<16xi32>,
    %dma_start3A = arith.constant 0 : i32
    %dma_start3A_4 = arith.constant 0 : i32
    %dma_start3A_5 = tpu.memref_slice %arg16[%dma_start3A, %dma_start3A_4] : memref<160x128xf32, #tpu.memory_space<vmem>> -> memref<16x128xf32, #tpu.memory_space<vmem>>
    %dma_start3A_6 = arith.constant 0 : i32
    %dma_start3A_7 = arith.constant 0 : i32
    %dma_start3A_8 = tpu.memref_slice %arg5[%dma_start3A_6, %dma_start3A_7] : memref<5120x128xf32, #tpu.memory_space<hbm>> -> memref<5120x128xf32, #tpu.memory_space<hbm>>
    tpu.enqueue_indirect_dma source(%dma_start3A_8 : memref<5120x128xf32, #tpu.memory_space<hbm>>) target(%dma_start3A_5 : memref<16x128xf32, #tpu.memory_space<vmem>>) offsets(%get3A_3 : vector<16xi32>) semaphore(%arg22 : memref<!tpu.dma_semaphore, #tpu.memory_space<semaphore_mem>>)
    %get3A_9 = arith.constant 16 : index
    %get3A_10 = tpu.vector_load %arg15[%get3A_9] {strides = array<i32>} : memref<160xi32, #tpu.memory_space<vmem>>, vector<16xi32>,
    %dma_start3A_11 = arith.constant 16 : i32
    %dma_start3A_12 = arith.constant 0 : i32
    %dma_start3A_13 = tpu.memref_slice %arg16[%dma_start3A_11, %dma_start3A_12] : memref<160x128xf32, #tpu.memory_space<vmem>> -> memref<16x128xf32, #tpu.memory_space<vmem>>
    %dma_start3A_14 = arith.constant 0 : i32
    %dma_start3A_15 = arith.constant 0 : i32
    %dma_start3A_16 = tpu.memref_slice %arg5[%dma_start3A_14, %dma_start3A_15] : memref<5120x128xf32, #tpu.memory_space<hbm>> -> memref<5120x128xf32, #tpu.memory_space<hbm>>
    tpu.enqueue_indirect_dma source(%dma_start3A_16 : memref<5120x128xf32, #tpu.memory_space<hbm>>) target(%dma_start3A_13 : memref<16x128xf32, #tpu.memory_space<vmem>>) offsets(%get3A_10 : vector<16xi32>) semaphore(%arg22 : memref<!tpu.dma_semaphore, #tpu.memory_space<semaphore_mem>>)
    %get3A_17 = arith.constant 32 : index
    %get3A_18 = tpu.vector_load %arg15[%get3A_17] {strides = array<i32>} : memref<160xi32, #tpu.memory_space<vmem>>, vector<16xi32>,
    %dma_start3A_19 = arith.constant 32 : i32
    %dma_start3A_20 = arith.constant 0 : i32
    %dma_start3A_21 = tpu.memref_slice %arg16[%dma_start3A_19, %dma_start3A_20] : memref<160x128xf32, #tpu.memory_space<vmem>> -> memref<16x128xf32, #tpu.memory_space<vmem>>
    %dma_start3A_22 = arith.constant 0 : i32
    %dma_start3A_23 = arith.constant 0 : i32
    %dma_start3A_24 = tpu.memref_slice %arg5[%dma_start3A_22, %dma_start3A_23] : memref<5120x128xf32, #tpu.memory_space<hbm>> -> memref<5120x128xf32, #tpu.memory_space<hbm>>
    tpu.enqueue_indirect_dma source(%dma_start3A_24 : memref<5120x128xf32, #tpu.memory_space<hbm>>) target(%dma_start3A_21 : memref<16x128xf32, #tpu.memory_space<vmem>>) offsets(%get3A_18 : vector<16xi32>) semaphore(%arg22 : memref<!tpu.dma_semaphore, #tpu.memory_space<semaphore_mem>>)
    %get3A_25 = arith.constant 48 : index
    %get3A_26 = tpu.vector_load %arg15[%get3A_25] {strides = array<i32>} : memref<160xi32, #tpu.memory_space<vmem>>, vector<16xi32>,
    %dma_start3A_27 = arith.constant 48 : i32
    %dma_start3A_28 = arith.constant 0 : i32
    %dma_start3A_29 = tpu.memref_slice %arg16[%dma_start3A_27, %dma_start3A_28] : memref<160x128xf32, #tpu.memory_space<vmem>> -> memref<16x128xf32, #tpu.memory_space<vmem>>
    %dma_start3A_30 = arith.constant 0 : i32
    %dma_start3A_31 = arith.constant 0 : i32
    %dma_start3A_32 = tpu.memref_slice %arg5[%dma_start3A_30, %dma_start3A_31] : memref<5120x128xf32, #tpu.memory_space<hbm>> -> memref<5120x128xf32, #tpu.memory_space<hbm>>
    tpu.enqueue_indirect_dma source(%dma_start3A_32 : memref<5120x128xf32, #tpu.memory_space<hbm>>) target(%dma_start3A_29 : memref<16x128xf32, #tpu.memory_space<vmem>>) offsets(%get3A_26 : vector<16xi32>) semaphore(%arg22 : memref<!tpu.dma_semaphore, #tpu.memory_space<semaphore_mem>>)
    %get3A_33 = arith.constant 64 : index
    %get3A_34 = tpu.vector_load %arg15[%get3A_33] {strides = array<i32>} : memref<160xi32, #tpu.memory_space<vmem>>, vector<16xi32>,
    %dma_start3A_35 = arith.constant 64 : i32
    %dma_start3A_36 = arith.constant 0 : i32
    %dma_start3A_37 = tpu.memref_slice %arg16[%dma_start3A_35, %dma_start3A_36] : memref<160x128xf32, #tpu.memory_space<vmem>> -> memref<16x128xf32, #tpu.memory_space<vmem>>
    %dma_start3A_38 = arith.constant 0 : i32
    %dma_start3A_39 = arith.constant 0 : i32
    %dma_start3A_40 = tpu.memref_slice %arg5[%dma_start3A_38, %dma_start3A_39] : memref<5120x128xf32, #tpu.memory_space<hbm>> -> memref<5120x128xf32, #tpu.memory_space<hbm>>
    tpu.enqueue_indirect_dma source(%dma_start3A_40 : memref<5120x128xf32, #tpu.memory_space<hbm>>) target(%dma_start3A_37 : memref<16x128xf32, #tpu.memory_space<vmem>>) offsets(%get3A_34 : vector<16xi32>) semaphore(%arg22 : memref<!tpu.dma_semaphore, #tpu.memory_space<semaphore_mem>>)
    %get3A_41 = arith.constant 80 : index
    %get3A_42 = tpu.vector_load %arg15[%get3A_41] {strides = array<i32>} : memref<160xi32, #tpu.memory_space<vmem>>, vector<16xi32>,
    %dma_start3A_43 = arith.constant 80 : i32
    %dma_start3A_44 = arith.constant 0 : i32
    %dma_start3A_45 = tpu.memref_slice %arg16[%dma_start3A_43, %dma_start3A_44] : memref<160x128xf32, #tpu.memory_space<vmem>> -> memref<16x128xf32, #tpu.memory_space<vmem>>
    %dma_start3A_46 = arith.constant 0 : i32
    %dma_start3A_47 = arith.constant 0 : i32
    %dma_start3A_48 = tpu.memref_slice %arg5[%dma_start3A_46, %dma_start3A_47] : memref<5120x128xf32, #tpu.memory_space<hbm>> -> memref<5120x128xf32, #tpu.memory_space<hbm>>
    tpu.enqueue_indirect_dma source(%dma_start3A_48 : memref<5120x128xf32, #tpu.memory_space<hbm>>) target(%dma_start3A_45 : memref<16x128xf32, #tpu.memory_space<vmem>>) offsets(%get3A_42 : vector<16xi32>) semaphore(%arg22 : memref<!tpu.dma_semaphore, #tpu.memory_space<semaphore_mem>>)
    %get3A_49 = arith.constant 96 : index
    %get3A_50 = tpu.vector_load %arg15[%get3A_49] {strides = array<i32>} : memref<160xi32, #tpu.memory_space<vmem>>, vector<16xi32>,
    %dma_start3A_51 = arith.constant 96 : i32
    %dma_start3A_52 = arith.constant 0 : i32
    %dma_start3A_53 = tpu.memref_slice %arg16[%dma_start3A_51, %dma_start3A_52] : memref<160x128xf32, #tpu.memory_space<vmem>> -> memref<16x128xf32, #tpu.memory_space<vmem>>
    %dma_start3A_54 = arith.constant 0 : i32
    %dma_start3A_55 = arith.constant 0 : i32
    %dma_start3A_56 = tpu.memref_slice %arg5[%dma_start3A_54, %dma_start3A_55] : memref<5120x128xf32, #tpu.memory_space<hbm>> -> memref<5120x128xf32, #tpu.memory_space<hbm>>
    tpu.enqueue_indirect_dma source(%dma_start3A_56 : memref<5120x128xf32, #tpu.memory_space<hbm>>) target(%dma_start3A_53 : memref<16x128xf32, #tpu.memory_space<vmem>>) offsets(%get3A_50 : vector<16xi32>) semaphore(%arg22 : memref<!tpu.dma_semaphore, #tpu.memory_space<semaphore_mem>>)
    %get3A_57 = arith.constant 112 : index
    %get3A_58 = tpu.vector_load %arg15[%get3A_57] {strides = array<i32>} : memref<160xi32, #tpu.memory_space<vmem>>, vector<16xi32>,
    %dma_start3A_59 = arith.constant 112 : i32
    %dma_start3A_60 = arith.constant 0 : i32
    %dma_start3A_61 = tpu.memref_slice %arg16[%dma_start3A_59, %dma_start3A_60] : memref<160x128xf32, #tpu.memory_space<vmem>> -> memref<16x128xf32, #tpu.memory_space<vmem>>
    %dma_start3A_62 = arith.constant 0 : i32
    %dma_start3A_63 = arith.constant 0 : i32
    %dma_start3A_64 = tpu.memref_slice %arg5[%dma_start3A_62, %dma_start3A_63] : memref<5120x128xf32, #tpu.memory_space<hbm>> -> memref<5120x128xf32, #tpu.memory_space<hbm>>
    tpu.enqueue_indirect_dma source(%dma_start3A_64 : memref<5120x128xf32, #tpu.memory_space<hbm>>) target(%dma_start3A_61 : memref<16x128xf32, #tpu.memory_space<vmem>>) offsets(%get3A_58 : vector<16xi32>) semaphore(%arg22 : memref<!tpu.dma_semaphore, #tpu.memory_space<semaphore_mem>>)
    %get3A_65 = arith.constant 128 : index
    %get3A_66 = tpu.vector_load %arg15[%get3A_65] {strides = array<i32>} : memref<160xi32, #tpu.memory_space<vmem>>, vector<16xi32>,
    %dma_start3A_67 = arith.constant 128 : i32
    %dma_start3A_68 = arith.constant 0 : i32
    %dma_start3A_69 = tpu.memref_slice %arg16[%dma_start3A_67, %dma_start3A_68] : memref<160x128xf32, #tpu.memory_space<vmem>> -> memref<16x128xf32, #tpu.memory_space<vmem>>
    %dma_start3A_70 = arith.constant 0 : i32
    %dma_start3A_71 = arith.constant 0 : i32
    %dma_start3A_72 = tpu.memref_slice %arg5[%dma_start3A_70, %dma_start3A_71] : memref<5120x128xf32, #tpu.memory_space<hbm>> -> memref<5120x128xf32, #tpu.memory_space<hbm>>
    tpu.enqueue_indirect_dma source(%dma_start3A_72 : memref<5120x128xf32, #tpu.memory_space<hbm>>) target(%dma_start3A_69 : memref<16x128xf32, #tpu.memory_space<vmem>>) offsets(%get3A_66 : vector<16xi32>) semaphore(%arg22 : memref<!tpu.dma_semaphore, #tpu.memory_space<semaphore_mem>>)
    %get3A_73 = arith.constant 144 : index
    %get3A_74 = tpu.vector_load %arg15[%get3A_73] {strides = array<i32>} : memref<160xi32, #tpu.memory_space<vmem>>, vector<16xi32>,
    %dma_start3A_75 = arith.constant 144 : i32
    %dma_start3A_76 = arith.constant 0 : i32
    %dma_start3A_77 = tpu.memref_slice %arg16[%dma_start3A_75, %dma_start3A_76] : memref<160x128xf32, #tpu.memory_space<vmem>> -> memref<16x128xf32, #tpu.memory_space<vmem>>
    %dma_start3A_78 = arith.constant 0 : i32
    %dma_start3A_79 = arith.constant 0 : i32
    %dma_start3A_80 = tpu.memref_slice %arg5[%dma_start3A_78, %dma_start3A_79] : memref<5120x128xf32, #tpu.memory_space<hbm>> -> memref<5120x128xf32, #tpu.memory_space<hbm>>
    tpu.enqueue_indirect_dma source(%dma_start3A_80 : memref<5120x128xf32, #tpu.memory_space<hbm>>) target(%dma_start3A_77 : memref<16x128xf32, #tpu.memory_space<vmem>>) offsets(%get3A_74 : vector<16xi32>) semaphore(%arg22 : memref<!tpu.dma_semaphore, #tpu.memory_space<semaphore_mem>>)
    %dma_wait3A = arith.constant 0 : i32
    %dma_wait3A_81 = arith.constant 0 : i32
    %dma_wait3A_82 = tpu.memref_slice %arg16[%dma_wait3A, %dma_wait3A_81] : memref<160x128xf32, #tpu.memory_space<vmem>> -> memref<16x128xf32, #tpu.memory_space<vmem>>
    %dma_wait3A_83 = arith.constant 0 : i32
    %dma_wait3A_84 = arith.constant 0 : i32
    %dma_wait3A_85 = tpu.memref_slice %arg5[%dma_wait3A_83, %dma_wait3A_84] : memref<5120x128xf32, #tpu.memory_space<hbm>> -> memref<5120x128xf32, #tpu.memory_space<hbm>>
    tpu.wait_indirect_dma semaphore(%arg22 : memref<!tpu.dma_semaphore, #tpu.memory_space<semaphore_mem>>) src(%dma_wait3A_85 : memref<5120x128xf32, #tpu.memory_space<hbm>>) dst(%dma_wait3A_82 : memref<16x128xf32, #tpu.memory_space<vmem>>)
    %dma_wait3A_86 = arith.constant 16 : i32
    %dma_wait3A_87 = arith.constant 0 : i32
    %dma_wait3A_88 = tpu.memref_slice %arg16[%dma_wait3A_86, %dma_wait3A_87] : memref<160x128xf32, #tpu.memory_space<vmem>> -> memref<16x128xf32, #tpu.memory_space<vmem>>
    %dma_wait3A_89 = arith.constant 0 : i32
    %dma_wait3A_90 = arith.constant 0 : i32
    %dma_wait3A_91 = tpu.memref_slice %arg5[%dma_wait3A_89, %dma_wait3A_90] : memref<5120x128xf32, #tpu.memory_space<hbm>> -> memref<5120x128xf32, #tpu.memory_space<hbm>>
    tpu.wait_indirect_dma semaphore(%arg22 : memref<!tpu.dma_semaphore, #tpu.memory_space<semaphore_mem>>) src(%dma_wait3A_91 : memref<5120x128xf32, #tpu.memory_space<hbm>>) dst(%dma_wait3A_88 : memref<16x128xf32, #tpu.memory_space<vmem>>)
    %dma_wait3A_92 = arith.constant 32 : i32
    %dma_wait3A_93 = arith.constant 0 : i32
    %dma_wait3A_94 = tpu.memref_slice %arg16[%dma_wait3A_92, %dma_wait3A_93] : memref<160x128xf32, #tpu.memory_space<vmem>> -> memref<16x128xf32, #tpu.memory_space<vmem>>
    %dma_wait3A_95 = arith.constant 0 : i32
    %dma_wait3A_96 = arith.constant 0 : i32
    %dma_wait3A_97 = tpu.memref_slice %arg5[%dma_wait3A_95, %dma_wait3A_96] : memref<5120x128xf32, #tpu.memory_space<hbm>> -> memref<5120x128xf32, #tpu.memory_space<hbm>>
    tpu.wait_indirect_dma semaphore(%arg22 : memref<!tpu.dma_semaphore, #tpu.memory_space<semaphore_mem>>) src(%dma_wait3A_97 : memref<5120x128xf32, #tpu.memory_space<hbm>>) dst(%dma_wait3A_94 : memref<16x128xf32, #tpu.memory_space<vmem>>)
    %dma_wait3A_98 = arith.constant 48 : i32
    %dma_wait3A_99 = arith.constant 0 : i32
    %dma_wait3A_100 = tpu.memref_slice %arg16[%dma_wait3A_98, %dma_wait3A_99] : memref<160x128xf32, #tpu.memory_space<vmem>> -> memref<16x128xf32, #tpu.memory_space<vmem>>
    %dma_wait3A_101 = arith.constant 0 : i32
    %dma_wait3A_102 = arith.constant 0 : i32
    %dma_wait3A_103 = tpu.memref_slice %arg5[%dma_wait3A_101, %dma_wait3A_102] : memref<5120x128xf32, #tpu.memory_space<hbm>> -> memref<5120x128xf32, #tpu.memory_space<hbm>>
    tpu.wait_indirect_dma semaphore(%arg22 : memref<!tpu.dma_semaphore, #tpu.memory_space<semaphore_mem>>) src(%dma_wait3A_103 : memref<5120x128xf32, #tpu.memory_space<hbm>>) dst(%dma_wait3A_100 : memref<16x128xf32, #tpu.memory_space<vmem>>)
    %dma_wait3A_104 = arith.constant 64 : i32
    %dma_wait3A_105 = arith.constant 0 : i32
    %dma_wait3A_106 = tpu.memref_slice %arg16[%dma_wait3A_104, %dma_wait3A_105] : memref<160x128xf32, #tpu.memory_space<vmem>> -> memref<16x128xf32, #tpu.memory_space<vmem>>
    %dma_wait3A_107 = arith.constant 0 : i32
    %dma_wait3A_108 = arith.constant 0 : i32
    %dma_wait3A_109 = tpu.memref_slice %arg5[%dma_wait3A_107, %dma_wait3A_108] : memref<5120x128xf32, #tpu.memory_space<hbm>> -> memref<5120x128xf32, #tpu.memory_space<hbm>>
    tpu.wait_indirect_dma semaphore(%arg22 : memref<!tpu.dma_semaphore, #tpu.memory_space<semaphore_mem>>) src(%dma_wait3A_109 : memref<5120x128xf32, #tpu.memory_space<hbm>>) dst(%dma_wait3A_106 : memref<16x128xf32, #tpu.memory_space<vmem>>)
    %dma_wait3A_110 = arith.constant 80 : i32
    %dma_wait3A_111 = arith.constant 0 : i32
    %dma_wait3A_112 = tpu.memref_slice %arg16[%dma_wait3A_110, %dma_wait3A_111] : memref<160x128xf32, #tpu.memory_space<vmem>> -> memref<16x128xf32, #tpu.memory_space<vmem>>
    %dma_wait3A_113 = arith.constant 0 : i32
    %dma_wait3A_114 = arith.constant 0 : i32
    %dma_wait3A_115 = tpu.memref_slice %arg5[%dma_wait3A_113, %dma_wait3A_114] : memref<5120x128xf32, #tpu.memory_space<hbm>> -> memref<5120x128xf32, #tpu.memory_space<hbm>>
    tpu.wait_indirect_dma semaphore(%arg22 : memref<!tpu.dma_semaphore, #tpu.memory_space<semaphore_mem>>) src(%dma_wait3A_115 : memref<5120x128xf32, #tpu.memory_space<hbm>>) dst(%dma_wait3A_112 : memref<16x128xf32, #tpu.memory_space<vmem>>)
    %dma_wait3A_116 = arith.constant 96 : i32
    %dma_wait3A_117 = arith.constant 0 : i32
    %dma_wait3A_118 = tpu.memref_slice %arg16[%dma_wait3A_116, %dma_wait3A_117] : memref<160x128xf32, #tpu.memory_space<vmem>> -> memref<16x128xf32, #tpu.memory_space<vmem>>
    %dma_wait3A_119 = arith.constant 0 : i32
    %dma_wait3A_120 = arith.constant 0 : i32
    %dma_wait3A_121 = tpu.memref_slice %arg5[%dma_wait3A_119, %dma_wait3A_120] : memref<5120x128xf32, #tpu.memory_space<hbm>> -> memref<5120x128xf32, #tpu.memory_space<hbm>>
    tpu.wait_indirect_dma semaphore(%arg22 : memref<!tpu.dma_semaphore, #tpu.memory_space<semaphore_mem>>) src(%dma_wait3A_121 : memref<5120x128xf32, #tpu.memory_space<hbm>>) dst(%dma_wait3A_118 : memref<16x128xf32, #tpu.memory_space<vmem>>)
    %dma_wait3A_122 = arith.constant 112 : i32
    %dma_wait3A_123 = arith.constant 0 : i32
    %dma_wait3A_124 = tpu.memref_slice %arg16[%dma_wait3A_122, %dma_wait3A_123] : memref<160x128xf32, #tpu.memory_space<vmem>> -> memref<16x128xf32, #tpu.memory_space<vmem>>
    %dma_wait3A_125 = arith.constant 0 : i32
    %dma_wait3A_126 = arith.constant 0 : i32
    %dma_wait3A_127 = tpu.memref_slice %arg5[%dma_wait3A_125, %dma_wait3A_126] : memref<5120x128xf32, #tpu.memory_space<hbm>> -> memref<5120x128xf32, #tpu.memory_space<hbm>>
    tpu.wait_indirect_dma semaphore(%arg22 : memref<!tpu.dma_semaphore, #tpu.memory_space<semaphore_mem>>) src(%dma_wait3A_127 : memref<5120x128xf32, #tpu.memory_space<hbm>>) dst(%dma_wait3A_124 : memref<16x128xf32, #tpu.memory_space<vmem>>)
    %dma_wait3A_128 = arith.constant 128 : i32
    %dma_wait3A_129 = arith.constant 0 : i32
    %dma_wait3A_130 = tpu.memref_slice %arg16[%dma_wait3A_128, %dma_wait3A_129] : memref<160x128xf32, #tpu.memory_space<vmem>> -> memref<16x128xf32, #tpu.memory_space<vmem>>
    %dma_wait3A_131 = arith.constant 0 : i32
    %dma_wait3A_132 = arith.constant 0 : i32
    %dma_wait3A_133 = tpu.memref_slice %arg5[%dma_wait3A_131, %dma_wait3A_132] : memref<5120x128xf32, #tpu.memory_space<hbm>> -> memref<5120x128xf32, #tpu.memory_space<hbm>>
    tpu.wait_indirect_dma semaphore(%arg22 : memref<!tpu.dma_semaphore, #tpu.memory_space<semaphore_mem>>) src(%dma_wait3A_133 : memref<5120x128xf32, #tpu.memory_space<hbm>>) dst(%dma_wait3A_130 : memref<16x128xf32, #tpu.memory_space<vmem>>)
    %dma_wait3A_134 = arith.constant 144 : i32
    %dma_wait3A_135 = arith.constant 0 : i32
    %dma_wait3A_136 = tpu.memref_slice %arg16[%dma_wait3A_134, %dma_wait3A_135] : memref<160x128xf32, #tpu.memory_space<vmem>> -> memref<16x128xf32, #tpu.memory_space<vmem>>
    %dma_wait3A_137 = arith.constant 0 : i32
    %dma_wait3A_138 = arith.constant 0 : i32
    %dma_wait3A_139 = tpu.memref_slice %arg5[%dma_wait3A_137, %dma_wait3A_138] : memref<5120x128xf32, #tpu.memory_space<hbm>> -> memref<5120x128xf32, #tpu.memory_space<hbm>>
    tpu.wait_indirect_dma semaphore(%arg22 : memref<!tpu.dma_semaphore, #tpu.memory_space<semaphore_mem>>) src(%dma_wait3A_139 : memref<5120x128xf32, #tpu.memory_space<hbm>>) dst(%dma_wait3A_136 : memref<16x128xf32, #tpu.memory_space<vmem>>)
    %broadcast_in_dim3A = arith.constant 1.000000e+00 : f32
    %broadcast_in_dim3A_140 = vector.broadcast %broadcast_in_dim3A : f32 to vector<16xf32>
    %scan3A = arith.constant 0.333333343 : f32
    %scan3A_141 = arith.constant 0 : i32
    %scan3A_142 = arith.constant 10 : i32
    %scan3A_143 = arith.addi %scan3A_141, %scan3A_142 : i32
    %scan3A_144 = arith.constant 1 : i32
    scf.for %scan3A_436 = %scan3A_141 to %scan3A_143 step %scan3A_144  : i32 {
      %mul3A_437 = arith.constant 16 : i32
      %mul3A_438 = arith.muli %scan3A_436, %mul3A_437 : i32
      %iota3A = tpu.iota {dimensions = array<i32: 0>} : vector<16xi32>
      %add3A_439 = vector.broadcast %mul3A_438 : i32 to vector<16xi32>
      %add3A_440 = arith.addi %add3A_439, %iota3A : vector<16xi32>
      %get3A_441 = arith.index_cast %mul3A_438 : i32 to index
      %get3A_442 = tpu.vector_load %arg15[%get3A_441] {strides = array<i32>} : memref<160xi32, #tpu.memory_space<vmem>>, vector<16xi32>,
      %broadcast_in_dim3A_443 = arith.constant 30 : i32
      %broadcast_in_dim3A_444 = vector.broadcast %broadcast_in_dim3A_443 : i32 to vector<16xi32>
      %gather3A = tpu.vector_load_idx %arg16[%add3A_440, %broadcast_in_dim3A_444] : memref<160x128xf32, #tpu.memory_space<vmem>>[vector<16xi32>, vector<16xi32>], vector<16xf32>,
      %bitcast3A = vector.bitcast %gather3A : vector<16xf32> to vector<16xi32>
      %add3A_445 = arith.constant 1 : i32
      %add3A_446 = vector.broadcast %add3A_445 : i32 to vector<16xi32>
      %add3A_447 = arith.addi %broadcast_in_dim3A_444, %add3A_446 : vector<16xi32>
      %gather3A_448 = tpu.vector_load_idx %arg16[%add3A_440, %add3A_447] : memref<160x128xf32, #tpu.memory_space<vmem>>[vector<16xi32>, vector<16xi32>], vector<16xf32>,
      %bitcast3A_449 = vector.bitcast %gather3A_448 : vector<16xf32> to vector<16xi32>
      %add3A_450 = arith.constant 2 : i32
      %add3A_451 = vector.broadcast %add3A_450 : i32 to vector<16xi32>
      %add3A_452 = arith.addi %broadcast_in_dim3A_444, %add3A_451 : vector<16xi32>
      %gather3A_453 = tpu.vector_load_idx %arg16[%add3A_440, %add3A_452] : memref<160x128xf32, #tpu.memory_space<vmem>>[vector<16xi32>, vector<16xi32>], vector<16xf32>,
      %bitcast3A_454 = vector.bitcast %gather3A_453 : vector<16xf32> to vector<16xi32>
      %add3A_455 = arith.constant 3 : i32
      %add3A_456 = vector.broadcast %add3A_455 : i32 to vector<16xi32>
      %add3A_457 = arith.addi %broadcast_in_dim3A_444, %add3A_456 : vector<16xi32>
      %gather3A_458 = tpu.vector_load_idx %arg16[%add3A_440, %add3A_457] : memref<160x128xf32, #tpu.memory_space<vmem>>[vector<16xi32>, vector<16xi32>], vector<16xf32>,
      %gather3A_459 = tpu.vector_load_idx %arg12[%bitcast3A] : memref<2500xf32, #tpu.memory_space<vmem>>[vector<16xi32>], vector<16xf32>,
      %gather3A_460 = tpu.vector_load_idx %arg13[%bitcast3A] : memref<2500xf32, #tpu.memory_space<vmem>>[vector<16xi32>], vector<16xf32>,
      %gather3A_461 = tpu.vector_load_idx %arg14[%bitcast3A] : memref<2500xf32, #tpu.memory_space<vmem>>[vector<16xi32>], vector<16xf32>,
      %gather3A_462 = tpu.vector_load_idx %arg12[%bitcast3A_449] : memref<2500xf32, #tpu.memory_space<vmem>>[vector<16xi32>], vector<16xf32>,
      %gather3A_463 = tpu.vector_load_idx %arg13[%bitcast3A_449] : memref<2500xf32, #tpu.memory_space<vmem>>[vector<16xi32>], vector<16xf32>,
      %gather3A_464 = tpu.vector_load_idx %arg14[%bitcast3A_449] : memref<2500xf32, #tpu.memory_space<vmem>>[vector<16xi32>], vector<16xf32>,
      %gather3A_465 = tpu.vector_load_idx %arg12[%bitcast3A_454] : memref<2500xf32, #tpu.memory_space<vmem>>[vector<16xi32>], vector<16xf32>,
      %gather3A_466 = tpu.vector_load_idx %arg13[%bitcast3A_454] : memref<2500xf32, #tpu.memory_space<vmem>>[vector<16xi32>], vector<16xf32>,
      %gather3A_467 = tpu.vector_load_idx %arg14[%bitcast3A_454] : memref<2500xf32, #tpu.memory_space<vmem>>[vector<16xi32>], vector<16xf32>,
      %sub3A = arith.subf %gather3A_462, %gather3A_459 : vector<16xf32>
      %sub3A_468 = arith.subf %gather3A_463, %gather3A_460 : vector<16xf32>
      %sub3A_469 = arith.subf %gather3A_464, %gather3A_461 : vector<16xf32>
      %sub3A_470 = arith.subf %gather3A_465, %gather3A_459 : vector<16xf32>
      %sub3A_471 = arith.subf %gather3A_466, %gather3A_460 : vector<16xf32>
      %sub3A_472 = arith.subf %gather3A_467, %gather3A_461 : vector<16xf32>
      %mul3A_473 = arith.mulf %sub3A, %sub3A : vector<16xf32>
      %mul3A_474 = arith.mulf %sub3A_468, %sub3A_468 : vector<16xf32>
      %add3A_475 = arith.addf %mul3A_473, %mul3A_474 : vector<16xf32>
      %mul3A_476 = arith.mulf %sub3A_469, %sub3A_469 : vector<16xf32>
      %add3A_477 = arith.addf %add3A_475, %mul3A_476 : vector<16xf32>
      %mul3A_478 = arith.mulf %sub3A, %sub3A_470 : vector<16xf32>
      %mul3A_479 = arith.mulf %sub3A_468, %sub3A_471 : vector<16xf32>
      %add3A_480 = arith.addf %mul3A_478, %mul3A_479 : vector<16xf32>
      %mul3A_481 = arith.mulf %sub3A_469, %sub3A_472 : vector<16xf32>
      %add3A_482 = arith.addf %add3A_480, %mul3A_481 : vector<16xf32>
      %mul3A_483 = arith.mulf %sub3A_470, %sub3A_470 : vector<16xf32>
      %mul3A_484 = arith.mulf %sub3A_471, %sub3A_471 : vector<16xf32>
      %add3A_485 = arith.addf %mul3A_483, %mul3A_484 : vector<16xf32>
      %mul3A_486 = arith.mulf %sub3A_472, %sub3A_472 : vector<16xf32>
      %add3A_487 = arith.addf %add3A_485, %mul3A_486 : vector<16xf32>
      %mul3A_488 = arith.mulf %add3A_477, %add3A_487 : vector<16xf32>
      %mul3A_489 = arith.mulf %add3A_482, %add3A_482 : vector<16xf32>
      %sub3A_490 = arith.subf %mul3A_488, %mul3A_489 : vector<16xf32>
      %mul3A_491 = arith.mulf %gather3A_459, %sub3A : vector<16xf32>
      %mul3A_492 = arith.mulf %gather3A_460, %sub3A_468 : vector<16xf32>
      %add3A_493 = arith.addf %mul3A_491, %mul3A_492 : vector<16xf32>
      %mul3A_494 = arith.mulf %gather3A_461, %sub3A_469 : vector<16xf32>
      %add3A_495 = arith.addf %add3A_493, %mul3A_494 : vector<16xf32>
      %mul3A_496 = arith.mulf %gather3A_459, %sub3A_470 : vector<16xf32>
      %mul3A_497 = arith.mulf %gather3A_460, %sub3A_471 : vector<16xf32>
      %add3A_498 = arith.addf %mul3A_496, %mul3A_497 : vector<16xf32>
      %mul3A_499 = arith.mulf %gather3A_461, %sub3A_472 : vector<16xf32>
      %add3A_500 = arith.addf %add3A_498, %mul3A_499 : vector<16xf32>
      %gt3A = arith.constant 0.000000e+00 : f32
      %gt3A_501 = vector.broadcast %gt3A : f32 to vector<16xf32>
      %gt3A_502 = arith.cmpf ogt, %sub3A_490, %gt3A_501 : vector<16xf32>
      %jit3A = arith.constant 1.000000e+00 : f32
      %jit3A_503 = arith.constant -1.000000e+00 : f32
      %broadcast_in_dim3A_504 = vector.broadcast %jit3A : f32 to vector<16xf32>
      %broadcast_in_dim3A_505 = vector.broadcast %jit3A_503 : f32 to vector<16xf32>
      %select_n3A = arith.select %gt3A_502, %broadcast_in_dim3A_504, %broadcast_in_dim3A_505 : vector<16xi1>, vector<16xf32>
      %ne3A = arith.constant 0.000000e+00 : f32
      %ne3A_506 = vector.broadcast %ne3A : f32 to vector<16xf32>
      %ne3A_507 = arith.cmpf one, %sub3A_490, %ne3A_506 : vector<16xf32>
      %mul3A_508 = arith.mulf %select_n3A, %add3A_477 : vector<16xf32>
      %mul3A_509 = arith.mulf %select_n3A, %add3A_482 : vector<16xf32>
      %mul3A_510 = arith.mulf %select_n3A, %add3A_487 : vector<16xf32>
      %mul3A_511 = arith.mulf %mul3A_510, %sub3A : vector<16xf32>
      %mul3A_512 = arith.mulf %mul3A_509, %sub3A_470 : vector<16xf32>
      %sub3A_513 = arith.subf %mul3A_511, %mul3A_512 : vector<16xf32>
      %mul3A_514 = arith.mulf %mul3A_510, %sub3A_468 : vector<16xf32>
      %mul3A_515 = arith.mulf %mul3A_509, %sub3A_471 : vector<16xf32>
      %sub3A_516 = arith.subf %mul3A_514, %mul3A_515 : vector<16xf32>
      %mul3A_517 = arith.mulf %mul3A_510, %sub3A_469 : vector<16xf32>
      %mul3A_518 = arith.mulf %mul3A_509, %sub3A_472 : vector<16xf32>
      %sub3A_519 = arith.subf %mul3A_517, %mul3A_518 : vector<16xf32>
      %mul3A_520 = arith.mulf %mul3A_509, %add3A_500 : vector<16xf32>
      %mul3A_521 = arith.mulf %mul3A_510, %add3A_495 : vector<16xf32>
      %sub3A_522 = arith.subf %mul3A_520, %mul3A_521 : vector<16xf32>
      %mul3A_523 = arith.mulf %mul3A_508, %sub3A_470 : vector<16xf32>
      %mul3A_524 = arith.mulf %mul3A_509, %sub3A : vector<16xf32>
      %sub3A_525 = arith.subf %mul3A_523, %mul3A_524 : vector<16xf32>
      %mul3A_526 = arith.mulf %mul3A_508, %sub3A_471 : vector<16xf32>
      %mul3A_527 = arith.mulf %mul3A_509, %sub3A_468 : vector<16xf32>
      %sub3A_528 = arith.subf %mul3A_526, %mul3A_527 : vector<16xf32>
      %mul3A_529 = arith.mulf %mul3A_508, %sub3A_472 : vector<16xf32>
      %mul3A_530 = arith.mulf %mul3A_509, %sub3A_469 : vector<16xf32>
      %sub3A_531 = arith.subf %mul3A_529, %mul3A_530 : vector<16xf32>
      %mul3A_532 = arith.mulf %mul3A_509, %add3A_495 : vector<16xf32>
      %mul3A_533 = arith.mulf %mul3A_508, %add3A_500 : vector<16xf32>
      %sub3A_534 = arith.subf %mul3A_532, %mul3A_533 : vector<16xf32>
      %mul3A_535 = arith.mulf %select_n3A, %sub3A_490 : vector<16xf32>
      %jit3A_536 = arith.constant -1.000000e+00 : f32
      %broadcast_in_dim3A_537 = vector.broadcast %jit3A_536 : f32 to vector<16xf32>
      %select_n3A_538 = arith.select %ne3A_507, %mul3A_535, %broadcast_in_dim3A_537 : vector<16xi1>, vector<16xf32>
      %add3A_539 = arith.addf %gather3A_459, %gather3A_462 : vector<16xf32>
      %add3A_540 = arith.addf %add3A_539, %gather3A_465 : vector<16xf32>
      %mul3A_541 = vector.broadcast %scan3A : f32 to vector<16xf32>
      %mul3A_542 = arith.mulf %add3A_540, %mul3A_541 : vector<16xf32>
      %add3A_543 = arith.addf %gather3A_460, %gather3A_463 : vector<16xf32>
      %add3A_544 = arith.addf %add3A_543, %gather3A_466 : vector<16xf32>
      %mul3A_545 = vector.broadcast %scan3A : f32 to vector<16xf32>
      %mul3A_546 = arith.mulf %add3A_544, %mul3A_545 : vector<16xf32>
      %add3A_547 = arith.addf %gather3A_461, %gather3A_464 : vector<16xf32>
      %add3A_548 = arith.addf %add3A_547, %gather3A_467 : vector<16xf32>
      %mul3A_549 = vector.broadcast %scan3A : f32 to vector<16xf32>
      %mul3A_550 = arith.mulf %add3A_548, %mul3A_549 : vector<16xf32>
      %mul3A_551 = arith.mulf %mul3A_542, %mul3A_542 : vector<16xf32>
      %mul3A_552 = arith.mulf %mul3A_546, %mul3A_546 : vector<16xf32>
      %add3A_553 = arith.addf %mul3A_551, %mul3A_552 : vector<16xf32>
      %mul3A_554 = arith.mulf %mul3A_550, %mul3A_550 : vector<16xf32>
      %add3A_555 = arith.addf %add3A_553, %mul3A_554 : vector<16xf32>
      %lt3A = arith.constant 5000 : i32
      %lt3A_556 = vector.broadcast %lt3A : i32 to vector<16xi32>
      %lt3A_557 = arith.cmpi slt, %get3A_442, %lt3A_556 : vector<16xi32>
      %jit3A_558 = arith.constant 1.000000e+09 : f32
      %broadcast_in_dim3A_559 = vector.broadcast %jit3A_558 : f32 to vector<16xf32>
      %select_n3A_560 = arith.select %lt3A_557, %add3A_555, %broadcast_in_dim3A_559 : vector<16xi1>, vector<16xf32>
      %add3A_561 = arith.constant 0 : i32
      %add3A_562 = arith.addi %add3A_561, %mul3A_438 : i32
      %swap3A = arith.index_cast %add3A_562 : i32 to index
      %swap3A_563 = tpu.vector_load %arg17[%swap3A] {strides = array<i32>} : memref<1280xf32, #tpu.memory_space<vmem>>, vector<16xf32>,
      tpu.vector_store %arg17[%swap3A], %sub3A_513 {strides = array<i32>} : memref<1280xf32, #tpu.memory_space<vmem>>, vector<16xf32>,
      %add3A_564 = arith.constant 160 : i32
      %add3A_565 = arith.addi %add3A_564, %mul3A_438 : i32
      %swap3A_566 = arith.index_cast %add3A_565 : i32 to index
      %swap3A_567 = tpu.vector_load %arg17[%swap3A_566] {strides = array<i32>} : memref<1280xf32, #tpu.memory_space<vmem>>, vector<16xf32>,
      tpu.vector_store %arg17[%swap3A_566], %sub3A_516 {strides = array<i32>} : memref<1280xf32, #tpu.memory_space<vmem>>, vector<16xf32>,
      %add3A_568 = arith.constant 320 : i32
      %add3A_569 = arith.addi %add3A_568, %mul3A_438 : i32
      %swap3A_570 = arith.index_cast %add3A_569 : i32 to index
      %swap3A_571 = tpu.vector_load %arg17[%swap3A_570] {strides = array<i32>} : memref<1280xf32, #tpu.memory_space<vmem>>, vector<16xf32>,
      tpu.vector_store %arg17[%swap3A_570], %sub3A_519 {strides = array<i32>} : memref<1280xf32, #tpu.memory_space<vmem>>, vector<16xf32>,
      %add3A_572 = arith.constant 480 : i32
      %add3A_573 = arith.addi %add3A_572, %mul3A_438 : i32
      %swap3A_574 = arith.index_cast %add3A_573 : i32 to index
      %swap3A_575 = tpu.vector_load %arg17[%swap3A_574] {strides = array<i32>} : memref<1280xf32, #tpu.memory_space<vmem>>, vector<16xf32>,
      tpu.vector_store %arg17[%swap3A_574], %sub3A_522 {strides = array<i32>} : memref<1280xf32, #tpu.memory_space<vmem>>, vector<16xf32>,
      %add3A_576 = arith.constant 640 : i32
      %add3A_577 = arith.addi %add3A_576, %mul3A_438 : i32
      %swap3A_578 = arith.index_cast %add3A_577 : i32 to index
      %swap3A_579 = tpu.vector_load %arg17[%swap3A_578] {strides = array<i32>} : memref<1280xf32, #tpu.memory_space<vmem>>, vector<16xf32>,
      tpu.vector_store %arg17[%swap3A_578], %sub3A_525 {strides = array<i32>} : memref<1280xf32, #tpu.memory_space<vmem>>, vector<16xf32>,
      %add3A_580 = arith.constant 800 : i32
      %add3A_581 = arith.addi %add3A_580, %mul3A_438 : i32
      %swap3A_582 = arith.index_cast %add3A_581 : i32 to index
      %swap3A_583 = tpu.vector_load %arg17[%swap3A_582] {strides = array<i32>} : memref<1280xf32, #tpu.memory_space<vmem>>, vector<16xf32>,
      tpu.vector_store %arg17[%swap3A_582], %sub3A_528 {strides = array<i32>} : memref<1280xf32, #tpu.memory_space<vmem>>, vector<16xf32>,
      %add3A_584 = arith.constant 960 : i32
      %add3A_585 = arith.addi %add3A_584, %mul3A_438 : i32
      %swap3A_586 = arith.index_cast %add3A_585 : i32 to index
      %swap3A_587 = tpu.vector_load %arg17[%swap3A_586] {strides = array<i32>} : memref<1280xf32, #tpu.memory_space<vmem>>, vector<16xf32>,
      tpu.vector_store %arg17[%swap3A_586], %sub3A_531 {strides = array<i32>} : memref<1280xf32, #tpu.memory_space<vmem>>, vector<16xf32>,
      %add3A_588 = arith.constant 1120 : i32
      %add3A_589 = arith.addi %add3A_588, %mul3A_438 : i32
      %swap3A_590 = arith.index_cast %add3A_589 : i32 to index
      %swap3A_591 = tpu.vector_load %arg17[%swap3A_590] {strides = array<i32>} : memref<1280xf32, #tpu.memory_space<vmem>>, vector<16xf32>,
      tpu.vector_store %arg17[%swap3A_590], %sub3A_534 {strides = array<i32>} : memref<1280xf32, #tpu.memory_space<vmem>>, vector<16xf32>,
      %add3A_592 = arith.constant 0 : i32
      %add3A_593 = arith.addi %add3A_592, %mul3A_438 : i32
      %swap3A_594 = arith.index_cast %add3A_593 : i32 to index
      %swap3A_595 = tpu.vector_load %arg18[%swap3A_594] {strides = array<i32>} : memref<960xf32, #tpu.memory_space<vmem>>, vector<16xf32>,
      tpu.vector_store %arg18[%swap3A_594], %mul3A_542 {strides = array<i32>} : memref<960xf32, #tpu.memory_space<vmem>>, vector<16xf32>,
      %add3A_596 = arith.constant 160 : i32
      %add3A_597 = arith.addi %add3A_596, %mul3A_438 : i32
      %swap3A_598 = arith.index_cast %add3A_597 : i32 to index
      %swap3A_599 = tpu.vector_load %arg18[%swap3A_598] {strides = array<i32>} : memref<960xf32, #tpu.memory_space<vmem>>, vector<16xf32>,
      tpu.vector_store %arg18[%swap3A_598], %mul3A_546 {strides = array<i32>} : memref<960xf32, #tpu.memory_space<vmem>>, vector<16xf32>,
      %add3A_600 = arith.constant 320 : i32
      %add3A_601 = arith.addi %add3A_600, %mul3A_438 : i32
      %swap3A_602 = arith.index_cast %add3A_601 : i32 to index
      %swap3A_603 = tpu.vector_load %arg18[%swap3A_602] {strides = array<i32>} : memref<960xf32, #tpu.memory_space<vmem>>, vector<16xf32>,
      tpu.vector_store %arg18[%swap3A_602], %mul3A_550 {strides = array<i32>} : memref<960xf32, #tpu.memory_space<vmem>>, vector<16xf32>,
      %add3A_604 = arith.constant 480 : i32
      %add3A_605 = arith.addi %add3A_604, %mul3A_438 : i32
      %swap3A_606 = arith.index_cast %add3A_605 : i32 to index
      %swap3A_607 = tpu.vector_load %arg18[%swap3A_606] {strides = array<i32>} : memref<960xf32, #tpu.memory_space<vmem>>, vector<16xf32>,
      tpu.vector_store %arg18[%swap3A_606], %select_n3A_560 {strides = array<i32>} : memref<960xf32, #tpu.memory_space<vmem>>, vector<16xf32>,
      %add3A_608 = arith.constant 640 : i32
      %add3A_609 = arith.addi %add3A_608, %mul3A_438 : i32
      %swap3A_610 = arith.index_cast %add3A_609 : i32 to index
      %swap3A_611 = tpu.vector_load %arg18[%swap3A_610] {strides = array<i32>} : memref<960xf32, #tpu.memory_space<vmem>>, vector<16xf32>,
      tpu.vector_store %arg18[%swap3A_610], %broadcast_in_dim3A_140 {strides = array<i32>} : memref<960xf32, #tpu.memory_space<vmem>>, vector<16xf32>,
      %broadcast_in_dim3A_612 = arith.constant 0.000000e+00 : f32
      %broadcast_in_dim3A_613 = vector.broadcast %broadcast_in_dim3A_612 : f32 to vector<16xf32>
      %add3A_614 = arith.constant 800 : i32
      %add3A_615 = arith.addi %add3A_614, %mul3A_438 : i32
      %swap3A_616 = arith.index_cast %add3A_615 : i32 to index
      %swap3A_617 = tpu.vector_load %arg18[%swap3A_616] {strides = array<i32>} : memref<960xf32, #tpu.memory_space<vmem>>, vector<16xf32>,
      tpu.vector_store %arg18[%swap3A_616], %broadcast_in_dim3A_613 {strides = array<i32>} : memref<960xf32, #tpu.memory_space<vmem>>, vector<16xf32>,
      %mul3A_618 = arith.constant -2.000000e+00 : f32
      %mul3A_619 = vector.broadcast %mul3A_618 : f32 to vector<16xf32>
      %mul3A_620 = arith.mulf %mul3A_619, %mul3A_542 : vector<16xf32>
      %add3A_621 = arith.constant 0 : i32
      %add3A_622 = arith.addi %add3A_621, %mul3A_438 : i32
      %swap3A_623 = arith.index_cast %add3A_622 : i32 to index
      %swap3A_624 = tpu.vector_load %arg19[%swap3A_623] {strides = array<i32>} : memref<960xf32, #tpu.memory_space<vmem>>, vector<16xf32>,
      tpu.vector_store %arg19[%swap3A_623], %mul3A_620 {strides = array<i32>} : memref<960xf32, #tpu.memory_space<vmem>>, vector<16xf32>,
      %mul3A_625 = arith.constant -2.000000e+00 : f32
      %mul3A_626 = vector.broadcast %mul3A_625 : f32 to vector<16xf32>
      %mul3A_627 = arith.mulf %mul3A_626, %mul3A_546 : vector<16xf32>
      %add3A_628 = arith.constant 160 : i32
      %add3A_629 = arith.addi %add3A_628, %mul3A_438 : i32
      %swap3A_630 = arith.index_cast %add3A_629 : i32 to index
      %swap3A_631 = tpu.vector_load %arg19[%swap3A_630] {strides = array<i32>} : memref<960xf32, #tpu.memory_space<vmem>>, vector<16xf32>,
      tpu.vector_store %arg19[%swap3A_630], %mul3A_627 {strides = array<i32>} : memref<960xf32, #tpu.memory_space<vmem>>, vector<16xf32>,
      %mul3A_632 = arith.constant -2.000000e+00 : f32
      %mul3A_633 = vector.broadcast %mul3A_632 : f32 to vector<16xf32>
      %mul3A_634 = arith.mulf %mul3A_633, %mul3A_550 : vector<16xf32>
      %add3A_635 = arith.constant 320 : i32
      %add3A_636 = arith.addi %add3A_635, %mul3A_438 : i32
      %swap3A_637 = arith.index_cast %add3A_636 : i32 to index
      %swap3A_638 = tpu.vector_load %arg19[%swap3A_637] {strides = array<i32>} : memref<960xf32, #tpu.memory_space<vmem>>, vector<16xf32>,
      tpu.vector_store %arg19[%swap3A_637], %mul3A_634 {strides = array<i32>} : memref<960xf32, #tpu.memory_space<vmem>>, vector<16xf32>,
      %add3A_639 = arith.constant 480 : i32
      %add3A_640 = arith.addi %add3A_639, %mul3A_438 : i32
      %swap3A_641 = arith.index_cast %add3A_640 : i32 to index
      %swap3A_642 = tpu.vector_load %arg19[%swap3A_641] {strides = array<i32>} : memref<960xf32, #tpu.memory_space<vmem>>, vector<16xf32>,
      tpu.vector_store %arg19[%swap3A_641], %broadcast_in_dim3A_140 {strides = array<i32>} : memref<960xf32, #tpu.memory_space<vmem>>, vector<16xf32>,
      %add3A_643 = arith.constant 640 : i32
      %add3A_644 = arith.addi %add3A_643, %mul3A_438 : i32
      %swap3A_645 = arith.index_cast %add3A_644 : i32 to index
      %swap3A_646 = tpu.vector_load %arg19[%swap3A_645] {strides = array<i32>} : memref<960xf32, #tpu.memory_space<vmem>>, vector<16xf32>,
      tpu.vector_store %arg19[%swap3A_645], %select_n3A_560 {strides = array<i32>} : memref<960xf32, #tpu.memory_space<vmem>>, vector<16xf32>,
      %add3A_647 = arith.constant 800 : i32
      %add3A_648 = arith.addi %add3A_647, %mul3A_438 : i32
      %swap3A_649 = arith.index_cast %add3A_648 : i32 to index
      %swap3A_650 = tpu.vector_load %arg19[%swap3A_649] {strides = array<i32>} : memref<960xf32, #tpu.memory_space<vmem>>, vector<16xf32>,
      tpu.vector_store %arg19[%swap3A_649], %select_n3A_538 {strides = array<i32>} : memref<960xf32, #tpu.memory_space<vmem>>, vector<16xf32>,
      %swap3A_651 = arith.index_cast %mul3A_438 : i32 to index
      %swap3A_652 = tpu.vector_load %arg21[%swap3A_651] {strides = array<i32>} : memref<160xf32, #tpu.memory_space<vmem>>, vector<16xf32>,
      tpu.vector_store %arg21[%swap3A_651], %gather3A_458 {strides = array<i32>} : memref<160xf32, #tpu.memory_space<vmem>>, vector<16xf32>,
      %iota3A_653 = tpu.iota {dimensions = array<i32: 0>} : vector<16xi32>
      %mul3A_654 = arith.constant 32 : i32
      %mul3A_655 = vector.broadcast %mul3A_654 : i32 to vector<16xi32>
      %mul3A_656 = arith.muli %iota3A_653, %mul3A_655 : vector<16xi32>
      %mul3A_657 = arith.constant 32 : i32
      %mul3A_658 = arith.muli %mul3A_438, %mul3A_657 : i32
      %add3A_659 = vector.broadcast %mul3A_658 : i32 to vector<16xi32>
      %add3A_660 = arith.addi %mul3A_656, %add3A_659 : vector<16xi32>
      %broadcast_in_dim3A_661 = arith.constant 0 : i32
      %broadcast_in_dim3A_662 = vector.broadcast %broadcast_in_dim3A_661 : i32 to vector<16xi32>
      %broadcast_in_dim3A_663 = arith.constant 10 : i32
      %broadcast_in_dim3A_664 = vector.broadcast %broadcast_in_dim3A_663 : i32 to vector<16xi32>
      %broadcast_in_dim3A_665 = arith.constant 20 : i32
      %broadcast_in_dim3A_666 = vector.broadcast %broadcast_in_dim3A_665 : i32 to vector<16xi32>
      %gather3A_667 = tpu.vector_load_idx %arg16[%add3A_440, %broadcast_in_dim3A_662] : memref<160x128xf32, #tpu.memory_space<vmem>>[vector<16xi32>, vector<16xi32>], vector<16xf32>,
      %gather3A_668 = tpu.vector_load_idx %arg16[%add3A_440, %broadcast_in_dim3A_664] : memref<160x128xf32, #tpu.memory_space<vmem>>[vector<16xi32>, vector<16xi32>], vector<16xf32>,
      %gather3A_669 = tpu.vector_load_idx %arg16[%add3A_440, %broadcast_in_dim3A_666] : memref<160x128xf32, #tpu.memory_space<vmem>>[vector<16xi32>, vector<16xi32>], vector<16xf32>,
      %mul3A_670 = arith.mulf %gather3A_667, %gather3A_459 : vector<16xf32>
      %mul3A_671 = arith.mulf %gather3A_668, %gather3A_462 : vector<16xf32>
      %add3A_672 = arith.addf %mul3A_670, %mul3A_671 : vector<16xf32>
      %mul3A_673 = arith.mulf %gather3A_669, %gather3A_465 : vector<16xf32>
      %add3A_674 = arith.addf %add3A_672, %mul3A_673 : vector<16xf32>
      %mul3A_675 = arith.mulf %gather3A_667, %gather3A_460 : vector<16xf32>
      %mul3A_676 = arith.mulf %gather3A_668, %gather3A_463 : vector<16xf32>
      %add3A_677 = arith.addf %mul3A_675, %mul3A_676 : vector<16xf32>
      %mul3A_678 = arith.mulf %gather3A_669, %gather3A_466 : vector<16xf32>
      %add3A_679 = arith.addf %add3A_677, %mul3A_678 : vector<16xf32>
      %mul3A_680 = arith.mulf %gather3A_667, %gather3A_461 : vector<16xf32>
      %mul3A_681 = arith.mulf %gather3A_668, %gather3A_464 : vector<16xf32>
      %add3A_682 = arith.addf %mul3A_680, %mul3A_681 : vector<16xf32>
      %mul3A_683 = arith.mulf %gather3A_669, %gather3A_467 : vector<16xf32>
      %add3A_684 = arith.addf %add3A_682, %mul3A_683 : vector<16xf32>
      %add3A_685 = arith.constant 0 : i32
      %add3A_686 = vector.broadcast %add3A_685 : i32 to vector<16xi32>
      %add3A_687 = arith.addi %add3A_660, %add3A_686 : vector<16xi32>
      tpu.vector_store_idx %arg20[%add3A_687], %add3A_674 : memref<5120xf32, #tpu.memory_space<vmem>>[vector<16xi32>], vector<16xf32>,
      %add3A_688 = arith.constant 1 : i32
      %add3A_689 = vector.broadcast %add3A_688 : i32 to vector<16xi32>
      %add3A_690 = arith.addi %add3A_660, %add3A_689 : vector<16xi32>
      tpu.vector_store_idx %arg20[%add3A_690], %add3A_679 : memref<5120xf32, #tpu.memory_space<vmem>>[vector<16xi32>], vector<16xf32>,
      %add3A_691 = arith.constant 2 : i32
      %add3A_692 = vector.broadcast %add3A_691 : i32 to vector<16xi32>
      %add3A_693 = arith.addi %add3A_660, %add3A_692 : vector<16xi32>
      tpu.vector_store_idx %arg20[%add3A_693], %add3A_684 : memref<5120xf32, #tpu.memory_space<vmem>>[vector<16xi32>], vector<16xf32>,
      %broadcast_in_dim3A_694 = arith.constant 1 : i32
      %broadcast_in_dim3A_695 = vector.broadcast %broadcast_in_dim3A_694 : i32 to vector<16xi32>
      %broadcast_in_dim3A_696 = arith.constant 11 : i32
      %broadcast_in_dim3A_697 = vector.broadcast %broadcast_in_dim3A_696 : i32 to vector<16xi32>
      %broadcast_in_dim3A_698 = arith.constant 21 : i32
      %broadcast_in_dim3A_699 = vector.broadcast %broadcast_in_dim3A_698 : i32 to vector<16xi32>
      %gather3A_700 = tpu.vector_load_idx %arg16[%add3A_440, %broadcast_in_dim3A_695] : memref<160x128xf32, #tpu.memory_space<vmem>>[vector<16xi32>, vector<16xi32>], vector<16xf32>,
      %gather3A_701 = tpu.vector_load_idx %arg16[%add3A_440, %broadcast_in_dim3A_697] : memref<160x128xf32, #tpu.memory_space<vmem>>[vector<16xi32>, vector<16xi32>], vector<16xf32>,
      %gather3A_702 = tpu.vector_load_idx %arg16[%add3A_440, %broadcast_in_dim3A_699] : memref<160x128xf32, #tpu.memory_space<vmem>>[vector<16xi32>, vector<16xi32>], vector<16xf32>,
      %mul3A_703 = arith.mulf %gather3A_700, %gather3A_459 : vector<16xf32>
      %mul3A_704 = arith.mulf %gather3A_701, %gather3A_462 : vector<16xf32>
      %add3A_705 = arith.addf %mul3A_703, %mul3A_704 : vector<16xf32>
      %mul3A_706 = arith.mulf %gather3A_702, %gather3A_465 : vector<16xf32>
      %add3A_707 = arith.addf %add3A_705, %mul3A_706 : vector<16xf32>
      %mul3A_708 = arith.mulf %gather3A_700, %gather3A_460 : vector<16xf32>
      %mul3A_709 = arith.mulf %gather3A_701, %gather3A_463 : vector<16xf32>
      %add3A_710 = arith.addf %mul3A_708, %mul3A_709 : vector<16xf32>
      %mul3A_711 = arith.mulf %gather3A_702, %gather3A_466 : vector<16xf32>
      %add3A_712 = arith.addf %add3A_710, %mul3A_711 : vector<16xf32>
      %mul3A_713 = arith.mulf %gather3A_700, %gather3A_461 : vector<16xf32>
      %mul3A_714 = arith.mulf %gather3A_701, %gather3A_464 : vector<16xf32>
      %add3A_715 = arith.addf %mul3A_713, %mul3A_714 : vector<16xf32>
      %mul3A_716 = arith.mulf %gather3A_702, %gather3A_467 : vector<16xf32>
      %add3A_717 = arith.addf %add3A_715, %mul3A_716 : vector<16xf32>
      %add3A_718 = arith.constant 3 : i32
      %add3A_719 = vector.broadcast %add3A_718 : i32 to vector<16xi32>
      %add3A_720 = arith.addi %add3A_660, %add3A_719 : vector<16xi32>
      tpu.vector_store_idx %arg20[%add3A_720], %add3A_707 : memref<5120xf32, #tpu.memory_space<vmem>>[vector<16xi32>], vector<16xf32>,
      %add3A_721 = arith.constant 4 : i32
      %add3A_722 = vector.broadcast %add3A_721 : i32 to vector<16xi32>
      %add3A_723 = arith.addi %add3A_660, %add3A_722 : vector<16xi32>
      tpu.vector_store_idx %arg20[%add3A_723], %add3A_712 : memref<5120xf32, #tpu.memory_space<vmem>>[vector<16xi32>], vector<16xf32>,
      %add3A_724 = arith.constant 5 : i32
      %add3A_725 = vector.broadcast %add3A_724 : i32 to vector<16xi32>
      %add3A_726 = arith.addi %add3A_660, %add3A_725 : vector<16xi32>
      tpu.vector_store_idx %arg20[%add3A_726], %add3A_717 : memref<5120xf32, #tpu.memory_space<vmem>>[vector<16xi32>], vector<16xf32>,
      %broadcast_in_dim3A_727 = arith.constant 2 : i32
      %broadcast_in_dim3A_728 = vector.broadcast %broadcast_in_dim3A_727 : i32 to vector<16xi32>
      %broadcast_in_dim3A_729 = arith.constant 12 : i32
      %broadcast_in_dim3A_730 = vector.broadcast %broadcast_in_dim3A_729 : i32 to vector<16xi32>
      %broadcast_in_dim3A_731 = arith.constant 22 : i32
      %broadcast_in_dim3A_732 = vector.broadcast %broadcast_in_dim3A_731 : i32 to vector<16xi32>
      %gather3A_733 = tpu.vector_load_idx %arg16[%add3A_440, %broadcast_in_dim3A_728] : memref<160x128xf32, #tpu.memory_space<vmem>>[vector<16xi32>, vector<16xi32>], vector<16xf32>,
      %gather3A_734 = tpu.vector_load_idx %arg16[%add3A_440, %broadcast_in_dim3A_730] : memref<160x128xf32, #tpu.memory_space<vmem>>[vector<16xi32>, vector<16xi32>], vector<16xf32>,
      %gather3A_735 = tpu.vector_load_idx %arg16[%add3A_440, %broadcast_in_dim3A_732] : memref<160x128xf32, #tpu.memory_space<vmem>>[vector<16xi32>, vector<16xi32>], vector<16xf32>,
      %mul3A_736 = arith.mulf %gather3A_733, %gather3A_459 : vector<16xf32>
      %mul3A_737 = arith.mulf %gather3A_734, %gather3A_462 : vector<16xf32>
      %add3A_738 = arith.addf %mul3A_736, %mul3A_737 : vector<16xf32>
      %mul3A_739 = arith.mulf %gather3A_735, %gather3A_465 : vector<16xf32>
      %add3A_740 = arith.addf %add3A_738, %mul3A_739 : vector<16xf32>
      %mul3A_741 = arith.mulf %gather3A_733, %gather3A_460 : vector<16xf32>
      %mul3A_742 = arith.mulf %gather3A_734, %gather3A_463 : vector<16xf32>
      %add3A_743 = arith.addf %mul3A_741, %mul3A_742 : vector<16xf32>
      %mul3A_744 = arith.mulf %gather3A_735, %gather3A_466 : vector<16xf32>
      %add3A_745 = arith.addf %add3A_743, %mul3A_744 : vector<16xf32>
      %mul3A_746 = arith.mulf %gather3A_733, %gather3A_461 : vector<16xf32>
      %mul3A_747 = arith.mulf %gather3A_734, %gather3A_464 : vector<16xf32>
      %add3A_748 = arith.addf %mul3A_746, %mul3A_747 : vector<16xf32>
      %mul3A_749 = arith.mulf %gather3A_735, %gather3A_467 : vector<16xf32>
      %add3A_750 = arith.addf %add3A_748, %mul3A_749 : vector<16xf32>
      %add3A_751 = arith.constant 6 : i32
      %add3A_752 = vector.broadcast %add3A_751 : i32 to vector<16xi32>
      %add3A_753 = arith.addi %add3A_660, %add3A_752 : vector<16xi32>
      tpu.vector_store_idx %arg20[%add3A_753], %add3A_740 : memref<5120xf32, #tpu.memory_space<vmem>>[vector<16xi32>], vector<16xf32>,
      %add3A_754 = arith.constant 7 : i32
      %add3A_755 = vector.broadcast %add3A_754 : i32 to vector<16xi32>
      %add3A_756 = arith.addi %add3A_660, %add3A_755 : vector<16xi32>
      tpu.vector_store_idx %arg20[%add3A_756], %add3A_745 : memref<5120xf32, #tpu.memory_space<vmem>>[vector<16xi32>], vector<16xf32>,
      %add3A_757 = arith.constant 8 : i32
      %add3A_758 = vector.broadcast %add3A_757 : i32 to vector<16xi32>
      %add3A_759 = arith.addi %add3A_660, %add3A_758 : vector<16xi32>
      tpu.vector_store_idx %arg20[%add3A_759], %add3A_750 : memref<5120xf32, #tpu.memory_space<vmem>>[vector<16xi32>], vector<16xf32>,
      %broadcast_in_dim3A_760 = arith.constant 3 : i32
      %broadcast_in_dim3A_761 = vector.broadcast %broadcast_in_dim3A_760 : i32 to vector<16xi32>
      %broadcast_in_dim3A_762 = arith.constant 13 : i32
      %broadcast_in_dim3A_763 = vector.broadcast %broadcast_in_dim3A_762 : i32 to vector<16xi32>
      %broadcast_in_dim3A_764 = arith.constant 23 : i32
      %broadcast_in_dim3A_765 = vector.broadcast %broadcast_in_dim3A_764 : i32 to vector<16xi32>
      %gather3A_766 = tpu.vector_load_idx %arg16[%add3A_440, %broadcast_in_dim3A_761] : memref<160x128xf32, #tpu.memory_space<vmem>>[vector<16xi32>, vector<16xi32>], vector<16xf32>,
      %gather3A_767 = tpu.vector_load_idx %arg16[%add3A_440, %broadcast_in_dim3A_763] : memref<160x128xf32, #tpu.memory_space<vmem>>[vector<16xi32>, vector<16xi32>], vector<16xf32>,
      %gather3A_768 = tpu.vector_load_idx %arg16[%add3A_440, %broadcast_in_dim3A_765] : memref<160x128xf32, #tpu.memory_space<vmem>>[vector<16xi32>, vector<16xi32>], vector<16xf32>,
      %mul3A_769 = arith.mulf %gather3A_766, %gather3A_459 : vector<16xf32>
      %mul3A_770 = arith.mulf %gather3A_767, %gather3A_462 : vector<16xf32>
      %add3A_771 = arith.addf %mul3A_769, %mul3A_770 : vector<16xf32>
      %mul3A_772 = arith.mulf %gather3A_768, %gather3A_465 : vector<16xf32>
      %add3A_773 = arith.addf %add3A_771, %mul3A_772 : vector<16xf32>
      %mul3A_774 = arith.mulf %gather3A_766, %gather3A_460 : vector<16xf32>
      %mul3A_775 = arith.mulf %gather3A_767, %gather3A_463 : vector<16xf32>
      %add3A_776 = arith.addf %mul3A_774, %mul3A_775 : vector<16xf32>
      %mul3A_777 = arith.mulf %gather3A_768, %gather3A_466 : vector<16xf32>
      %add3A_778 = arith.addf %add3A_776, %mul3A_777 : vector<16xf32>
      %mul3A_779 = arith.mulf %gather3A_766, %gather3A_461 : vector<16xf32>
      %mul3A_780 = arith.mulf %gather3A_767, %gather3A_464 : vector<16xf32>
      %add3A_781 = arith.addf %mul3A_779, %mul3A_780 : vector<16xf32>
      %mul3A_782 = arith.mulf %gather3A_768, %gather3A_467 : vector<16xf32>
      %add3A_783 = arith.addf %add3A_781, %mul3A_782 : vector<16xf32>
      %add3A_784 = arith.constant 9 : i32
      %add3A_785 = vector.broadcast %add3A_784 : i32 to vector<16xi32>
      %add3A_786 = arith.addi %add3A_660, %add3A_785 : vector<16xi32>
      tpu.vector_store_idx %arg20[%add3A_786], %add3A_773 : memref<5120xf32, #tpu.memory_space<vmem>>[vector<16xi32>], vector<16xf32>,
      %add3A_787 = arith.constant 10 : i32
      %add3A_788 = vector.broadcast %add3A_787 : i32 to vector<16xi32>
      %add3A_789 = arith.addi %add3A_660, %add3A_788 : vector<16xi32>
      tpu.vector_store_idx %arg20[%add3A_789], %add3A_778 : memref<5120xf32, #tpu.memory_space<vmem>>[vector<16xi32>], vector<16xf32>,
      %add3A_790 = arith.constant 11 : i32
      %add3A_791 = vector.broadcast %add3A_790 : i32 to vector<16xi32>
      %add3A_792 = arith.addi %add3A_660, %add3A_791 : vector<16xi32>
      tpu.vector_store_idx %arg20[%add3A_792], %add3A_783 : memref<5120xf32, #tpu.memory_space<vmem>>[vector<16xi32>], vector<16xf32>,
      %broadcast_in_dim3A_793 = arith.constant 4 : i32
      %broadcast_in_dim3A_794 = vector.broadcast %broadcast_in_dim3A_793 : i32 to vector<16xi32>
      %broadcast_in_dim3A_795 = arith.constant 14 : i32
      %broadcast_in_dim3A_796 = vector.broadcast %broadcast_in_dim3A_795 : i32 to vector<16xi32>
      %broadcast_in_dim3A_797 = arith.constant 24 : i32
      %broadcast_in_dim3A_798 = vector.broadcast %broadcast_in_dim3A_797 : i32 to vector<16xi32>
      %gather3A_799 = tpu.vector_load_idx %arg16[%add3A_440, %broadcast_in_dim3A_794] : memref<160x128xf32, #tpu.memory_space<vmem>>[vector<16xi32>, vector<16xi32>], vector<16xf32>,
      %gather3A_800 = tpu.vector_load_idx %arg16[%add3A_440, %broadcast_in_dim3A_796] : memref<160x128xf32, #tpu.memory_space<vmem>>[vector<16xi32>, vector<16xi32>], vector<16xf32>,
      %gather3A_801 = tpu.vector_load_idx %arg16[%add3A_440, %broadcast_in_dim3A_798] : memref<160x128xf32, #tpu.memory_space<vmem>>[vector<16xi32>, vector<16xi32>], vector<16xf32>,
      %mul3A_802 = arith.mulf %gather3A_799, %gather3A_459 : vector<16xf32>
      %mul3A_803 = arith.mulf %gather3A_800, %gather3A_462 : vector<16xf32>
      %add3A_804 = arith.addf %mul3A_802, %mul3A_803 : vector<16xf32>
      %mul3A_805 = arith.mulf %gather3A_801, %gather3A_465 : vector<16xf32>
      %add3A_806 = arith.addf %add3A_804, %mul3A_805 : vector<16xf32>
      %mul3A_807 = arith.mulf %gather3A_799, %gather3A_460 : vector<16xf32>
      %mul3A_808 = arith.mulf %gather3A_800, %gather3A_463 : vector<16xf32>
      %add3A_809 = arith.addf %mul3A_807, %mul3A_808 : vector<16xf32>
      %mul3A_810 = arith.mulf %gather3A_801, %gather3A_466 : vector<16xf32>
      %add3A_811 = arith.addf %add3A_809, %mul3A_810 : vector<16xf32>
      %mul3A_812 = arith.mulf %gather3A_799, %gather3A_461 : vector<16xf32>
      %mul3A_813 = arith.mulf %gather3A_800, %gather3A_464 : vector<16xf32>
      %add3A_814 = arith.addf %mul3A_812, %mul3A_813 : vector<16xf32>
      %mul3A_815 = arith.mulf %gather3A_801, %gather3A_467 : vector<16xf32>
      %add3A_816 = arith.addf %add3A_814, %mul3A_815 : vector<16xf32>
      %add3A_817 = arith.constant 12 : i32
      %add3A_818 = vector.broadcast %add3A_817 : i32 to vector<16xi32>
      %add3A_819 = arith.addi %add3A_660, %add3A_818 : vector<16xi32>
      tpu.vector_store_idx %arg20[%add3A_819], %add3A_806 : memref<5120xf32, #tpu.memory_space<vmem>>[vector<16xi32>], vector<16xf32>,
      %add3A_820 = arith.constant 13 : i32
      %add3A_821 = vector.broadcast %add3A_820 : i32 to vector<16xi32>
      %add3A_822 = arith.addi %add3A_660, %add3A_821 : vector<16xi32>
      tpu.vector_store_idx %arg20[%add3A_822], %add3A_811 : memref<5120xf32, #tpu.memory_space<vmem>>[vector<16xi32>], vector<16xf32>,
      %add3A_823 = arith.constant 14 : i32
      %add3A_824 = vector.broadcast %add3A_823 : i32 to vector<16xi32>
      %add3A_825 = arith.addi %add3A_660, %add3A_824 : vector<16xi32>
      tpu.vector_store_idx %arg20[%add3A_825], %add3A_816 : memref<5120xf32, #tpu.memory_space<vmem>>[vector<16xi32>], vector<16xf32>,
      %broadcast_in_dim3A_826 = arith.constant 5 : i32
      %broadcast_in_dim3A_827 = vector.broadcast %broadcast_in_dim3A_826 : i32 to vector<16xi32>
      %broadcast_in_dim3A_828 = arith.constant 15 : i32
      %broadcast_in_dim3A_829 = vector.broadcast %broadcast_in_dim3A_828 : i32 to vector<16xi32>
      %broadcast_in_dim3A_830 = arith.constant 25 : i32
      %broadcast_in_dim3A_831 = vector.broadcast %broadcast_in_dim3A_830 : i32 to vector<16xi32>
      %gather3A_832 = tpu.vector_load_idx %arg16[%add3A_440, %broadcast_in_dim3A_827] : memref<160x128xf32, #tpu.memory_space<vmem>>[vector<16xi32>, vector<16xi32>], vector<16xf32>,
      %gather3A_833 = tpu.vector_load_idx %arg16[%add3A_440, %broadcast_in_dim3A_829] : memref<160x128xf32, #tpu.memory_space<vmem>>[vector<16xi32>, vector<16xi32>], vector<16xf32>,
      %gather3A_834 = tpu.vector_load_idx %arg16[%add3A_440, %broadcast_in_dim3A_831] : memref<160x128xf32, #tpu.memory_space<vmem>>[vector<16xi32>, vector<16xi32>], vector<16xf32>,
      %mul3A_835 = arith.mulf %gather3A_832, %gather3A_459 : vector<16xf32>
      %mul3A_836 = arith.mulf %gather3A_833, %gather3A_462 : vector<16xf32>
      %add3A_837 = arith.addf %mul3A_835, %mul3A_836 : vector<16xf32>
      %mul3A_838 = arith.mulf %gather3A_834, %gather3A_465 : vector<16xf32>
      %add3A_839 = arith.addf %add3A_837, %mul3A_838 : vector<16xf32>
      %mul3A_840 = arith.mulf %gather3A_832, %gather3A_460 : vector<16xf32>
      %mul3A_841 = arith.mulf %gather3A_833, %gather3A_463 : vector<16xf32>
      %add3A_842 = arith.addf %mul3A_840, %mul3A_841 : vector<16xf32>
      %mul3A_843 = arith.mulf %gather3A_834, %gather3A_466 : vector<16xf32>
      %add3A_844 = arith.addf %add3A_842, %mul3A_843 : vector<16xf32>
      %mul3A_845 = arith.mulf %gather3A_832, %gather3A_461 : vector<16xf32>
      %mul3A_846 = arith.mulf %gather3A_833, %gather3A_464 : vector<16xf32>
      %add3A_847 = arith.addf %mul3A_845, %mul3A_846 : vector<16xf32>
      %mul3A_848 = arith.mulf %gather3A_834, %gather3A_467 : vector<16xf32>
      %add3A_849 = arith.addf %add3A_847, %mul3A_848 : vector<16xf32>
      %add3A_850 = arith.constant 15 : i32
      %add3A_851 = vector.broadcast %add3A_850 : i32 to vector<16xi32>
      %add3A_852 = arith.addi %add3A_660, %add3A_851 : vector<16xi32>
      tpu.vector_store_idx %arg20[%add3A_852], %add3A_839 : memref<5120xf32, #tpu.memory_space<vmem>>[vector<16xi32>], vector<16xf32>,
      %add3A_853 = arith.constant 16 : i32
      %add3A_854 = vector.broadcast %add3A_853 : i32 to vector<16xi32>
      %add3A_855 = arith.addi %add3A_660, %add3A_854 : vector<16xi32>
      tpu.vector_store_idx %arg20[%add3A_855], %add3A_844 : memref<5120xf32, #tpu.memory_space<vmem>>[vector<16xi32>], vector<16xf32>,
      %add3A_856 = arith.constant 17 : i32
      %add3A_857 = vector.broadcast %add3A_856 : i32 to vector<16xi32>
      %add3A_858 = arith.addi %add3A_660, %add3A_857 : vector<16xi32>
      tpu.vector_store_idx %arg20[%add3A_858], %add3A_849 : memref<5120xf32, #tpu.memory_space<vmem>>[vector<16xi32>], vector<16xf32>,
      %broadcast_in_dim3A_859 = arith.constant 6 : i32
      %broadcast_in_dim3A_860 = vector.broadcast %broadcast_in_dim3A_859 : i32 to vector<16xi32>
      %broadcast_in_dim3A_861 = arith.constant 16 : i32
      %broadcast_in_dim3A_862 = vector.broadcast %broadcast_in_dim3A_861 : i32 to vector<16xi32>
      %broadcast_in_dim3A_863 = arith.constant 26 : i32
      %broadcast_in_dim3A_864 = vector.broadcast %broadcast_in_dim3A_863 : i32 to vector<16xi32>
      %gather3A_865 = tpu.vector_load_idx %arg16[%add3A_440, %broadcast_in_dim3A_860] : memref<160x128xf32, #tpu.memory_space<vmem>>[vector<16xi32>, vector<16xi32>], vector<16xf32>,
      %gather3A_866 = tpu.vector_load_idx %arg16[%add3A_440, %broadcast_in_dim3A_862] : memref<160x128xf32, #tpu.memory_space<vmem>>[vector<16xi32>, vector<16xi32>], vector<16xf32>,
      %gather3A_867 = tpu.vector_load_idx %arg16[%add3A_440, %broadcast_in_dim3A_864] : memref<160x128xf32, #tpu.memory_space<vmem>>[vector<16xi32>, vector<16xi32>], vector<16xf32>,
      %mul3A_868 = arith.mulf %gather3A_865, %gather3A_459 : vector<16xf32>
      %mul3A_869 = arith.mulf %gather3A_866, %gather3A_462 : vector<16xf32>
      %add3A_870 = arith.addf %mul3A_868, %mul3A_869 : vector<16xf32>
      %mul3A_871 = arith.mulf %gather3A_867, %gather3A_465 : vector<16xf32>
      %add3A_872 = arith.addf %add3A_870, %mul3A_871 : vector<16xf32>
      %mul3A_873 = arith.mulf %gather3A_865, %gather3A_460 : vector<16xf32>
      %mul3A_874 = arith.mulf %gather3A_866, %gather3A_463 : vector<16xf32>
      %add3A_875 = arith.addf %mul3A_873, %mul3A_874 : vector<16xf32>
      %mul3A_876 = arith.mulf %gather3A_867, %gather3A_466 : vector<16xf32>
      %add3A_877 = arith.addf %add3A_875, %mul3A_876 : vector<16xf32>
      %mul3A_878 = arith.mulf %gather3A_865, %gather3A_461 : vector<16xf32>
      %mul3A_879 = arith.mulf %gather3A_866, %gather3A_464 : vector<16xf32>
      %add3A_880 = arith.addf %mul3A_878, %mul3A_879 : vector<16xf32>
      %mul3A_881 = arith.mulf %gather3A_867, %gather3A_467 : vector<16xf32>
      %add3A_882 = arith.addf %add3A_880, %mul3A_881 : vector<16xf32>
      %add3A_883 = arith.constant 18 : i32
      %add3A_884 = vector.broadcast %add3A_883 : i32 to vector<16xi32>
      %add3A_885 = arith.addi %add3A_660, %add3A_884 : vector<16xi32>
      tpu.vector_store_idx %arg20[%add3A_885], %add3A_872 : memref<5120xf32, #tpu.memory_space<vmem>>[vector<16xi32>], vector<16xf32>,
      %add3A_886 = arith.constant 19 : i32
      %add3A_887 = vector.broadcast %add3A_886 : i32 to vector<16xi32>
      %add3A_888 = arith.addi %add3A_660, %add3A_887 : vector<16xi32>
      tpu.vector_store_idx %arg20[%add3A_888], %add3A_877 : memref<5120xf32, #tpu.memory_space<vmem>>[vector<16xi32>], vector<16xf32>,
      %add3A_889 = arith.constant 20 : i32
      %add3A_890 = vector.broadcast %add3A_889 : i32 to vector<16xi32>
      %add3A_891 = arith.addi %add3A_660, %add3A_890 : vector<16xi32>
      tpu.vector_store_idx %arg20[%add3A_891], %add3A_882 : memref<5120xf32, #tpu.memory_space<vmem>>[vector<16xi32>], vector<16xf32>,
      %broadcast_in_dim3A_892 = arith.constant 7 : i32
      %broadcast_in_dim3A_893 = vector.broadcast %broadcast_in_dim3A_892 : i32 to vector<16xi32>
      %broadcast_in_dim3A_894 = arith.constant 17 : i32
      %broadcast_in_dim3A_895 = vector.broadcast %broadcast_in_dim3A_894 : i32 to vector<16xi32>
      %broadcast_in_dim3A_896 = arith.constant 27 : i32
      %broadcast_in_dim3A_897 = vector.broadcast %broadcast_in_dim3A_896 : i32 to vector<16xi32>
      %gather3A_898 = tpu.vector_load_idx %arg16[%add3A_440, %broadcast_in_dim3A_893] : memref<160x128xf32, #tpu.memory_space<vmem>>[vector<16xi32>, vector<16xi32>], vector<16xf32>,
      %gather3A_899 = tpu.vector_load_idx %arg16[%add3A_440, %broadcast_in_dim3A_895] : memref<160x128xf32, #tpu.memory_space<vmem>>[vector<16xi32>, vector<16xi32>], vector<16xf32>,
      %gather3A_900 = tpu.vector_load_idx %arg16[%add3A_440, %broadcast_in_dim3A_897] : memref<160x128xf32, #tpu.memory_space<vmem>>[vector<16xi32>, vector<16xi32>], vector<16xf32>,
      %mul3A_901 = arith.mulf %gather3A_898, %gather3A_459 : vector<16xf32>
      %mul3A_902 = arith.mulf %gather3A_899, %gather3A_462 : vector<16xf32>
      %add3A_903 = arith.addf %mul3A_901, %mul3A_902 : vector<16xf32>
      %mul3A_904 = arith.mulf %gather3A_900, %gather3A_465 : vector<16xf32>
      %add3A_905 = arith.addf %add3A_903, %mul3A_904 : vector<16xf32>
      %mul3A_906 = arith.mulf %gather3A_898, %gather3A_460 : vector<16xf32>
      %mul3A_907 = arith.mulf %gather3A_899, %gather3A_463 : vector<16xf32>
      %add3A_908 = arith.addf %mul3A_906, %mul3A_907 : vector<16xf32>
      %mul3A_909 = arith.mulf %gather3A_900, %gather3A_466 : vector<16xf32>
      %add3A_910 = arith.addf %add3A_908, %mul3A_909 : vector<16xf32>
      %mul3A_911 = arith.mulf %gather3A_898, %gather3A_461 : vector<16xf32>
      %mul3A_912 = arith.mulf %gather3A_899, %gather3A_464 : vector<16xf32>
      %add3A_913 = arith.addf %mul3A_911, %mul3A_912 : vector<16xf32>
      %mul3A_914 = arith.mulf %gather3A_900, %gather3A_467 : vector<16xf32>
      %add3A_915 = arith.addf %add3A_913, %mul3A_914 : vector<16xf32>
      %add3A_916 = arith.constant 21 : i32
      %add3A_917 = vector.broadcast %add3A_916 : i32 to vector<16xi32>
      %add3A_918 = arith.addi %add3A_660, %add3A_917 : vector<16xi32>
      tpu.vector_store_idx %arg20[%add3A_918], %add3A_905 : memref<5120xf32, #tpu.memory_space<vmem>>[vector<16xi32>], vector<16xf32>,
      %add3A_919 = arith.constant 22 : i32
      %add3A_920 = vector.broadcast %add3A_919 : i32 to vector<16xi32>
      %add3A_921 = arith.addi %add3A_660, %add3A_920 : vector<16xi32>
      tpu.vector_store_idx %arg20[%add3A_921], %add3A_910 : memref<5120xf32, #tpu.memory_space<vmem>>[vector<16xi32>], vector<16xf32>,
      %add3A_922 = arith.constant 23 : i32
      %add3A_923 = vector.broadcast %add3A_922 : i32 to vector<16xi32>
      %add3A_924 = arith.addi %add3A_660, %add3A_923 : vector<16xi32>
      tpu.vector_store_idx %arg20[%add3A_924], %add3A_915 : memref<5120xf32, #tpu.memory_space<vmem>>[vector<16xi32>], vector<16xf32>,
      %broadcast_in_dim3A_925 = arith.constant 8 : i32
      %broadcast_in_dim3A_926 = vector.broadcast %broadcast_in_dim3A_925 : i32 to vector<16xi32>
      %broadcast_in_dim3A_927 = arith.constant 18 : i32
      %broadcast_in_dim3A_928 = vector.broadcast %broadcast_in_dim3A_927 : i32 to vector<16xi32>
      %broadcast_in_dim3A_929 = arith.constant 28 : i32
      %broadcast_in_dim3A_930 = vector.broadcast %broadcast_in_dim3A_929 : i32 to vector<16xi32>
      %gather3A_931 = tpu.vector_load_idx %arg16[%add3A_440, %broadcast_in_dim3A_926] : memref<160x128xf32, #tpu.memory_space<vmem>>[vector<16xi32>, vector<16xi32>], vector<16xf32>,
      %gather3A_932 = tpu.vector_load_idx %arg16[%add3A_440, %broadcast_in_dim3A_928] : memref<160x128xf32, #tpu.memory_space<vmem>>[vector<16xi32>, vector<16xi32>], vector<16xf32>,
      %gather3A_933 = tpu.vector_load_idx %arg16[%add3A_440, %broadcast_in_dim3A_930] : memref<160x128xf32, #tpu.memory_space<vmem>>[vector<16xi32>, vector<16xi32>], vector<16xf32>,
      %mul3A_934 = arith.mulf %gather3A_931, %gather3A_459 : vector<16xf32>
      %mul3A_935 = arith.mulf %gather3A_932, %gather3A_462 : vector<16xf32>
      %add3A_936 = arith.addf %mul3A_934, %mul3A_935 : vector<16xf32>
      %mul3A_937 = arith.mulf %gather3A_933, %gather3A_465 : vector<16xf32>
      %add3A_938 = arith.addf %add3A_936, %mul3A_937 : vector<16xf32>
      %mul3A_939 = arith.mulf %gather3A_931, %gather3A_460 : vector<16xf32>
      %mul3A_940 = arith.mulf %gather3A_932, %gather3A_463 : vector<16xf32>
      %add3A_941 = arith.addf %mul3A_939, %mul3A_940 : vector<16xf32>
      %mul3A_942 = arith.mulf %gather3A_933, %gather3A_466 : vector<16xf32>
      %add3A_943 = arith.addf %add3A_941, %mul3A_942 : vector<16xf32>
      %mul3A_944 = arith.mulf %gather3A_931, %gather3A_461 : vector<16xf32>
      %mul3A_945 = arith.mulf %gather3A_932, %gather3A_464 : vector<16xf32>
      %add3A_946 = arith.addf %mul3A_944, %mul3A_945 : vector<16xf32>
      %mul3A_947 = arith.mulf %gather3A_933, %gather3A_467 : vector<16xf32>
      %add3A_948 = arith.addf %add3A_946, %mul3A_947 : vector<16xf32>
      %add3A_949 = arith.constant 24 : i32
      %add3A_950 = vector.broadcast %add3A_949 : i32 to vector<16xi32>
      %add3A_951 = arith.addi %add3A_660, %add3A_950 : vector<16xi32>
      tpu.vector_store_idx %arg20[%add3A_951], %add3A_938 : memref<5120xf32, #tpu.memory_space<vmem>>[vector<16xi32>], vector<16xf32>,
      %add3A_952 = arith.constant 25 : i32
      %add3A_953 = vector.broadcast %add3A_952 : i32 to vector<16xi32>
      %add3A_954 = arith.addi %add3A_660, %add3A_953 : vector<16xi32>
      tpu.vector_store_idx %arg20[%add3A_954], %add3A_943 : memref<5120xf32, #tpu.memory_space<vmem>>[vector<16xi32>], vector<16xf32>,
      %add3A_955 = arith.constant 26 : i32
      %add3A_956 = vector.broadcast %add3A_955 : i32 to vector<16xi32>
      %add3A_957 = arith.addi %add3A_660, %add3A_956 : vector<16xi32>
      tpu.vector_store_idx %arg20[%add3A_957], %add3A_948 : memref<5120xf32, #tpu.memory_space<vmem>>[vector<16xi32>], vector<16xf32>,
      %broadcast_in_dim3A_958 = arith.constant 9 : i32
      %broadcast_in_dim3A_959 = vector.broadcast %broadcast_in_dim3A_958 : i32 to vector<16xi32>
      %broadcast_in_dim3A_960 = arith.constant 19 : i32
      %broadcast_in_dim3A_961 = vector.broadcast %broadcast_in_dim3A_960 : i32 to vector<16xi32>
      %broadcast_in_dim3A_962 = arith.constant 29 : i32
      %broadcast_in_dim3A_963 = vector.broadcast %broadcast_in_dim3A_962 : i32 to vector<16xi32>
      %gather3A_964 = tpu.vector_load_idx %arg16[%add3A_440, %broadcast_in_dim3A_959] : memref<160x128xf32, #tpu.memory_space<vmem>>[vector<16xi32>, vector<16xi32>], vector<16xf32>,
      %gather3A_965 = tpu.vector_load_idx %arg16[%add3A_440, %broadcast_in_dim3A_961] : memref<160x128xf32, #tpu.memory_space<vmem>>[vector<16xi32>, vector<16xi32>], vector<16xf32>,
      %gather3A_966 = tpu.vector_load_idx %arg16[%add3A_440, %broadcast_in_dim3A_963] : memref<160x128xf32, #tpu.memory_space<vmem>>[vector<16xi32>, vector<16xi32>], vector<16xf32>,
      %mul3A_967 = arith.mulf %gather3A_964, %gather3A_459 : vector<16xf32>
      %mul3A_968 = arith.mulf %gather3A_965, %gather3A_462 : vector<16xf32>
      %add3A_969 = arith.addf %mul3A_967, %mul3A_968 : vector<16xf32>
      %mul3A_970 = arith.mulf %gather3A_966, %gather3A_465 : vector<16xf32>
      %add3A_971 = arith.addf %add3A_969, %mul3A_970 : vector<16xf32>
      %mul3A_972 = arith.mulf %gather3A_964, %gather3A_460 : vector<16xf32>
      %mul3A_973 = arith.mulf %gather3A_965, %gather3A_463 : vector<16xf32>
      %add3A_974 = arith.addf %mul3A_972, %mul3A_973 : vector<16xf32>
      %mul3A_975 = arith.mulf %gather3A_966, %gather3A_466 : vector<16xf32>
      %add3A_976 = arith.addf %add3A_974, %mul3A_975 : vector<16xf32>
      %mul3A_977 = arith.mulf %gather3A_964, %gather3A_461 : vector<16xf32>
      %mul3A_978 = arith.mulf %gather3A_965, %gather3A_464 : vector<16xf32>
      %add3A_979 = arith.addf %mul3A_977, %mul3A_978 : vector<16xf32>
      %mul3A_980 = arith.mulf %gather3A_966, %gather3A_467 : vector<16xf32>
      %add3A_981 = arith.addf %add3A_979, %mul3A_980 : vector<16xf32>
      %add3A_982 = arith.constant 27 : i32
      %add3A_983 = vector.broadcast %add3A_982 : i32 to vector<16xi32>
      %add3A_984 = arith.addi %add3A_660, %add3A_983 : vector<16xi32>
      tpu.vector_store_idx %arg20[%add3A_984], %add3A_971 : memref<5120xf32, #tpu.memory_space<vmem>>[vector<16xi32>], vector<16xf32>,
      %add3A_985 = arith.constant 28 : i32
      %add3A_986 = vector.broadcast %add3A_985 : i32 to vector<16xi32>
      %add3A_987 = arith.addi %add3A_660, %add3A_986 : vector<16xi32>
      tpu.vector_store_idx %arg20[%add3A_987], %add3A_976 : memref<5120xf32, #tpu.memory_space<vmem>>[vector<16xi32>], vector<16xf32>,
      %add3A_988 = arith.constant 29 : i32
      %add3A_989 = vector.broadcast %add3A_988 : i32 to vector<16xi32>
      %add3A_990 = arith.addi %add3A_660, %add3A_989 : vector<16xi32>
      tpu.vector_store_idx %arg20[%add3A_990], %add3A_981 : memref<5120xf32, #tpu.memory_space<vmem>>[vector<16xi32>], vector<16xf32>,
    }
    %scan3A_145 = arith.constant 10 : i32
    %add3A_146 = arith.constant 0 : i32
    %add3A_147 = arith.addi %add3A_146, %mul3A_2 : i32
    %dma_start3A_148 = arith.constant 0 : i32
    %dma_start3A_149 = tpu.memref_slice %arg17[%dma_start3A_148] : memref<1280xf32, #tpu.memory_space<vmem>> -> memref<160xf32, #tpu.memory_space<vmem>>
    %dma_start3A_150 = tpu.memref_slice %arg7[%add3A_147] : memref<40960xf32, #tpu.memory_space<hbm>> -> memref<160xf32, #tpu.memory_space<hbm>>
    %dma_start3A_151 = tpu.memref_slice %arg7[%add3A_147] : memref<40960xf32, #tpu.memory_space<hbm>> -> memref<160xf32, #tpu.memory_space<hbm>>
    %dma_start3A_152 = arith.constant 0 : i32
    %dma_start3A_153 = tpu.memref_slice %arg17[%dma_start3A_152] : memref<1280xf32, #tpu.memory_space<vmem>> -> memref<160xf32, #tpu.memory_space<vmem>>
    tpu.enqueue_dma source(%dma_start3A_153 : memref<160xf32, #tpu.memory_space<vmem>>) target(%dma_start3A_151 : memref<160xf32, #tpu.memory_space<hbm>>) target_semaphore(%arg22 : memref<!tpu.dma_semaphore, #tpu.memory_space<semaphore_mem>>)
    %add3A_154 = arith.constant 5120 : i32
    %add3A_155 = arith.addi %add3A_154, %mul3A_2 : i32
    %dma_start3A_156 = arith.constant 160 : i32
    %dma_start3A_157 = tpu.memref_slice %arg17[%dma_start3A_156] : memref<1280xf32, #tpu.memory_space<vmem>> -> memref<160xf32, #tpu.memory_space<vmem>>
    %dma_start3A_158 = tpu.memref_slice %arg7[%add3A_155] : memref<40960xf32, #tpu.memory_space<hbm>> -> memref<160xf32, #tpu.memory_space<hbm>>
    %dma_start3A_159 = tpu.memref_slice %arg7[%add3A_155] : memref<40960xf32, #tpu.memory_space<hbm>> -> memref<160xf32, #tpu.memory_space<hbm>>
    %dma_start3A_160 = arith.constant 160 : i32
    %dma_start3A_161 = tpu.memref_slice %arg17[%dma_start3A_160] : memref<1280xf32, #tpu.memory_space<vmem>> -> memref<160xf32, #tpu.memory_space<vmem>>
    tpu.enqueue_dma source(%dma_start3A_161 : memref<160xf32, #tpu.memory_space<vmem>>) target(%dma_start3A_159 : memref<160xf32, #tpu.memory_space<hbm>>) target_semaphore(%arg22 : memref<!tpu.dma_semaphore, #tpu.memory_space<semaphore_mem>>)
    %add3A_162 = arith.constant 10240 : i32
    %add3A_163 = arith.addi %add3A_162, %mul3A_2 : i32
    %dma_start3A_164 = arith.constant 320 : i32
    %dma_start3A_165 = tpu.memref_slice %arg17[%dma_start3A_164] : memref<1280xf32, #tpu.memory_space<vmem>> -> memref<160xf32, #tpu.memory_space<vmem>>
    %dma_start3A_166 = tpu.memref_slice %arg7[%add3A_163] : memref<40960xf32, #tpu.memory_space<hbm>> -> memref<160xf32, #tpu.memory_space<hbm>>
    %dma_start3A_167 = tpu.memref_slice %arg7[%add3A_163] : memref<40960xf32, #tpu.memory_space<hbm>> -> memref<160xf32, #tpu.memory_space<hbm>>
    %dma_start3A_168 = arith.constant 320 : i32
    %dma_start3A_169 = tpu.memref_slice %arg17[%dma_start3A_168] : memref<1280xf32, #tpu.memory_space<vmem>> -> memref<160xf32, #tpu.memory_space<vmem>>
    tpu.enqueue_dma source(%dma_start3A_169 : memref<160xf32, #tpu.memory_space<vmem>>) target(%dma_start3A_167 : memref<160xf32, #tpu.memory_space<hbm>>) target_semaphore(%arg22 : memref<!tpu.dma_semaphore, #tpu.memory_space<semaphore_mem>>)
    %add3A_170 = arith.constant 15360 : i32
    %add3A_171 = arith.addi %add3A_170, %mul3A_2 : i32
    %dma_start3A_172 = arith.constant 480 : i32
    %dma_start3A_173 = tpu.memref_slice %arg17[%dma_start3A_172] : memref<1280xf32, #tpu.memory_space<vmem>> -> memref<160xf32, #tpu.memory_space<vmem>>
    %dma_start3A_174 = tpu.memref_slice %arg7[%add3A_171] : memref<40960xf32, #tpu.memory_space<hbm>> -> memref<160xf32, #tpu.memory_space<hbm>>
    %dma_start3A_175 = tpu.memref_slice %arg7[%add3A_171] : memref<40960xf32, #tpu.memory_space<hbm>> -> memref<160xf32, #tpu.memory_space<hbm>>
    %dma_start3A_176 = arith.constant 480 : i32
    %dma_start3A_177 = tpu.memref_slice %arg17[%dma_start3A_176] : memref<1280xf32, #tpu.memory_space<vmem>> -> memref<160xf32, #tpu.memory_space<vmem>>
    tpu.enqueue_dma source(%dma_start3A_177 : memref<160xf32, #tpu.memory_space<vmem>>) target(%dma_start3A_175 : memref<160xf32, #tpu.memory_space<hbm>>) target_semaphore(%arg22 : memref<!tpu.dma_semaphore, #tpu.memory_space<semaphore_mem>>)
    %add3A_178 = arith.constant 20480 : i32
    %add3A_179 = arith.addi %add3A_178, %mul3A_2 : i32
    %dma_start3A_180 = arith.constant 640 : i32
    %dma_start3A_181 = tpu.memref_slice %arg17[%dma_start3A_180] : memref<1280xf32, #tpu.memory_space<vmem>> -> memref<160xf32, #tpu.memory_space<vmem>>
    %dma_start3A_182 = tpu.memref_slice %arg7[%add3A_179] : memref<40960xf32, #tpu.memory_space<hbm>> -> memref<160xf32, #tpu.memory_space<hbm>>
    %dma_start3A_183 = tpu.memref_slice %arg7[%add3A_179] : memref<40960xf32, #tpu.memory_space<hbm>> -> memref<160xf32, #tpu.memory_space<hbm>>
    %dma_start3A_184 = arith.constant 640 : i32
    %dma_start3A_185 = tpu.memref_slice %arg17[%dma_start3A_184] : memref<1280xf32, #tpu.memory_space<vmem>> -> memref<160xf32, #tpu.memory_space<vmem>>
    tpu.enqueue_dma source(%dma_start3A_185 : memref<160xf32, #tpu.memory_space<vmem>>) target(%dma_start3A_183 : memref<160xf32, #tpu.memory_space<hbm>>) target_semaphore(%arg22 : memref<!tpu.dma_semaphore, #tpu.memory_space<semaphore_mem>>)
    %add3A_186 = arith.constant 25600 : i32
    %add3A_187 = arith.addi %add3A_186, %mul3A_2 : i32
    %dma_start3A_188 = arith.constant 800 : i32
    %dma_start3A_189 = tpu.memref_slice %arg17[%dma_start3A_188] : memref<1280xf32, #tpu.memory_space<vmem>> -> memref<160xf32, #tpu.memory_space<vmem>>
    %dma_start3A_190 = tpu.memref_slice %arg7[%add3A_187] : memref<40960xf32, #tpu.memory_space<hbm>> -> memref<160xf32, #tpu.memory_space<hbm>>
    %dma_start3A_191 = tpu.memref_slice %arg7[%add3A_187] : memref<40960xf32, #tpu.memory_space<hbm>> -> memref<160xf32, #tpu.memory_space<hbm>>
    %dma_start3A_192 = arith.constant 800 : i32
    %dma_start3A_193 = tpu.memref_slice %arg17[%dma_start3A_192] : memref<1280xf32, #tpu.memory_space<vmem>> -> memref<160xf32, #tpu.memory_space<vmem>>
    tpu.enqueue_dma source(%dma_start3A_193 : memref<160xf32, #tpu.memory_space<vmem>>) target(%dma_start3A_191 : memref<160xf32, #tpu.memory_space<hbm>>) target_semaphore(%arg22 : memref<!tpu.dma_semaphore, #tpu.memory_space<semaphore_mem>>)
    %add3A_194 = arith.constant 30720 : i32
    %add3A_195 = arith.addi %add3A_194, %mul3A_2 : i32
    %dma_start3A_196 = arith.constant 960 : i32
    %dma_start3A_197 = tpu.memref_slice %arg17[%dma_start3A_196] : memref<1280xf32, #tpu.memory_space<vmem>> -> memref<160xf32, #tpu.memory_space<vmem>>
    %dma_start3A_198 = tpu.memref_slice %arg7[%add3A_195] : memref<40960xf32, #tpu.memory_space<hbm>> -> memref<160xf32, #tpu.memory_space<hbm>>
    %dma_start3A_199 = tpu.memref_slice %arg7[%add3A_195] : memref<40960xf32, #tpu.memory_space<hbm>> -> memref<160xf32, #tpu.memory_space<hbm>>
    %dma_start3A_200 = arith.constant 960 : i32
    %dma_start3A_201 = tpu.memref_slice %arg17[%dma_start3A_200] : memref<1280xf32, #tpu.memory_space<vmem>> -> memref<160xf32, #tpu.memory_space<vmem>>
    tpu.enqueue_dma source(%dma_start3A_201 : memref<160xf32, #tpu.memory_space<vmem>>) target(%dma_start3A_199 : memref<160xf32, #tpu.memory_space<hbm>>) target_semaphore(%arg22 : memref<!tpu.dma_semaphore, #tpu.memory_space<semaphore_mem>>)
    %add3A_202 = arith.constant 35840 : i32
    %add3A_203 = arith.addi %add3A_202, %mul3A_2 : i32
    %dma_start3A_204 = arith.constant 1120 : i32
    %dma_start3A_205 = tpu.memref_slice %arg17[%dma_start3A_204] : memref<1280xf32, #tpu.memory_space<vmem>> -> memref<160xf32, #tpu.memory_space<vmem>>
    %dma_start3A_206 = tpu.memref_slice %arg7[%add3A_203] : memref<40960xf32, #tpu.memory_space<hbm>> -> memref<160xf32, #tpu.memory_space<hbm>>
    %dma_start3A_207 = tpu.memref_slice %arg7[%add3A_203] : memref<40960xf32, #tpu.memory_space<hbm>> -> memref<160xf32, #tpu.memory_space<hbm>>
    %dma_start3A_208 = arith.constant 1120 : i32
    %dma_start3A_209 = tpu.memref_slice %arg17[%dma_start3A_208] : memref<1280xf32, #tpu.memory_space<vmem>> -> memref<160xf32, #tpu.memory_space<vmem>>
    tpu.enqueue_dma source(%dma_start3A_209 : memref<160xf32, #tpu.memory_space<vmem>>) target(%dma_start3A_207 : memref<160xf32, #tpu.memory_space<hbm>>) target_semaphore(%arg22 : memref<!tpu.dma_semaphore, #tpu.memory_space<semaphore_mem>>)
    %add3A_210 = arith.constant 0 : i32
    %add3A_211 = arith.addi %add3A_210, %mul3A_2 : i32
    %dma_start3A_212 = arith.constant 0 : i32
    %dma_start3A_213 = tpu.memref_slice %arg18[%dma_start3A_212] : memref<960xf32, #tpu.memory_space<vmem>> -> memref<160xf32, #tpu.memory_space<vmem>>
    %dma_start3A_214 = tpu.memref_slice %arg8[%add3A_211] : memref<30720xf32, #tpu.memory_space<hbm>> -> memref<160xf32, #tpu.memory_space<hbm>>
    %dma_start3A_215 = tpu.memref_slice %arg8[%add3A_211] : memref<30720xf32, #tpu.memory_space<hbm>> -> memref<160xf32, #tpu.memory_space<hbm>>
    %dma_start3A_216 = arith.constant 0 : i32
    %dma_start3A_217 = tpu.memref_slice %arg18[%dma_start3A_216] : memref<960xf32, #tpu.memory_space<vmem>> -> memref<160xf32, #tpu.memory_space<vmem>>
    tpu.enqueue_dma source(%dma_start3A_217 : memref<160xf32, #tpu.memory_space<vmem>>) target(%dma_start3A_215 : memref<160xf32, #tpu.memory_space<hbm>>) target_semaphore(%arg22 : memref<!tpu.dma_semaphore, #tpu.memory_space<semaphore_mem>>)
    %add3A_218 = arith.constant 0 : i32
    %add3A_219 = arith.addi %add3A_218, %mul3A_2 : i32
    %dma_start3A_220 = arith.constant 0 : i32
    %dma_start3A_221 = tpu.memref_slice %arg19[%dma_start3A_220] : memref<960xf32, #tpu.memory_space<vmem>> -> memref<160xf32, #tpu.memory_space<vmem>>
    %dma_start3A_222 = tpu.memref_slice %arg9[%add3A_219] : memref<30720xf32, #tpu.memory_space<hbm>> -> memref<160xf32, #tpu.memory_space<hbm>>
    %dma_start3A_223 = tpu.memref_slice %arg9[%add3A_219] : memref<30720xf32, #tpu.memory_space<hbm>> -> memref<160xf32, #tpu.memory_space<hbm>>
    %dma_start3A_224 = arith.constant 0 : i32
    %dma_start3A_225 = tpu.memref_slice %arg19[%dma_start3A_224] : memref<960xf32, #tpu.memory_space<vmem>> -> memref<160xf32, #tpu.memory_space<vmem>>
    tpu.enqueue_dma source(%dma_start3A_225 : memref<160xf32, #tpu.memory_space<vmem>>) target(%dma_start3A_223 : memref<160xf32, #tpu.memory_space<hbm>>) target_semaphore(%arg22 : memref<!tpu.dma_semaphore, #tpu.memory_space<semaphore_mem>>)
    %add3A_226 = arith.constant 5120 : i32
    %add3A_227 = arith.addi %add3A_226, %mul3A_2 : i32
    %dma_start3A_228 = arith.constant 160 : i32
    %dma_start3A_229 = tpu.memref_slice %arg18[%dma_start3A_228] : memref<960xf32, #tpu.memory_space<vmem>> -> memref<160xf32, #tpu.memory_space<vmem>>
    %dma_start3A_230 = tpu.memref_slice %arg8[%add3A_227] : memref<30720xf32, #tpu.memory_space<hbm>> -> memref<160xf32, #tpu.memory_space<hbm>>
    %dma_start3A_231 = tpu.memref_slice %arg8[%add3A_227] : memref<30720xf32, #tpu.memory_space<hbm>> -> memref<160xf32, #tpu.memory_space<hbm>>
    %dma_start3A_232 = arith.constant 160 : i32
    %dma_start3A_233 = tpu.memref_slice %arg18[%dma_start3A_232] : memref<960xf32, #tpu.memory_space<vmem>> -> memref<160xf32, #tpu.memory_space<vmem>>
    tpu.enqueue_dma source(%dma_start3A_233 : memref<160xf32, #tpu.memory_space<vmem>>) target(%dma_start3A_231 : memref<160xf32, #tpu.memory_space<hbm>>) target_semaphore(%arg22 : memref<!tpu.dma_semaphore, #tpu.memory_space<semaphore_mem>>)
    %add3A_234 = arith.constant 5120 : i32
    %add3A_235 = arith.addi %add3A_234, %mul3A_2 : i32
    %dma_start3A_236 = arith.constant 160 : i32
    %dma_start3A_237 = tpu.memref_slice %arg19[%dma_start3A_236] : memref<960xf32, #tpu.memory_space<vmem>> -> memref<160xf32, #tpu.memory_space<vmem>>
    %dma_start3A_238 = tpu.memref_slice %arg9[%add3A_235] : memref<30720xf32, #tpu.memory_space<hbm>> -> memref<160xf32, #tpu.memory_space<hbm>>
    %dma_start3A_239 = tpu.memref_slice %arg9[%add3A_235] : memref<30720xf32, #tpu.memory_space<hbm>> -> memref<160xf32, #tpu.memory_space<hbm>>
    %dma_start3A_240 = arith.constant 160 : i32
    %dma_start3A_241 = tpu.memref_slice %arg19[%dma_start3A_240] : memref<960xf32, #tpu.memory_space<vmem>> -> memref<160xf32, #tpu.memory_space<vmem>>
    tpu.enqueue_dma source(%dma_start3A_241 : memref<160xf32, #tpu.memory_space<vmem>>) target(%dma_start3A_239 : memref<160xf32, #tpu.memory_space<hbm>>) target_semaphore(%arg22 : memref<!tpu.dma_semaphore, #tpu.memory_space<semaphore_mem>>)
    %add3A_242 = arith.constant 10240 : i32
    %add3A_243 = arith.addi %add3A_242, %mul3A_2 : i32
    %dma_start3A_244 = arith.constant 320 : i32
    %dma_start3A_245 = tpu.memref_slice %arg18[%dma_start3A_244] : memref<960xf32, #tpu.memory_space<vmem>> -> memref<160xf32, #tpu.memory_space<vmem>>
    %dma_start3A_246 = tpu.memref_slice %arg8[%add3A_243] : memref<30720xf32, #tpu.memory_space<hbm>> -> memref<160xf32, #tpu.memory_space<hbm>>
    %dma_start3A_247 = tpu.memref_slice %arg8[%add3A_243] : memref<30720xf32, #tpu.memory_space<hbm>> -> memref<160xf32, #tpu.memory_space<hbm>>
    %dma_start3A_248 = arith.constant 320 : i32
    %dma_start3A_249 = tpu.memref_slice %arg18[%dma_start3A_248] : memref<960xf32, #tpu.memory_space<vmem>> -> memref<160xf32, #tpu.memory_space<vmem>>
    tpu.enqueue_dma source(%dma_start3A_249 : memref<160xf32, #tpu.memory_space<vmem>>) target(%dma_start3A_247 : memref<160xf32, #tpu.memory_space<hbm>>) target_semaphore(%arg22 : memref<!tpu.dma_semaphore, #tpu.memory_space<semaphore_mem>>)
    %add3A_250 = arith.constant 10240 : i32
    %add3A_251 = arith.addi %add3A_250, %mul3A_2 : i32
    %dma_start3A_252 = arith.constant 320 : i32
    %dma_start3A_253 = tpu.memref_slice %arg19[%dma_start3A_252] : memref<960xf32, #tpu.memory_space<vmem>> -> memref<160xf32, #tpu.memory_space<vmem>>
    %dma_start3A_254 = tpu.memref_slice %arg9[%add3A_251] : memref<30720xf32, #tpu.memory_space<hbm>> -> memref<160xf32, #tpu.memory_space<hbm>>
    %dma_start3A_255 = tpu.memref_slice %arg9[%add3A_251] : memref<30720xf32, #tpu.memory_space<hbm>> -> memref<160xf32, #tpu.memory_space<hbm>>
    %dma_start3A_256 = arith.constant 320 : i32
    %dma_start3A_257 = tpu.memref_slice %arg19[%dma_start3A_256] : memref<960xf32, #tpu.memory_space<vmem>> -> memref<160xf32, #tpu.memory_space<vmem>>
    tpu.enqueue_dma source(%dma_start3A_257 : memref<160xf32, #tpu.memory_space<vmem>>) target(%dma_start3A_255 : memref<160xf32, #tpu.memory_space<hbm>>) target_semaphore(%arg22 : memref<!tpu.dma_semaphore, #tpu.memory_space<semaphore_mem>>)
    %add3A_258 = arith.constant 15360 : i32
    %add3A_259 = arith.addi %add3A_258, %mul3A_2 : i32
    %dma_start3A_260 = arith.constant 480 : i32
    %dma_start3A_261 = tpu.memref_slice %arg18[%dma_start3A_260] : memref<960xf32, #tpu.memory_space<vmem>> -> memref<160xf32, #tpu.memory_space<vmem>>
    %dma_start3A_262 = tpu.memref_slice %arg8[%add3A_259] : memref<30720xf32, #tpu.memory_space<hbm>> -> memref<160xf32, #tpu.memory_space<hbm>>
    %dma_start3A_263 = tpu.memref_slice %arg8[%add3A_259] : memref<30720xf32, #tpu.memory_space<hbm>> -> memref<160xf32, #tpu.memory_space<hbm>>
    %dma_start3A_264 = arith.constant 480 : i32
    %dma_start3A_265 = tpu.memref_slice %arg18[%dma_start3A_264] : memref<960xf32, #tpu.memory_space<vmem>> -> memref<160xf32, #tpu.memory_space<vmem>>
    tpu.enqueue_dma source(%dma_start3A_265 : memref<160xf32, #tpu.memory_space<vmem>>) target(%dma_start3A_263 : memref<160xf32, #tpu.memory_space<hbm>>) target_semaphore(%arg22 : memref<!tpu.dma_semaphore, #tpu.memory_space<semaphore_mem>>)
    %add3A_266 = arith.constant 15360 : i32
    %add3A_267 = arith.addi %add3A_266, %mul3A_2 : i32
    %dma_start3A_268 = arith.constant 480 : i32
    %dma_start3A_269 = tpu.memref_slice %arg19[%dma_start3A_268] : memref<960xf32, #tpu.memory_space<vmem>> -> memref<160xf32, #tpu.memory_space<vmem>>
    %dma_start3A_270 = tpu.memref_slice %arg9[%add3A_267] : memref<30720xf32, #tpu.memory_space<hbm>> -> memref<160xf32, #tpu.memory_space<hbm>>
    %dma_start3A_271 = tpu.memref_slice %arg9[%add3A_267] : memref<30720xf32, #tpu.memory_space<hbm>> -> memref<160xf32, #tpu.memory_space<hbm>>
    %dma_start3A_272 = arith.constant 480 : i32
    %dma_start3A_273 = tpu.memref_slice %arg19[%dma_start3A_272] : memref<960xf32, #tpu.memory_space<vmem>> -> memref<160xf32, #tpu.memory_space<vmem>>
    tpu.enqueue_dma source(%dma_start3A_273 : memref<160xf32, #tpu.memory_space<vmem>>) target(%dma_start3A_271 : memref<160xf32, #tpu.memory_space<hbm>>) target_semaphore(%arg22 : memref<!tpu.dma_semaphore, #tpu.memory_space<semaphore_mem>>)
    %add3A_274 = arith.constant 20480 : i32
    %add3A_275 = arith.addi %add3A_274, %mul3A_2 : i32
    %dma_start3A_276 = arith.constant 640 : i32
    %dma_start3A_277 = tpu.memref_slice %arg18[%dma_start3A_276] : memref<960xf32, #tpu.memory_space<vmem>> -> memref<160xf32, #tpu.memory_space<vmem>>
    %dma_start3A_278 = tpu.memref_slice %arg8[%add3A_275] : memref<30720xf32, #tpu.memory_space<hbm>> -> memref<160xf32, #tpu.memory_space<hbm>>
    %dma_start3A_279 = tpu.memref_slice %arg8[%add3A_275] : memref<30720xf32, #tpu.memory_space<hbm>> -> memref<160xf32, #tpu.memory_space<hbm>>
    %dma_start3A_280 = arith.constant 640 : i32
    %dma_start3A_281 = tpu.memref_slice %arg18[%dma_start3A_280] : memref<960xf32, #tpu.memory_space<vmem>> -> memref<160xf32, #tpu.memory_space<vmem>>
    tpu.enqueue_dma source(%dma_start3A_281 : memref<160xf32, #tpu.memory_space<vmem>>) target(%dma_start3A_279 : memref<160xf32, #tpu.memory_space<hbm>>) target_semaphore(%arg22 : memref<!tpu.dma_semaphore, #tpu.memory_space<semaphore_mem>>)
    %add3A_282 = arith.constant 20480 : i32
    %add3A_283 = arith.addi %add3A_282, %mul3A_2 : i32
    %dma_start3A_284 = arith.constant 640 : i32
    %dma_start3A_285 = tpu.memref_slice %arg19[%dma_start3A_284] : memref<960xf32, #tpu.memory_space<vmem>> -> memref<160xf32, #tpu.memory_space<vmem>>
    %dma_start3A_286 = tpu.memref_slice %arg9[%add3A_283] : memref<30720xf32, #tpu.memory_space<hbm>> -> memref<160xf32, #tpu.memory_space<hbm>>
    %dma_start3A_287 = tpu.memref_slice %arg9[%add3A_283] : memref<30720xf32, #tpu.memory_space<hbm>> -> memref<160xf32, #tpu.memory_space<hbm>>
    %dma_start3A_288 = arith.constant 640 : i32
    %dma_start3A_289 = tpu.memref_slice %arg19[%dma_start3A_288] : memref<960xf32, #tpu.memory_space<vmem>> -> memref<160xf32, #tpu.memory_space<vmem>>
    tpu.enqueue_dma source(%dma_start3A_289 : memref<160xf32, #tpu.memory_space<vmem>>) target(%dma_start3A_287 : memref<160xf32, #tpu.memory_space<hbm>>) target_semaphore(%arg22 : memref<!tpu.dma_semaphore, #tpu.memory_space<semaphore_mem>>)
    %add3A_290 = arith.constant 25600 : i32
    %add3A_291 = arith.addi %add3A_290, %mul3A_2 : i32
    %dma_start3A_292 = arith.constant 800 : i32
    %dma_start3A_293 = tpu.memref_slice %arg18[%dma_start3A_292] : memref<960xf32, #tpu.memory_space<vmem>> -> memref<160xf32, #tpu.memory_space<vmem>>
    %dma_start3A_294 = tpu.memref_slice %arg8[%add3A_291] : memref<30720xf32, #tpu.memory_space<hbm>> -> memref<160xf32, #tpu.memory_space<hbm>>
    %dma_start3A_295 = tpu.memref_slice %arg8[%add3A_291] : memref<30720xf32, #tpu.memory_space<hbm>> -> memref<160xf32, #tpu.memory_space<hbm>>
    %dma_start3A_296 = arith.constant 800 : i32
    %dma_start3A_297 = tpu.memref_slice %arg18[%dma_start3A_296] : memref<960xf32, #tpu.memory_space<vmem>> -> memref<160xf32, #tpu.memory_space<vmem>>
    tpu.enqueue_dma source(%dma_start3A_297 : memref<160xf32, #tpu.memory_space<vmem>>) target(%dma_start3A_295 : memref<160xf32, #tpu.memory_space<hbm>>) target_semaphore(%arg22 : memref<!tpu.dma_semaphore, #tpu.memory_space<semaphore_mem>>)
    %add3A_298 = arith.constant 25600 : i32
    %add3A_299 = arith.addi %add3A_298, %mul3A_2 : i32
    %dma_start3A_300 = arith.constant 800 : i32
    %dma_start3A_301 = tpu.memref_slice %arg19[%dma_start3A_300] : memref<960xf32, #tpu.memory_space<vmem>> -> memref<160xf32, #tpu.memory_space<vmem>>
    %dma_start3A_302 = tpu.memref_slice %arg9[%add3A_299] : memref<30720xf32, #tpu.memory_space<hbm>> -> memref<160xf32, #tpu.memory_space<hbm>>
    %dma_start3A_303 = tpu.memref_slice %arg9[%add3A_299] : memref<30720xf32, #tpu.memory_space<hbm>> -> memref<160xf32, #tpu.memory_space<hbm>>
    %dma_start3A_304 = arith.constant 800 : i32
    %dma_start3A_305 = tpu.memref_slice %arg19[%dma_start3A_304] : memref<960xf32, #tpu.memory_space<vmem>> -> memref<160xf32, #tpu.memory_space<vmem>>
    tpu.enqueue_dma source(%dma_start3A_305 : memref<160xf32, #tpu.memory_space<vmem>>) target(%dma_start3A_303 : memref<160xf32, #tpu.memory_space<hbm>>) target_semaphore(%arg22 : memref<!tpu.dma_semaphore, #tpu.memory_space<semaphore_mem>>)
    %mul3A_306 = arith.constant 32 : i32
    %mul3A_307 = arith.muli %mul3A_2, %mul3A_306 : i32
    %dma_start3A_308 = tpu.memref_slice %arg10[%mul3A_307] : memref<163840xf32, #tpu.memory_space<hbm>> -> memref<5120xf32, #tpu.memory_space<hbm>>
    %dma_start3A_309 = tpu.memref_slice %arg10[%mul3A_307] : memref<163840xf32, #tpu.memory_space<hbm>> -> memref<5120xf32, #tpu.memory_space<hbm>>
    tpu.enqueue_dma source(%arg20 : memref<5120xf32, #tpu.memory_space<vmem>>) target(%dma_start3A_309 : memref<5120xf32, #tpu.memory_space<hbm>>) target_semaphore(%arg22 : memref<!tpu.dma_semaphore, #tpu.memory_space<semaphore_mem>>)
    %dma_start3A_310 = tpu.memref_slice %arg11[%mul3A_2] : memref<5120xf32, #tpu.memory_space<hbm>> -> memref<160xf32, #tpu.memory_space<hbm>>
    %dma_start3A_311 = tpu.memref_slice %arg11[%mul3A_2] : memref<5120xf32, #tpu.memory_space<hbm>> -> memref<160xf32, #tpu.memory_space<hbm>>
    tpu.enqueue_dma source(%arg21 : memref<160xf32, #tpu.memory_space<vmem>>) target(%dma_start3A_311 : memref<160xf32, #tpu.memory_space<hbm>>) target_semaphore(%arg22 : memref<!tpu.dma_semaphore, #tpu.memory_space<semaphore_mem>>)
    %dma_wait3A_312 = arith.constant 0 : i32
    %dma_wait3A_313 = tpu.memref_slice %arg17[%dma_wait3A_312] : memref<1280xf32, #tpu.memory_space<vmem>> -> memref<160xf32, #tpu.memory_space<vmem>>
    %dma_wait3A_314 = tpu.memref_slice %arg7[%add3A_147] : memref<40960xf32, #tpu.memory_space<hbm>> -> memref<160xf32, #tpu.memory_space<hbm>>
    %dma_wait3A_315 = tpu.memref_slice %arg7[%add3A_147] : memref<40960xf32, #tpu.memory_space<hbm>> -> memref<160xf32, #tpu.memory_space<hbm>>
    %dma_wait3A_316 = arith.constant 0 : i32
    %dma_wait3A_317 = tpu.memref_slice %arg17[%dma_wait3A_316] : memref<1280xf32, #tpu.memory_space<vmem>> -> memref<160xf32, #tpu.memory_space<vmem>>
    tpu.wait_dma2 semaphore(%arg22 : memref<!tpu.dma_semaphore, #tpu.memory_space<semaphore_mem>>) src(%dma_wait3A_317 : memref<160xf32, #tpu.memory_space<vmem>>) dst(%dma_wait3A_315 : memref<160xf32, #tpu.memory_space<hbm>>)
    %dma_wait3A_318 = arith.constant 160 : i32
    %dma_wait3A_319 = tpu.memref_slice %arg17[%dma_wait3A_318] : memref<1280xf32, #tpu.memory_space<vmem>> -> memref<160xf32, #tpu.memory_space<vmem>>
    %dma_wait3A_320 = tpu.memref_slice %arg7[%add3A_155] : memref<40960xf32, #tpu.memory_space<hbm>> -> memref<160xf32, #tpu.memory_space<hbm>>
    %dma_wait3A_321 = tpu.memref_slice %arg7[%add3A_155] : memref<40960xf32, #tpu.memory_space<hbm>> -> memref<160xf32, #tpu.memory_space<hbm>>
    %dma_wait3A_322 = arith.constant 160 : i32
    %dma_wait3A_323 = tpu.memref_slice %arg17[%dma_wait3A_322] : memref<1280xf32, #tpu.memory_space<vmem>> -> memref<160xf32, #tpu.memory_space<vmem>>
    tpu.wait_dma2 semaphore(%arg22 : memref<!tpu.dma_semaphore, #tpu.memory_space<semaphore_mem>>) src(%dma_wait3A_323 : memref<160xf32, #tpu.memory_space<vmem>>) dst(%dma_wait3A_321 : memref<160xf32, #tpu.memory_space<hbm>>)
    %dma_wait3A_324 = arith.constant 320 : i32
    %dma_wait3A_325 = tpu.memref_slice %arg17[%dma_wait3A_324] : memref<1280xf32, #tpu.memory_space<vmem>> -> memref<160xf32, #tpu.memory_space<vmem>>
    %dma_wait3A_326 = tpu.memref_slice %arg7[%add3A_163] : memref<40960xf32, #tpu.memory_space<hbm>> -> memref<160xf32, #tpu.memory_space<hbm>>
    %dma_wait3A_327 = tpu.memref_slice %arg7[%add3A_163] : memref<40960xf32, #tpu.memory_space<hbm>> -> memref<160xf32, #tpu.memory_space<hbm>>
    %dma_wait3A_328 = arith.constant 320 : i32
    %dma_wait3A_329 = tpu.memref_slice %arg17[%dma_wait3A_328] : memref<1280xf32, #tpu.memory_space<vmem>> -> memref<160xf32, #tpu.memory_space<vmem>>
    tpu.wait_dma2 semaphore(%arg22 : memref<!tpu.dma_semaphore, #tpu.memory_space<semaphore_mem>>) src(%dma_wait3A_329 : memref<160xf32, #tpu.memory_space<vmem>>) dst(%dma_wait3A_327 : memref<160xf32, #tpu.memory_space<hbm>>)
    %dma_wait3A_330 = arith.constant 480 : i32
    %dma_wait3A_331 = tpu.memref_slice %arg17[%dma_wait3A_330] : memref<1280xf32, #tpu.memory_space<vmem>> -> memref<160xf32, #tpu.memory_space<vmem>>
    %dma_wait3A_332 = tpu.memref_slice %arg7[%add3A_171] : memref<40960xf32, #tpu.memory_space<hbm>> -> memref<160xf32, #tpu.memory_space<hbm>>
    %dma_wait3A_333 = tpu.memref_slice %arg7[%add3A_171] : memref<40960xf32, #tpu.memory_space<hbm>> -> memref<160xf32, #tpu.memory_space<hbm>>
    %dma_wait3A_334 = arith.constant 480 : i32
    %dma_wait3A_335 = tpu.memref_slice %arg17[%dma_wait3A_334] : memref<1280xf32, #tpu.memory_space<vmem>> -> memref<160xf32, #tpu.memory_space<vmem>>
    tpu.wait_dma2 semaphore(%arg22 : memref<!tpu.dma_semaphore, #tpu.memory_space<semaphore_mem>>) src(%dma_wait3A_335 : memref<160xf32, #tpu.memory_space<vmem>>) dst(%dma_wait3A_333 : memref<160xf32, #tpu.memory_space<hbm>>)
    %dma_wait3A_336 = arith.constant 640 : i32
    %dma_wait3A_337 = tpu.memref_slice %arg17[%dma_wait3A_336] : memref<1280xf32, #tpu.memory_space<vmem>> -> memref<160xf32, #tpu.memory_space<vmem>>
    %dma_wait3A_338 = tpu.memref_slice %arg7[%add3A_179] : memref<40960xf32, #tpu.memory_space<hbm>> -> memref<160xf32, #tpu.memory_space<hbm>>
    %dma_wait3A_339 = tpu.memref_slice %arg7[%add3A_179] : memref<40960xf32, #tpu.memory_space<hbm>> -> memref<160xf32, #tpu.memory_space<hbm>>
    %dma_wait3A_340 = arith.constant 640 : i32
    %dma_wait3A_341 = tpu.memref_slice %arg17[%dma_wait3A_340] : memref<1280xf32, #tpu.memory_space<vmem>> -> memref<160xf32, #tpu.memory_space<vmem>>
    tpu.wait_dma2 semaphore(%arg22 : memref<!tpu.dma_semaphore, #tpu.memory_space<semaphore_mem>>) src(%dma_wait3A_341 : memref<160xf32, #tpu.memory_space<vmem>>) dst(%dma_wait3A_339 : memref<160xf32, #tpu.memory_space<hbm>>)
    %dma_wait3A_342 = arith.constant 800 : i32
    %dma_wait3A_343 = tpu.memref_slice %arg17[%dma_wait3A_342] : memref<1280xf32, #tpu.memory_space<vmem>> -> memref<160xf32, #tpu.memory_space<vmem>>
    %dma_wait3A_344 = tpu.memref_slice %arg7[%add3A_187] : memref<40960xf32, #tpu.memory_space<hbm>> -> memref<160xf32, #tpu.memory_space<hbm>>
    %dma_wait3A_345 = tpu.memref_slice %arg7[%add3A_187] : memref<40960xf32, #tpu.memory_space<hbm>> -> memref<160xf32, #tpu.memory_space<hbm>>
    %dma_wait3A_346 = arith.constant 800 : i32
    %dma_wait3A_347 = tpu.memref_slice %arg17[%dma_wait3A_346] : memref<1280xf32, #tpu.memory_space<vmem>> -> memref<160xf32, #tpu.memory_space<vmem>>
    tpu.wait_dma2 semaphore(%arg22 : memref<!tpu.dma_semaphore, #tpu.memory_space<semaphore_mem>>) src(%dma_wait3A_347 : memref<160xf32, #tpu.memory_space<vmem>>) dst(%dma_wait3A_345 : memref<160xf32, #tpu.memory_space<hbm>>)
    %dma_wait3A_348 = arith.constant 960 : i32
    %dma_wait3A_349 = tpu.memref_slice %arg17[%dma_wait3A_348] : memref<1280xf32, #tpu.memory_space<vmem>> -> memref<160xf32, #tpu.memory_space<vmem>>
    %dma_wait3A_350 = tpu.memref_slice %arg7[%add3A_195] : memref<40960xf32, #tpu.memory_space<hbm>> -> memref<160xf32, #tpu.memory_space<hbm>>
    %dma_wait3A_351 = tpu.memref_slice %arg7[%add3A_195] : memref<40960xf32, #tpu.memory_space<hbm>> -> memref<160xf32, #tpu.memory_space<hbm>>
    %dma_wait3A_352 = arith.constant 960 : i32
    %dma_wait3A_353 = tpu.memref_slice %arg17[%dma_wait3A_352] : memref<1280xf32, #tpu.memory_space<vmem>> -> memref<160xf32, #tpu.memory_space<vmem>>
    tpu.wait_dma2 semaphore(%arg22 : memref<!tpu.dma_semaphore, #tpu.memory_space<semaphore_mem>>) src(%dma_wait3A_353 : memref<160xf32, #tpu.memory_space<vmem>>) dst(%dma_wait3A_351 : memref<160xf32, #tpu.memory_space<hbm>>)
    %dma_wait3A_354 = arith.constant 1120 : i32
    %dma_wait3A_355 = tpu.memref_slice %arg17[%dma_wait3A_354] : memref<1280xf32, #tpu.memory_space<vmem>> -> memref<160xf32, #tpu.memory_space<vmem>>
    %dma_wait3A_356 = tpu.memref_slice %arg7[%add3A_203] : memref<40960xf32, #tpu.memory_space<hbm>> -> memref<160xf32, #tpu.memory_space<hbm>>
    %dma_wait3A_357 = tpu.memref_slice %arg7[%add3A_203] : memref<40960xf32, #tpu.memory_space<hbm>> -> memref<160xf32, #tpu.memory_space<hbm>>
    %dma_wait3A_358 = arith.constant 1120 : i32
    %dma_wait3A_359 = tpu.memref_slice %arg17[%dma_wait3A_358] : memref<1280xf32, #tpu.memory_space<vmem>> -> memref<160xf32, #tpu.memory_space<vmem>>
    tpu.wait_dma2 semaphore(%arg22 : memref<!tpu.dma_semaphore, #tpu.memory_space<semaphore_mem>>) src(%dma_wait3A_359 : memref<160xf32, #tpu.memory_space<vmem>>) dst(%dma_wait3A_357 : memref<160xf32, #tpu.memory_space<hbm>>)
    %dma_wait3A_360 = arith.constant 0 : i32
    %dma_wait3A_361 = tpu.memref_slice %arg18[%dma_wait3A_360] : memref<960xf32, #tpu.memory_space<vmem>> -> memref<160xf32, #tpu.memory_space<vmem>>
    %dma_wait3A_362 = tpu.memref_slice %arg8[%add3A_211] : memref<30720xf32, #tpu.memory_space<hbm>> -> memref<160xf32, #tpu.memory_space<hbm>>
    %dma_wait3A_363 = tpu.memref_slice %arg8[%add3A_211] : memref<30720xf32, #tpu.memory_space<hbm>> -> memref<160xf32, #tpu.memory_space<hbm>>
    %dma_wait3A_364 = arith.constant 0 : i32
    %dma_wait3A_365 = tpu.memref_slice %arg18[%dma_wait3A_364] : memref<960xf32, #tpu.memory_space<vmem>> -> memref<160xf32, #tpu.memory_space<vmem>>
    tpu.wait_dma2 semaphore(%arg22 : memref<!tpu.dma_semaphore, #tpu.memory_space<semaphore_mem>>) src(%dma_wait3A_365 : memref<160xf32, #tpu.memory_space<vmem>>) dst(%dma_wait3A_363 : memref<160xf32, #tpu.memory_space<hbm>>)
    %dma_wait3A_366 = arith.constant 0 : i32
    %dma_wait3A_367 = tpu.memref_slice %arg19[%dma_wait3A_366] : memref<960xf32, #tpu.memory_space<vmem>> -> memref<160xf32, #tpu.memory_space<vmem>>
    %dma_wait3A_368 = tpu.memref_slice %arg9[%add3A_219] : memref<30720xf32, #tpu.memory_space<hbm>> -> memref<160xf32, #tpu.memory_space<hbm>>
    %dma_wait3A_369 = tpu.memref_slice %arg9[%add3A_219] : memref<30720xf32, #tpu.memory_space<hbm>> -> memref<160xf32, #tpu.memory_space<hbm>>
    %dma_wait3A_370 = arith.constant 0 : i32
    %dma_wait3A_371 = tpu.memref_slice %arg19[%dma_wait3A_370] : memref<960xf32, #tpu.memory_space<vmem>> -> memref<160xf32, #tpu.memory_space<vmem>>
    tpu.wait_dma2 semaphore(%arg22 : memref<!tpu.dma_semaphore, #tpu.memory_space<semaphore_mem>>) src(%dma_wait3A_371 : memref<160xf32, #tpu.memory_space<vmem>>) dst(%dma_wait3A_369 : memref<160xf32, #tpu.memory_space<hbm>>)
    %dma_wait3A_372 = arith.constant 160 : i32
    %dma_wait3A_373 = tpu.memref_slice %arg18[%dma_wait3A_372] : memref<960xf32, #tpu.memory_space<vmem>> -> memref<160xf32, #tpu.memory_space<vmem>>
    %dma_wait3A_374 = tpu.memref_slice %arg8[%add3A_227] : memref<30720xf32, #tpu.memory_space<hbm>> -> memref<160xf32, #tpu.memory_space<hbm>>
    %dma_wait3A_375 = tpu.memref_slice %arg8[%add3A_227] : memref<30720xf32, #tpu.memory_space<hbm>> -> memref<160xf32, #tpu.memory_space<hbm>>
    %dma_wait3A_376 = arith.constant 160 : i32
    %dma_wait3A_377 = tpu.memref_slice %arg18[%dma_wait3A_376] : memref<960xf32, #tpu.memory_space<vmem>> -> memref<160xf32, #tpu.memory_space<vmem>>
    tpu.wait_dma2 semaphore(%arg22 : memref<!tpu.dma_semaphore, #tpu.memory_space<semaphore_mem>>) src(%dma_wait3A_377 : memref<160xf32, #tpu.memory_space<vmem>>) dst(%dma_wait3A_375 : memref<160xf32, #tpu.memory_space<hbm>>)
    %dma_wait3A_378 = arith.constant 160 : i32
    %dma_wait3A_379 = tpu.memref_slice %arg19[%dma_wait3A_378] : memref<960xf32, #tpu.memory_space<vmem>> -> memref<160xf32, #tpu.memory_space<vmem>>
    %dma_wait3A_380 = tpu.memref_slice %arg9[%add3A_235] : memref<30720xf32, #tpu.memory_space<hbm>> -> memref<160xf32, #tpu.memory_space<hbm>>
    %dma_wait3A_381 = tpu.memref_slice %arg9[%add3A_235] : memref<30720xf32, #tpu.memory_space<hbm>> -> memref<160xf32, #tpu.memory_space<hbm>>
    %dma_wait3A_382 = arith.constant 160 : i32
    %dma_wait3A_383 = tpu.memref_slice %arg19[%dma_wait3A_382] : memref<960xf32, #tpu.memory_space<vmem>> -> memref<160xf32, #tpu.memory_space<vmem>>
    tpu.wait_dma2 semaphore(%arg22 : memref<!tpu.dma_semaphore, #tpu.memory_space<semaphore_mem>>) src(%dma_wait3A_383 : memref<160xf32, #tpu.memory_space<vmem>>) dst(%dma_wait3A_381 : memref<160xf32, #tpu.memory_space<hbm>>)
    %dma_wait3A_384 = arith.constant 320 : i32
    %dma_wait3A_385 = tpu.memref_slice %arg18[%dma_wait3A_384] : memref<960xf32, #tpu.memory_space<vmem>> -> memref<160xf32, #tpu.memory_space<vmem>>
    %dma_wait3A_386 = tpu.memref_slice %arg8[%add3A_243] : memref<30720xf32, #tpu.memory_space<hbm>> -> memref<160xf32, #tpu.memory_space<hbm>>
    %dma_wait3A_387 = tpu.memref_slice %arg8[%add3A_243] : memref<30720xf32, #tpu.memory_space<hbm>> -> memref<160xf32, #tpu.memory_space<hbm>>
    %dma_wait3A_388 = arith.constant 320 : i32
    %dma_wait3A_389 = tpu.memref_slice %arg18[%dma_wait3A_388] : memref<960xf32, #tpu.memory_space<vmem>> -> memref<160xf32, #tpu.memory_space<vmem>>
    tpu.wait_dma2 semaphore(%arg22 : memref<!tpu.dma_semaphore, #tpu.memory_space<semaphore_mem>>) src(%dma_wait3A_389 : memref<160xf32, #tpu.memory_space<vmem>>) dst(%dma_wait3A_387 : memref<160xf32, #tpu.memory_space<hbm>>)
    %dma_wait3A_390 = arith.constant 320 : i32
    %dma_wait3A_391 = tpu.memref_slice %arg19[%dma_wait3A_390] : memref<960xf32, #tpu.memory_space<vmem>> -> memref<160xf32, #tpu.memory_space<vmem>>
    %dma_wait3A_392 = tpu.memref_slice %arg9[%add3A_251] : memref<30720xf32, #tpu.memory_space<hbm>> -> memref<160xf32, #tpu.memory_space<hbm>>
    %dma_wait3A_393 = tpu.memref_slice %arg9[%add3A_251] : memref<30720xf32, #tpu.memory_space<hbm>> -> memref<160xf32, #tpu.memory_space<hbm>>
    %dma_wait3A_394 = arith.constant 320 : i32
    %dma_wait3A_395 = tpu.memref_slice %arg19[%dma_wait3A_394] : memref<960xf32, #tpu.memory_space<vmem>> -> memref<160xf32, #tpu.memory_space<vmem>>
    tpu.wait_dma2 semaphore(%arg22 : memref<!tpu.dma_semaphore, #tpu.memory_space<semaphore_mem>>) src(%dma_wait3A_395 : memref<160xf32, #tpu.memory_space<vmem>>) dst(%dma_wait3A_393 : memref<160xf32, #tpu.memory_space<hbm>>)
    %dma_wait3A_396 = arith.constant 480 : i32
    %dma_wait3A_397 = tpu.memref_slice %arg18[%dma_wait3A_396] : memref<960xf32, #tpu.memory_space<vmem>> -> memref<160xf32, #tpu.memory_space<vmem>>
    %dma_wait3A_398 = tpu.memref_slice %arg8[%add3A_259] : memref<30720xf32, #tpu.memory_space<hbm>> -> memref<160xf32, #tpu.memory_space<hbm>>
    %dma_wait3A_399 = tpu.memref_slice %arg8[%add3A_259] : memref<30720xf32, #tpu.memory_space<hbm>> -> memref<160xf32, #tpu.memory_space<hbm>>
    %dma_wait3A_400 = arith.constant 480 : i32
    %dma_wait3A_401 = tpu.memref_slice %arg18[%dma_wait3A_400] : memref<960xf32, #tpu.memory_space<vmem>> -> memref<160xf32, #tpu.memory_space<vmem>>
    tpu.wait_dma2 semaphore(%arg22 : memref<!tpu.dma_semaphore, #tpu.memory_space<semaphore_mem>>) src(%dma_wait3A_401 : memref<160xf32, #tpu.memory_space<vmem>>) dst(%dma_wait3A_399 : memref<160xf32, #tpu.memory_space<hbm>>)
    %dma_wait3A_402 = arith.constant 480 : i32
    %dma_wait3A_403 = tpu.memref_slice %arg19[%dma_wait3A_402] : memref<960xf32, #tpu.memory_space<vmem>> -> memref<160xf32, #tpu.memory_space<vmem>>
    %dma_wait3A_404 = tpu.memref_slice %arg9[%add3A_267] : memref<30720xf32, #tpu.memory_space<hbm>> -> memref<160xf32, #tpu.memory_space<hbm>>
    %dma_wait3A_405 = tpu.memref_slice %arg9[%add3A_267] : memref<30720xf32, #tpu.memory_space<hbm>> -> memref<160xf32, #tpu.memory_space<hbm>>
    %dma_wait3A_406 = arith.constant 480 : i32
    %dma_wait3A_407 = tpu.memref_slice %arg19[%dma_wait3A_406] : memref<960xf32, #tpu.memory_space<vmem>> -> memref<160xf32, #tpu.memory_space<vmem>>
    tpu.wait_dma2 semaphore(%arg22 : memref<!tpu.dma_semaphore, #tpu.memory_space<semaphore_mem>>) src(%dma_wait3A_407 : memref<160xf32, #tpu.memory_space<vmem>>) dst(%dma_wait3A_405 : memref<160xf32, #tpu.memory_space<hbm>>)
    %dma_wait3A_408 = arith.constant 640 : i32
    %dma_wait3A_409 = tpu.memref_slice %arg18[%dma_wait3A_408] : memref<960xf32, #tpu.memory_space<vmem>> -> memref<160xf32, #tpu.memory_space<vmem>>
    %dma_wait3A_410 = tpu.memref_slice %arg8[%add3A_275] : memref<30720xf32, #tpu.memory_space<hbm>> -> memref<160xf32, #tpu.memory_space<hbm>>
    %dma_wait3A_411 = tpu.memref_slice %arg8[%add3A_275] : memref<30720xf32, #tpu.memory_space<hbm>> -> memref<160xf32, #tpu.memory_space<hbm>>
    %dma_wait3A_412 = arith.constant 640 : i32
    %dma_wait3A_413 = tpu.memref_slice %arg18[%dma_wait3A_412] : memref<960xf32, #tpu.memory_space<vmem>> -> memref<160xf32, #tpu.memory_space<vmem>>
    tpu.wait_dma2 semaphore(%arg22 : memref<!tpu.dma_semaphore, #tpu.memory_space<semaphore_mem>>) src(%dma_wait3A_413 : memref<160xf32, #tpu.memory_space<vmem>>) dst(%dma_wait3A_411 : memref<160xf32, #tpu.memory_space<hbm>>)
    %dma_wait3A_414 = arith.constant 640 : i32
    %dma_wait3A_415 = tpu.memref_slice %arg19[%dma_wait3A_414] : memref<960xf32, #tpu.memory_space<vmem>> -> memref<160xf32, #tpu.memory_space<vmem>>
    %dma_wait3A_416 = tpu.memref_slice %arg9[%add3A_283] : memref<30720xf32, #tpu.memory_space<hbm>> -> memref<160xf32, #tpu.memory_space<hbm>>
    %dma_wait3A_417 = tpu.memref_slice %arg9[%add3A_283] : memref<30720xf32, #tpu.memory_space<hbm>> -> memref<160xf32, #tpu.memory_space<hbm>>
    %dma_wait3A_418 = arith.constant 640 : i32
    %dma_wait3A_419 = tpu.memref_slice %arg19[%dma_wait3A_418] : memref<960xf32, #tpu.memory_space<vmem>> -> memref<160xf32, #tpu.memory_space<vmem>>
    tpu.wait_dma2 semaphore(%arg22 : memref<!tpu.dma_semaphore, #tpu.memory_space<semaphore_mem>>) src(%dma_wait3A_419 : memref<160xf32, #tpu.memory_space<vmem>>) dst(%dma_wait3A_417 : memref<160xf32, #tpu.memory_space<hbm>>)
    %dma_wait3A_420 = arith.constant 800 : i32
    %dma_wait3A_421 = tpu.memref_slice %arg18[%dma_wait3A_420] : memref<960xf32, #tpu.memory_space<vmem>> -> memref<160xf32, #tpu.memory_space<vmem>>
    %dma_wait3A_422 = tpu.memref_slice %arg8[%add3A_291] : memref<30720xf32, #tpu.memory_space<hbm>> -> memref<160xf32, #tpu.memory_space<hbm>>
    %dma_wait3A_423 = tpu.memref_slice %arg8[%add3A_291] : memref<30720xf32, #tpu.memory_space<hbm>> -> memref<160xf32, #tpu.memory_space<hbm>>
    %dma_wait3A_424 = arith.constant 800 : i32
    %dma_wait3A_425 = tpu.memref_slice %arg18[%dma_wait3A_424] : memref<960xf32, #tpu.memory_space<vmem>> -> memref<160xf32, #tpu.memory_space<vmem>>
    tpu.wait_dma2 semaphore(%arg22 : memref<!tpu.dma_semaphore, #tpu.memory_space<semaphore_mem>>) src(%dma_wait3A_425 : memref<160xf32, #tpu.memory_space<vmem>>) dst(%dma_wait3A_423 : memref<160xf32, #tpu.memory_space<hbm>>)
    %dma_wait3A_426 = arith.constant 800 : i32
    %dma_wait3A_427 = tpu.memref_slice %arg19[%dma_wait3A_426] : memref<960xf32, #tpu.memory_space<vmem>> -> memref<160xf32, #tpu.memory_space<vmem>>
    %dma_wait3A_428 = tpu.memref_slice %arg9[%add3A_299] : memref<30720xf32, #tpu.memory_space<hbm>> -> memref<160xf32, #tpu.memory_space<hbm>>
    %dma_wait3A_429 = tpu.memref_slice %arg9[%add3A_299] : memref<30720xf32, #tpu.memory_space<hbm>> -> memref<160xf32, #tpu.memory_space<hbm>>
    %dma_wait3A_430 = arith.constant 800 : i32
    %dma_wait3A_431 = tpu.memref_slice %arg19[%dma_wait3A_430] : memref<960xf32, #tpu.memory_space<vmem>> -> memref<160xf32, #tpu.memory_space<vmem>>
    tpu.wait_dma2 semaphore(%arg22 : memref<!tpu.dma_semaphore, #tpu.memory_space<semaphore_mem>>) src(%dma_wait3A_431 : memref<160xf32, #tpu.memory_space<vmem>>) dst(%dma_wait3A_429 : memref<160xf32, #tpu.memory_space<hbm>>)
    %dma_wait3A_432 = tpu.memref_slice %arg10[%mul3A_307] : memref<163840xf32, #tpu.memory_space<hbm>> -> memref<5120xf32, #tpu.memory_space<hbm>>
    %dma_wait3A_433 = tpu.memref_slice %arg10[%mul3A_307] : memref<163840xf32, #tpu.memory_space<hbm>> -> memref<5120xf32, #tpu.memory_space<hbm>>
    tpu.wait_dma2 semaphore(%arg22 : memref<!tpu.dma_semaphore, #tpu.memory_space<semaphore_mem>>) src(%arg20 : memref<5120xf32, #tpu.memory_space<vmem>>) dst(%dma_wait3A_433 : memref<5120xf32, #tpu.memory_space<hbm>>)
    %dma_wait3A_434 = tpu.memref_slice %arg11[%mul3A_2] : memref<5120xf32, #tpu.memory_space<hbm>> -> memref<160xf32, #tpu.memory_space<hbm>>
    %dma_wait3A_435 = tpu.memref_slice %arg11[%mul3A_2] : memref<5120xf32, #tpu.memory_space<hbm>> -> memref<160xf32, #tpu.memory_space<hbm>>
    tpu.wait_dma2 semaphore(%arg22 : memref<!tpu.dma_semaphore, #tpu.memory_space<semaphore_mem>>) src(%arg21 : memref<160xf32, #tpu.memory_space<vmem>>) dst(%dma_wait3A_435 : memref<160xf32, #tpu.memory_space<hbm>>)
    return
  }
}

module attributes {stable_mosaic.version = 14 : i64} {
  func.func @_tc_body(%arg0: i32, %arg1: i32, %arg2: memref<20x10xi32, #tpu.memory_space<smem>>, %arg3: memref<256x32xf32, #tpu.memory_space<vmem>>, %arg4: memref<2x4x512xf32, #tpu.memory_space<vmem>>, %arg5: memref<6x256xf32, #tpu.memory_space<vmem>>, %arg6: memref<6x512xf32, #tpu.memory_space<vmem>>, %arg7: memref<256x1xf32, #tpu.memory_space<vmem>>, %arg8: memref<1x1xf32, #tpu.memory_space<smem>>) attributes {dimension_semantics = [#tpu.dimension_semantics<arbitrary>, #tpu.dimension_semantics<arbitrary>], iteration_bounds = array<i64: 20, 10>, scalar_prefetch = 0 : i64, scratch_operands = 0 : i64, tpu.core_type = #tpu.core_type<tc>, window_params = [{transform_indices = @transform_0, window_bounds = array<i64: 20, 10>}, {transform_indices = @transform_1, window_bounds = array<i64: 256, 32>}, {transform_indices = @transform_2, window_bounds = array<i64: 2, 4, 512>}, {transform_indices = @transform_3, window_bounds = array<i64: 6, 256>}, {transform_indices = @transform_4, window_bounds = array<i64: 6, 512>}, {transform_indices = @transform_5, window_bounds = array<i64: 256, 1>}, {transform_indices = @transform_6, window_bounds = array<i64: 1, 1>}]} {
    %eq3A = arith.constant 0 : i32
    %eq3A_0 = arith.cmpi eq, %arg0, %eq3A : i32
    %eq3A_1 = arith.constant 0 : i32
    %eq3A_2 = arith.cmpi eq, %arg1, %eq3A_1 : i32
    %and3A = arith.andi %eq3A_0, %eq3A_2 : i1
    %convert_element_type3A = arith.extui %and3A : i1 to i32
    %cond3A = arith.constant 0 : i32
    %cond3A_3 = arith.cmpi ne, %convert_element_type3A, %cond3A : i32
    scf.if %cond3A_3 {
      %swap3A = arith.constant 0.000000e+00 : f32
      %swap3A_18 = arith.constant 0 : index
      %swap3A_19 = arith.constant 0 : index
      %swap3A_20 = memref.load %arg8[%swap3A_18, %swap3A_19] : memref<1x1xf32, #tpu.memory_space<smem>>
      memref.store %swap3A, %arg8[%swap3A_18, %swap3A_19] : memref<1x1xf32, #tpu.memory_space<smem>>
    } else {
    }
    %get3A = arith.index_cast %arg0 : i32 to index
    %get3A_4 = arith.index_cast %arg1 : i32 to index
    %get3A_5 = memref.load %arg2[%get3A, %get3A_4] : memref<20x10xi32, #tpu.memory_space<smem>>
    %ne3A = arith.constant 0 : i32
    %ne3A_6 = arith.cmpi ne, %get3A_5, %ne3A : i32
    %convert_element_type3A_7 = arith.extui %ne3A_6 : i1 to i32
    %cond3A_8 = arith.constant 0 : i32
    %cond3A_9 = arith.cmpi ne, %convert_element_type3A_7, %cond3A_8 : i32
    scf.if %cond3A_9 {
      %get3A_18 = arith.constant 0 : index
      %get3A_19 = arith.constant 0 : index
      %get3A_20 = vector.load %arg5[%get3A_18, %get3A_19] : memref<6x256xf32, #tpu.memory_space<vmem>>, vector<6x256xf32>
      %get3A_21 = arith.constant 0 : index
      %get3A_22 = arith.constant 0 : index
      %get3A_23 = vector.load %arg6[%get3A_21, %get3A_22] : memref<6x512xf32, #tpu.memory_space<vmem>>, vector<6x512xf32>
      %dot_general3A = arith.constant dense<0.000000e+00> : vector<256x512xf32>
      %dot_general3A_24 = tpu.matmul %get3A_20, %get3A_23, %dot_general3A {dimension_numbers = #tpu.dot_dimension_numbers<[0], [0], [1], [1], [0, 1, 1, 1], [], []>, precision = #tpu.contract_precision<fp32>, transpose_lhs_hint = false} : vector<6x256xf32>, vector<6x512xf32>, vector<256x512xf32> -> vector<256x512xf32>
      %iota3A = tpu.iota {dimensions = array<i32: 0>} : vector<256x512xi32>
      %mul3A = arith.constant 256 : i32
      %mul3A_25 = arith.muli %arg0, %mul3A : i32
      %add3A = vector.broadcast %mul3A_25 : i32 to vector<256x512xi32>
      %add3A_26 = arith.addi %iota3A, %add3A : vector<256x512xi32>
      %iota3A_27 = tpu.iota {dimensions = array<i32: 1>} : vector<256x512xi32>
      %mul3A_28 = arith.constant 512 : i32
      %mul3A_29 = arith.muli %arg1, %mul3A_28 : i32
      %add3A_30 = vector.broadcast %mul3A_29 : i32 to vector<256x512xi32>
      %add3A_31 = arith.addi %iota3A_27, %add3A_30 : vector<256x512xi32>
      %lt3A = arith.constant 1.000000e+00 : f32
      %lt3A_32 = vector.broadcast %lt3A : f32 to vector<256x512xf32>
      %lt3A_33 = arith.cmpf olt, %dot_general3A_24, %lt3A_32 : vector<256x512xf32>
      %ne3A_34 = arith.cmpi ne, %add3A_26, %add3A_31 : vector<256x512xi32>
      %and3A_35 = arith.andi %lt3A_33, %ne3A_34 : vector<256x512xi1>
      %get3A_36 = arith.constant 5 : index
      %get3A_37 = arith.constant 0 : index
      %get3A_38 = vector.load %arg6[%get3A_36, %get3A_37] : memref<6x512xf32, #tpu.memory_space<vmem>>, vector<1x512xf32>
      %broadcast_in_dim3A = arith.constant -1.000000e+00 : f32
      %broadcast_in_dim3A_39 = vector.broadcast %broadcast_in_dim3A : f32 to vector<256x512xf32>
      %get3A_40 = arith.constant 0 : index
      %get3A_41 = arith.constant 0 : index
      %get3A_42 = arith.constant 0 : index
      %get3A_43 = vector.load %arg4[%get3A_40, %get3A_41, %get3A_42] : memref<2x4x512xf32, #tpu.memory_space<vmem>>, vector<1x1x512xf32>
      %get3A_44 = vector.shape_cast %get3A_43 : vector<1x1x512xf32> to vector<1x512xf32>
      %get3A_45 = arith.constant 0 : index
      %get3A_46 = arith.constant 1 : index
      %get3A_47 = arith.constant 0 : index
      %get3A_48 = vector.load %arg4[%get3A_45, %get3A_46, %get3A_47] : memref<2x4x512xf32, #tpu.memory_space<vmem>>, vector<1x1x512xf32>
      %get3A_49 = vector.shape_cast %get3A_48 : vector<1x1x512xf32> to vector<1x512xf32>
      %get3A_50 = arith.constant 0 : index
      %get3A_51 = arith.constant 2 : index
      %get3A_52 = arith.constant 0 : index
      %get3A_53 = vector.load %arg4[%get3A_50, %get3A_51, %get3A_52] : memref<2x4x512xf32, #tpu.memory_space<vmem>>, vector<1x1x512xf32>
      %get3A_54 = vector.shape_cast %get3A_53 : vector<1x1x512xf32> to vector<1x512xf32>
      %get3A_55 = arith.constant 0 : index
      %get3A_56 = arith.constant 3 : index
      %get3A_57 = arith.constant 0 : index
      %get3A_58 = vector.load %arg4[%get3A_55, %get3A_56, %get3A_57] : memref<2x4x512xf32, #tpu.memory_space<vmem>>, vector<1x1x512xf32>
      %get3A_59 = vector.shape_cast %get3A_58 : vector<1x1x512xf32> to vector<1x512xf32>
      %get3A_60 = arith.constant 1 : index
      %get3A_61 = arith.constant 0 : index
      %get3A_62 = arith.constant 0 : index
      %get3A_63 = vector.load %arg4[%get3A_60, %get3A_61, %get3A_62] : memref<2x4x512xf32, #tpu.memory_space<vmem>>, vector<1x1x512xf32>
      %get3A_64 = vector.shape_cast %get3A_63 : vector<1x1x512xf32> to vector<1x512xf32>
      %get3A_65 = arith.constant 1 : index
      %get3A_66 = arith.constant 1 : index
      %get3A_67 = arith.constant 0 : index
      %get3A_68 = vector.load %arg4[%get3A_65, %get3A_66, %get3A_67] : memref<2x4x512xf32, #tpu.memory_space<vmem>>, vector<1x1x512xf32>
      %get3A_69 = vector.shape_cast %get3A_68 : vector<1x1x512xf32> to vector<1x512xf32>
      %get3A_70 = arith.constant 1 : index
      %get3A_71 = arith.constant 2 : index
      %get3A_72 = arith.constant 0 : index
      %get3A_73 = vector.load %arg4[%get3A_70, %get3A_71, %get3A_72] : memref<2x4x512xf32, #tpu.memory_space<vmem>>, vector<1x1x512xf32>
      %get3A_74 = vector.shape_cast %get3A_73 : vector<1x1x512xf32> to vector<1x512xf32>
      %get3A_75 = arith.constant 1 : index
      %get3A_76 = arith.constant 3 : index
      %get3A_77 = arith.constant 0 : index
      %get3A_78 = vector.load %arg4[%get3A_75, %get3A_76, %get3A_77] : memref<2x4x512xf32, #tpu.memory_space<vmem>>, vector<1x1x512xf32>
      %get3A_79 = vector.shape_cast %get3A_78 : vector<1x1x512xf32> to vector<1x512xf32>
      %get3A_80 = arith.constant 0 : index
      %get3A_81 = arith.constant 0 : index
      %get3A_82 = vector.load %arg3[%get3A_80, %get3A_81] : memref<256x32xf32, #tpu.memory_space<vmem>>, vector<256x1xf32>
      %get3A_83 = arith.constant 0 : index
      %get3A_84 = arith.constant 1 : index
      %get3A_85 = vector.load %arg3[%get3A_83, %get3A_84] : memref<256x32xf32, #tpu.memory_space<vmem>>, vector<256x1xf32>
      %get3A_86 = arith.constant 0 : index
      %get3A_87 = arith.constant 2 : index
      %get3A_88 = vector.load %arg3[%get3A_86, %get3A_87] : memref<256x32xf32, #tpu.memory_space<vmem>>, vector<256x1xf32>
      %mul3A_89 = vector.broadcast %get3A_82 : vector<256x1xf32> to vector<256x512xf32>
      %mul3A_90 = vector.broadcast %get3A_44 : vector<1x512xf32> to vector<256x512xf32>
      %mul3A_91 = arith.mulf %mul3A_89, %mul3A_90 : vector<256x512xf32>
      %mul3A_92 = vector.broadcast %get3A_85 : vector<256x1xf32> to vector<256x512xf32>
      %mul3A_93 = vector.broadcast %get3A_49 : vector<1x512xf32> to vector<256x512xf32>
      %mul3A_94 = arith.mulf %mul3A_92, %mul3A_93 : vector<256x512xf32>
      %add3A_95 = arith.addf %mul3A_91, %mul3A_94 : vector<256x512xf32>
      %mul3A_96 = vector.broadcast %get3A_88 : vector<256x1xf32> to vector<256x512xf32>
      %mul3A_97 = vector.broadcast %get3A_54 : vector<1x512xf32> to vector<256x512xf32>
      %mul3A_98 = arith.mulf %mul3A_96, %mul3A_97 : vector<256x512xf32>
      %add3A_99 = arith.addf %add3A_95, %mul3A_98 : vector<256x512xf32>
      %add3A_100 = vector.broadcast %get3A_59 : vector<1x512xf32> to vector<256x512xf32>
      %add3A_101 = arith.addf %add3A_99, %add3A_100 : vector<256x512xf32>
      %mul3A_102 = vector.broadcast %get3A_82 : vector<256x1xf32> to vector<256x512xf32>
      %mul3A_103 = vector.broadcast %get3A_64 : vector<1x512xf32> to vector<256x512xf32>
      %mul3A_104 = arith.mulf %mul3A_102, %mul3A_103 : vector<256x512xf32>
      %mul3A_105 = vector.broadcast %get3A_85 : vector<256x1xf32> to vector<256x512xf32>
      %mul3A_106 = vector.broadcast %get3A_69 : vector<1x512xf32> to vector<256x512xf32>
      %mul3A_107 = arith.mulf %mul3A_105, %mul3A_106 : vector<256x512xf32>
      %add3A_108 = arith.addf %mul3A_104, %mul3A_107 : vector<256x512xf32>
      %mul3A_109 = vector.broadcast %get3A_88 : vector<256x1xf32> to vector<256x512xf32>
      %mul3A_110 = vector.broadcast %get3A_74 : vector<1x512xf32> to vector<256x512xf32>
      %mul3A_111 = arith.mulf %mul3A_109, %mul3A_110 : vector<256x512xf32>
      %add3A_112 = arith.addf %add3A_108, %mul3A_111 : vector<256x512xf32>
      %add3A_113 = vector.broadcast %get3A_79 : vector<1x512xf32> to vector<256x512xf32>
      %add3A_114 = arith.addf %add3A_112, %add3A_113 : vector<256x512xf32>
      %min3A = arith.minimumf %add3A_101, %add3A_114 : vector<256x512xf32>
      %add3A_115 = arith.addf %add3A_101, %add3A_114 : vector<256x512xf32>
      %sub3A = vector.broadcast %get3A_38 : vector<1x512xf32> to vector<256x512xf32>
      %sub3A_116 = arith.subf %sub3A, %add3A_115 : vector<256x512xf32>
      %min3A_117 = arith.minimumf %min3A, %sub3A_116 : vector<256x512xf32>
      %max3A = arith.maximumf %broadcast_in_dim3A_39, %min3A_117 : vector<256x512xf32>
      %get3A_118 = arith.constant 0 : index
      %get3A_119 = arith.constant 3 : index
      %get3A_120 = vector.load %arg3[%get3A_118, %get3A_119] : memref<256x32xf32, #tpu.memory_space<vmem>>, vector<256x1xf32>
      %get3A_121 = arith.constant 0 : index
      %get3A_122 = arith.constant 4 : index
      %get3A_123 = vector.load %arg3[%get3A_121, %get3A_122] : memref<256x32xf32, #tpu.memory_space<vmem>>, vector<256x1xf32>
      %get3A_124 = arith.constant 0 : index
      %get3A_125 = arith.constant 5 : index
      %get3A_126 = vector.load %arg3[%get3A_124, %get3A_125] : memref<256x32xf32, #tpu.memory_space<vmem>>, vector<256x1xf32>
      %mul3A_127 = vector.broadcast %get3A_120 : vector<256x1xf32> to vector<256x512xf32>
      %mul3A_128 = vector.broadcast %get3A_44 : vector<1x512xf32> to vector<256x512xf32>
      %mul3A_129 = arith.mulf %mul3A_127, %mul3A_128 : vector<256x512xf32>
      %mul3A_130 = vector.broadcast %get3A_123 : vector<256x1xf32> to vector<256x512xf32>
      %mul3A_131 = vector.broadcast %get3A_49 : vector<1x512xf32> to vector<256x512xf32>
      %mul3A_132 = arith.mulf %mul3A_130, %mul3A_131 : vector<256x512xf32>
      %add3A_133 = arith.addf %mul3A_129, %mul3A_132 : vector<256x512xf32>
      %mul3A_134 = vector.broadcast %get3A_126 : vector<256x1xf32> to vector<256x512xf32>
      %mul3A_135 = vector.broadcast %get3A_54 : vector<1x512xf32> to vector<256x512xf32>
      %mul3A_136 = arith.mulf %mul3A_134, %mul3A_135 : vector<256x512xf32>
      %add3A_137 = arith.addf %add3A_133, %mul3A_136 : vector<256x512xf32>
      %add3A_138 = vector.broadcast %get3A_59 : vector<1x512xf32> to vector<256x512xf32>
      %add3A_139 = arith.addf %add3A_137, %add3A_138 : vector<256x512xf32>
      %mul3A_140 = vector.broadcast %get3A_120 : vector<256x1xf32> to vector<256x512xf32>
      %mul3A_141 = vector.broadcast %get3A_64 : vector<1x512xf32> to vector<256x512xf32>
      %mul3A_142 = arith.mulf %mul3A_140, %mul3A_141 : vector<256x512xf32>
      %mul3A_143 = vector.broadcast %get3A_123 : vector<256x1xf32> to vector<256x512xf32>
      %mul3A_144 = vector.broadcast %get3A_69 : vector<1x512xf32> to vector<256x512xf32>
      %mul3A_145 = arith.mulf %mul3A_143, %mul3A_144 : vector<256x512xf32>
      %add3A_146 = arith.addf %mul3A_142, %mul3A_145 : vector<256x512xf32>
      %mul3A_147 = vector.broadcast %get3A_126 : vector<256x1xf32> to vector<256x512xf32>
      %mul3A_148 = vector.broadcast %get3A_74 : vector<1x512xf32> to vector<256x512xf32>
      %mul3A_149 = arith.mulf %mul3A_147, %mul3A_148 : vector<256x512xf32>
      %add3A_150 = arith.addf %add3A_146, %mul3A_149 : vector<256x512xf32>
      %add3A_151 = vector.broadcast %get3A_79 : vector<1x512xf32> to vector<256x512xf32>
      %add3A_152 = arith.addf %add3A_150, %add3A_151 : vector<256x512xf32>
      %min3A_153 = arith.minimumf %add3A_139, %add3A_152 : vector<256x512xf32>
      %add3A_154 = arith.addf %add3A_139, %add3A_152 : vector<256x512xf32>
      %sub3A_155 = vector.broadcast %get3A_38 : vector<1x512xf32> to vector<256x512xf32>
      %sub3A_156 = arith.subf %sub3A_155, %add3A_154 : vector<256x512xf32>
      %min3A_157 = arith.minimumf %min3A_153, %sub3A_156 : vector<256x512xf32>
      %max3A_158 = arith.maximumf %max3A, %min3A_157 : vector<256x512xf32>
      %get3A_159 = arith.constant 0 : index
      %get3A_160 = arith.constant 6 : index
      %get3A_161 = vector.load %arg3[%get3A_159, %get3A_160] : memref<256x32xf32, #tpu.memory_space<vmem>>, vector<256x1xf32>
      %get3A_162 = arith.constant 0 : index
      %get3A_163 = arith.constant 7 : index
      %get3A_164 = vector.load %arg3[%get3A_162, %get3A_163] : memref<256x32xf32, #tpu.memory_space<vmem>>, vector<256x1xf32>
      %get3A_165 = arith.constant 0 : index
      %get3A_166 = arith.constant 8 : index
      %get3A_167 = vector.load %arg3[%get3A_165, %get3A_166] : memref<256x32xf32, #tpu.memory_space<vmem>>, vector<256x1xf32>
      %mul3A_168 = vector.broadcast %get3A_161 : vector<256x1xf32> to vector<256x512xf32>
      %mul3A_169 = vector.broadcast %get3A_44 : vector<1x512xf32> to vector<256x512xf32>
      %mul3A_170 = arith.mulf %mul3A_168, %mul3A_169 : vector<256x512xf32>
      %mul3A_171 = vector.broadcast %get3A_164 : vector<256x1xf32> to vector<256x512xf32>
      %mul3A_172 = vector.broadcast %get3A_49 : vector<1x512xf32> to vector<256x512xf32>
      %mul3A_173 = arith.mulf %mul3A_171, %mul3A_172 : vector<256x512xf32>
      %add3A_174 = arith.addf %mul3A_170, %mul3A_173 : vector<256x512xf32>
      %mul3A_175 = vector.broadcast %get3A_167 : vector<256x1xf32> to vector<256x512xf32>
      %mul3A_176 = vector.broadcast %get3A_54 : vector<1x512xf32> to vector<256x512xf32>
      %mul3A_177 = arith.mulf %mul3A_175, %mul3A_176 : vector<256x512xf32>
      %add3A_178 = arith.addf %add3A_174, %mul3A_177 : vector<256x512xf32>
      %add3A_179 = vector.broadcast %get3A_59 : vector<1x512xf32> to vector<256x512xf32>
      %add3A_180 = arith.addf %add3A_178, %add3A_179 : vector<256x512xf32>
      %mul3A_181 = vector.broadcast %get3A_161 : vector<256x1xf32> to vector<256x512xf32>
      %mul3A_182 = vector.broadcast %get3A_64 : vector<1x512xf32> to vector<256x512xf32>
      %mul3A_183 = arith.mulf %mul3A_181, %mul3A_182 : vector<256x512xf32>
      %mul3A_184 = vector.broadcast %get3A_164 : vector<256x1xf32> to vector<256x512xf32>
      %mul3A_185 = vector.broadcast %get3A_69 : vector<1x512xf32> to vector<256x512xf32>
      %mul3A_186 = arith.mulf %mul3A_184, %mul3A_185 : vector<256x512xf32>
      %add3A_187 = arith.addf %mul3A_183, %mul3A_186 : vector<256x512xf32>
      %mul3A_188 = vector.broadcast %get3A_167 : vector<256x1xf32> to vector<256x512xf32>
      %mul3A_189 = vector.broadcast %get3A_74 : vector<1x512xf32> to vector<256x512xf32>
      %mul3A_190 = arith.mulf %mul3A_188, %mul3A_189 : vector<256x512xf32>
      %add3A_191 = arith.addf %add3A_187, %mul3A_190 : vector<256x512xf32>
      %add3A_192 = vector.broadcast %get3A_79 : vector<1x512xf32> to vector<256x512xf32>
      %add3A_193 = arith.addf %add3A_191, %add3A_192 : vector<256x512xf32>
      %min3A_194 = arith.minimumf %add3A_180, %add3A_193 : vector<256x512xf32>
      %add3A_195 = arith.addf %add3A_180, %add3A_193 : vector<256x512xf32>
      %sub3A_196 = vector.broadcast %get3A_38 : vector<1x512xf32> to vector<256x512xf32>
      %sub3A_197 = arith.subf %sub3A_196, %add3A_195 : vector<256x512xf32>
      %min3A_198 = arith.minimumf %min3A_194, %sub3A_197 : vector<256x512xf32>
      %max3A_199 = arith.maximumf %max3A_158, %min3A_198 : vector<256x512xf32>
      %get3A_200 = arith.constant 0 : index
      %get3A_201 = arith.constant 9 : index
      %get3A_202 = vector.load %arg3[%get3A_200, %get3A_201] : memref<256x32xf32, #tpu.memory_space<vmem>>, vector<256x1xf32>
      %get3A_203 = arith.constant 0 : index
      %get3A_204 = arith.constant 10 : index
      %get3A_205 = vector.load %arg3[%get3A_203, %get3A_204] : memref<256x32xf32, #tpu.memory_space<vmem>>, vector<256x1xf32>
      %get3A_206 = arith.constant 0 : index
      %get3A_207 = arith.constant 11 : index
      %get3A_208 = vector.load %arg3[%get3A_206, %get3A_207] : memref<256x32xf32, #tpu.memory_space<vmem>>, vector<256x1xf32>
      %mul3A_209 = vector.broadcast %get3A_202 : vector<256x1xf32> to vector<256x512xf32>
      %mul3A_210 = vector.broadcast %get3A_44 : vector<1x512xf32> to vector<256x512xf32>
      %mul3A_211 = arith.mulf %mul3A_209, %mul3A_210 : vector<256x512xf32>
      %mul3A_212 = vector.broadcast %get3A_205 : vector<256x1xf32> to vector<256x512xf32>
      %mul3A_213 = vector.broadcast %get3A_49 : vector<1x512xf32> to vector<256x512xf32>
      %mul3A_214 = arith.mulf %mul3A_212, %mul3A_213 : vector<256x512xf32>
      %add3A_215 = arith.addf %mul3A_211, %mul3A_214 : vector<256x512xf32>
      %mul3A_216 = vector.broadcast %get3A_208 : vector<256x1xf32> to vector<256x512xf32>
      %mul3A_217 = vector.broadcast %get3A_54 : vector<1x512xf32> to vector<256x512xf32>
      %mul3A_218 = arith.mulf %mul3A_216, %mul3A_217 : vector<256x512xf32>
      %add3A_219 = arith.addf %add3A_215, %mul3A_218 : vector<256x512xf32>
      %add3A_220 = vector.broadcast %get3A_59 : vector<1x512xf32> to vector<256x512xf32>
      %add3A_221 = arith.addf %add3A_219, %add3A_220 : vector<256x512xf32>
      %mul3A_222 = vector.broadcast %get3A_202 : vector<256x1xf32> to vector<256x512xf32>
      %mul3A_223 = vector.broadcast %get3A_64 : vector<1x512xf32> to vector<256x512xf32>
      %mul3A_224 = arith.mulf %mul3A_222, %mul3A_223 : vector<256x512xf32>
      %mul3A_225 = vector.broadcast %get3A_205 : vector<256x1xf32> to vector<256x512xf32>
      %mul3A_226 = vector.broadcast %get3A_69 : vector<1x512xf32> to vector<256x512xf32>
      %mul3A_227 = arith.mulf %mul3A_225, %mul3A_226 : vector<256x512xf32>
      %add3A_228 = arith.addf %mul3A_224, %mul3A_227 : vector<256x512xf32>
      %mul3A_229 = vector.broadcast %get3A_208 : vector<256x1xf32> to vector<256x512xf32>
      %mul3A_230 = vector.broadcast %get3A_74 : vector<1x512xf32> to vector<256x512xf32>
      %mul3A_231 = arith.mulf %mul3A_229, %mul3A_230 : vector<256x512xf32>
      %add3A_232 = arith.addf %add3A_228, %mul3A_231 : vector<256x512xf32>
      %add3A_233 = vector.broadcast %get3A_79 : vector<1x512xf32> to vector<256x512xf32>
      %add3A_234 = arith.addf %add3A_232, %add3A_233 : vector<256x512xf32>
      %min3A_235 = arith.minimumf %add3A_221, %add3A_234 : vector<256x512xf32>
      %add3A_236 = arith.addf %add3A_221, %add3A_234 : vector<256x512xf32>
      %sub3A_237 = vector.broadcast %get3A_38 : vector<1x512xf32> to vector<256x512xf32>
      %sub3A_238 = arith.subf %sub3A_237, %add3A_236 : vector<256x512xf32>
      %min3A_239 = arith.minimumf %min3A_235, %sub3A_238 : vector<256x512xf32>
      %max3A_240 = arith.maximumf %max3A_199, %min3A_239 : vector<256x512xf32>
      %get3A_241 = arith.constant 0 : index
      %get3A_242 = arith.constant 12 : index
      %get3A_243 = vector.load %arg3[%get3A_241, %get3A_242] : memref<256x32xf32, #tpu.memory_space<vmem>>, vector<256x1xf32>
      %get3A_244 = arith.constant 0 : index
      %get3A_245 = arith.constant 13 : index
      %get3A_246 = vector.load %arg3[%get3A_244, %get3A_245] : memref<256x32xf32, #tpu.memory_space<vmem>>, vector<256x1xf32>
      %get3A_247 = arith.constant 0 : index
      %get3A_248 = arith.constant 14 : index
      %get3A_249 = vector.load %arg3[%get3A_247, %get3A_248] : memref<256x32xf32, #tpu.memory_space<vmem>>, vector<256x1xf32>
      %mul3A_250 = vector.broadcast %get3A_243 : vector<256x1xf32> to vector<256x512xf32>
      %mul3A_251 = vector.broadcast %get3A_44 : vector<1x512xf32> to vector<256x512xf32>
      %mul3A_252 = arith.mulf %mul3A_250, %mul3A_251 : vector<256x512xf32>
      %mul3A_253 = vector.broadcast %get3A_246 : vector<256x1xf32> to vector<256x512xf32>
      %mul3A_254 = vector.broadcast %get3A_49 : vector<1x512xf32> to vector<256x512xf32>
      %mul3A_255 = arith.mulf %mul3A_253, %mul3A_254 : vector<256x512xf32>
      %add3A_256 = arith.addf %mul3A_252, %mul3A_255 : vector<256x512xf32>
      %mul3A_257 = vector.broadcast %get3A_249 : vector<256x1xf32> to vector<256x512xf32>
      %mul3A_258 = vector.broadcast %get3A_54 : vector<1x512xf32> to vector<256x512xf32>
      %mul3A_259 = arith.mulf %mul3A_257, %mul3A_258 : vector<256x512xf32>
      %add3A_260 = arith.addf %add3A_256, %mul3A_259 : vector<256x512xf32>
      %add3A_261 = vector.broadcast %get3A_59 : vector<1x512xf32> to vector<256x512xf32>
      %add3A_262 = arith.addf %add3A_260, %add3A_261 : vector<256x512xf32>
      %mul3A_263 = vector.broadcast %get3A_243 : vector<256x1xf32> to vector<256x512xf32>
      %mul3A_264 = vector.broadcast %get3A_64 : vector<1x512xf32> to vector<256x512xf32>
      %mul3A_265 = arith.mulf %mul3A_263, %mul3A_264 : vector<256x512xf32>
      %mul3A_266 = vector.broadcast %get3A_246 : vector<256x1xf32> to vector<256x512xf32>
      %mul3A_267 = vector.broadcast %get3A_69 : vector<1x512xf32> to vector<256x512xf32>
      %mul3A_268 = arith.mulf %mul3A_266, %mul3A_267 : vector<256x512xf32>
      %add3A_269 = arith.addf %mul3A_265, %mul3A_268 : vector<256x512xf32>
      %mul3A_270 = vector.broadcast %get3A_249 : vector<256x1xf32> to vector<256x512xf32>
      %mul3A_271 = vector.broadcast %get3A_74 : vector<1x512xf32> to vector<256x512xf32>
      %mul3A_272 = arith.mulf %mul3A_270, %mul3A_271 : vector<256x512xf32>
      %add3A_273 = arith.addf %add3A_269, %mul3A_272 : vector<256x512xf32>
      %add3A_274 = vector.broadcast %get3A_79 : vector<1x512xf32> to vector<256x512xf32>
      %add3A_275 = arith.addf %add3A_273, %add3A_274 : vector<256x512xf32>
      %min3A_276 = arith.minimumf %add3A_262, %add3A_275 : vector<256x512xf32>
      %add3A_277 = arith.addf %add3A_262, %add3A_275 : vector<256x512xf32>
      %sub3A_278 = vector.broadcast %get3A_38 : vector<1x512xf32> to vector<256x512xf32>
      %sub3A_279 = arith.subf %sub3A_278, %add3A_277 : vector<256x512xf32>
      %min3A_280 = arith.minimumf %min3A_276, %sub3A_279 : vector<256x512xf32>
      %max3A_281 = arith.maximumf %max3A_240, %min3A_280 : vector<256x512xf32>
      %get3A_282 = arith.constant 0 : index
      %get3A_283 = arith.constant 15 : index
      %get3A_284 = vector.load %arg3[%get3A_282, %get3A_283] : memref<256x32xf32, #tpu.memory_space<vmem>>, vector<256x1xf32>
      %get3A_285 = arith.constant 0 : index
      %get3A_286 = arith.constant 16 : index
      %get3A_287 = vector.load %arg3[%get3A_285, %get3A_286] : memref<256x32xf32, #tpu.memory_space<vmem>>, vector<256x1xf32>
      %get3A_288 = arith.constant 0 : index
      %get3A_289 = arith.constant 17 : index
      %get3A_290 = vector.load %arg3[%get3A_288, %get3A_289] : memref<256x32xf32, #tpu.memory_space<vmem>>, vector<256x1xf32>
      %mul3A_291 = vector.broadcast %get3A_284 : vector<256x1xf32> to vector<256x512xf32>
      %mul3A_292 = vector.broadcast %get3A_44 : vector<1x512xf32> to vector<256x512xf32>
      %mul3A_293 = arith.mulf %mul3A_291, %mul3A_292 : vector<256x512xf32>
      %mul3A_294 = vector.broadcast %get3A_287 : vector<256x1xf32> to vector<256x512xf32>
      %mul3A_295 = vector.broadcast %get3A_49 : vector<1x512xf32> to vector<256x512xf32>
      %mul3A_296 = arith.mulf %mul3A_294, %mul3A_295 : vector<256x512xf32>
      %add3A_297 = arith.addf %mul3A_293, %mul3A_296 : vector<256x512xf32>
      %mul3A_298 = vector.broadcast %get3A_290 : vector<256x1xf32> to vector<256x512xf32>
      %mul3A_299 = vector.broadcast %get3A_54 : vector<1x512xf32> to vector<256x512xf32>
      %mul3A_300 = arith.mulf %mul3A_298, %mul3A_299 : vector<256x512xf32>
      %add3A_301 = arith.addf %add3A_297, %mul3A_300 : vector<256x512xf32>
      %add3A_302 = vector.broadcast %get3A_59 : vector<1x512xf32> to vector<256x512xf32>
      %add3A_303 = arith.addf %add3A_301, %add3A_302 : vector<256x512xf32>
      %mul3A_304 = vector.broadcast %get3A_284 : vector<256x1xf32> to vector<256x512xf32>
      %mul3A_305 = vector.broadcast %get3A_64 : vector<1x512xf32> to vector<256x512xf32>
      %mul3A_306 = arith.mulf %mul3A_304, %mul3A_305 : vector<256x512xf32>
      %mul3A_307 = vector.broadcast %get3A_287 : vector<256x1xf32> to vector<256x512xf32>
      %mul3A_308 = vector.broadcast %get3A_69 : vector<1x512xf32> to vector<256x512xf32>
      %mul3A_309 = arith.mulf %mul3A_307, %mul3A_308 : vector<256x512xf32>
      %add3A_310 = arith.addf %mul3A_306, %mul3A_309 : vector<256x512xf32>
      %mul3A_311 = vector.broadcast %get3A_290 : vector<256x1xf32> to vector<256x512xf32>
      %mul3A_312 = vector.broadcast %get3A_74 : vector<1x512xf32> to vector<256x512xf32>
      %mul3A_313 = arith.mulf %mul3A_311, %mul3A_312 : vector<256x512xf32>
      %add3A_314 = arith.addf %add3A_310, %mul3A_313 : vector<256x512xf32>
      %add3A_315 = vector.broadcast %get3A_79 : vector<1x512xf32> to vector<256x512xf32>
      %add3A_316 = arith.addf %add3A_314, %add3A_315 : vector<256x512xf32>
      %min3A_317 = arith.minimumf %add3A_303, %add3A_316 : vector<256x512xf32>
      %add3A_318 = arith.addf %add3A_303, %add3A_316 : vector<256x512xf32>
      %sub3A_319 = vector.broadcast %get3A_38 : vector<1x512xf32> to vector<256x512xf32>
      %sub3A_320 = arith.subf %sub3A_319, %add3A_318 : vector<256x512xf32>
      %min3A_321 = arith.minimumf %min3A_317, %sub3A_320 : vector<256x512xf32>
      %max3A_322 = arith.maximumf %max3A_281, %min3A_321 : vector<256x512xf32>
      %get3A_323 = arith.constant 0 : index
      %get3A_324 = arith.constant 18 : index
      %get3A_325 = vector.load %arg3[%get3A_323, %get3A_324] : memref<256x32xf32, #tpu.memory_space<vmem>>, vector<256x1xf32>
      %get3A_326 = arith.constant 0 : index
      %get3A_327 = arith.constant 19 : index
      %get3A_328 = vector.load %arg3[%get3A_326, %get3A_327] : memref<256x32xf32, #tpu.memory_space<vmem>>, vector<256x1xf32>
      %get3A_329 = arith.constant 0 : index
      %get3A_330 = arith.constant 20 : index
      %get3A_331 = vector.load %arg3[%get3A_329, %get3A_330] : memref<256x32xf32, #tpu.memory_space<vmem>>, vector<256x1xf32>
      %mul3A_332 = vector.broadcast %get3A_325 : vector<256x1xf32> to vector<256x512xf32>
      %mul3A_333 = vector.broadcast %get3A_44 : vector<1x512xf32> to vector<256x512xf32>
      %mul3A_334 = arith.mulf %mul3A_332, %mul3A_333 : vector<256x512xf32>
      %mul3A_335 = vector.broadcast %get3A_328 : vector<256x1xf32> to vector<256x512xf32>
      %mul3A_336 = vector.broadcast %get3A_49 : vector<1x512xf32> to vector<256x512xf32>
      %mul3A_337 = arith.mulf %mul3A_335, %mul3A_336 : vector<256x512xf32>
      %add3A_338 = arith.addf %mul3A_334, %mul3A_337 : vector<256x512xf32>
      %mul3A_339 = vector.broadcast %get3A_331 : vector<256x1xf32> to vector<256x512xf32>
      %mul3A_340 = vector.broadcast %get3A_54 : vector<1x512xf32> to vector<256x512xf32>
      %mul3A_341 = arith.mulf %mul3A_339, %mul3A_340 : vector<256x512xf32>
      %add3A_342 = arith.addf %add3A_338, %mul3A_341 : vector<256x512xf32>
      %add3A_343 = vector.broadcast %get3A_59 : vector<1x512xf32> to vector<256x512xf32>
      %add3A_344 = arith.addf %add3A_342, %add3A_343 : vector<256x512xf32>
      %mul3A_345 = vector.broadcast %get3A_325 : vector<256x1xf32> to vector<256x512xf32>
      %mul3A_346 = vector.broadcast %get3A_64 : vector<1x512xf32> to vector<256x512xf32>
      %mul3A_347 = arith.mulf %mul3A_345, %mul3A_346 : vector<256x512xf32>
      %mul3A_348 = vector.broadcast %get3A_328 : vector<256x1xf32> to vector<256x512xf32>
      %mul3A_349 = vector.broadcast %get3A_69 : vector<1x512xf32> to vector<256x512xf32>
      %mul3A_350 = arith.mulf %mul3A_348, %mul3A_349 : vector<256x512xf32>
      %add3A_351 = arith.addf %mul3A_347, %mul3A_350 : vector<256x512xf32>
      %mul3A_352 = vector.broadcast %get3A_331 : vector<256x1xf32> to vector<256x512xf32>
      %mul3A_353 = vector.broadcast %get3A_74 : vector<1x512xf32> to vector<256x512xf32>
      %mul3A_354 = arith.mulf %mul3A_352, %mul3A_353 : vector<256x512xf32>
      %add3A_355 = arith.addf %add3A_351, %mul3A_354 : vector<256x512xf32>
      %add3A_356 = vector.broadcast %get3A_79 : vector<1x512xf32> to vector<256x512xf32>
      %add3A_357 = arith.addf %add3A_355, %add3A_356 : vector<256x512xf32>
      %min3A_358 = arith.minimumf %add3A_344, %add3A_357 : vector<256x512xf32>
      %add3A_359 = arith.addf %add3A_344, %add3A_357 : vector<256x512xf32>
      %sub3A_360 = vector.broadcast %get3A_38 : vector<1x512xf32> to vector<256x512xf32>
      %sub3A_361 = arith.subf %sub3A_360, %add3A_359 : vector<256x512xf32>
      %min3A_362 = arith.minimumf %min3A_358, %sub3A_361 : vector<256x512xf32>
      %max3A_363 = arith.maximumf %max3A_322, %min3A_362 : vector<256x512xf32>
      %get3A_364 = arith.constant 0 : index
      %get3A_365 = arith.constant 21 : index
      %get3A_366 = vector.load %arg3[%get3A_364, %get3A_365] : memref<256x32xf32, #tpu.memory_space<vmem>>, vector<256x1xf32>
      %get3A_367 = arith.constant 0 : index
      %get3A_368 = arith.constant 22 : index
      %get3A_369 = vector.load %arg3[%get3A_367, %get3A_368] : memref<256x32xf32, #tpu.memory_space<vmem>>, vector<256x1xf32>
      %get3A_370 = arith.constant 0 : index
      %get3A_371 = arith.constant 23 : index
      %get3A_372 = vector.load %arg3[%get3A_370, %get3A_371] : memref<256x32xf32, #tpu.memory_space<vmem>>, vector<256x1xf32>
      %mul3A_373 = vector.broadcast %get3A_366 : vector<256x1xf32> to vector<256x512xf32>
      %mul3A_374 = vector.broadcast %get3A_44 : vector<1x512xf32> to vector<256x512xf32>
      %mul3A_375 = arith.mulf %mul3A_373, %mul3A_374 : vector<256x512xf32>
      %mul3A_376 = vector.broadcast %get3A_369 : vector<256x1xf32> to vector<256x512xf32>
      %mul3A_377 = vector.broadcast %get3A_49 : vector<1x512xf32> to vector<256x512xf32>
      %mul3A_378 = arith.mulf %mul3A_376, %mul3A_377 : vector<256x512xf32>
      %add3A_379 = arith.addf %mul3A_375, %mul3A_378 : vector<256x512xf32>
      %mul3A_380 = vector.broadcast %get3A_372 : vector<256x1xf32> to vector<256x512xf32>
      %mul3A_381 = vector.broadcast %get3A_54 : vector<1x512xf32> to vector<256x512xf32>
      %mul3A_382 = arith.mulf %mul3A_380, %mul3A_381 : vector<256x512xf32>
      %add3A_383 = arith.addf %add3A_379, %mul3A_382 : vector<256x512xf32>
      %add3A_384 = vector.broadcast %get3A_59 : vector<1x512xf32> to vector<256x512xf32>
      %add3A_385 = arith.addf %add3A_383, %add3A_384 : vector<256x512xf32>
      %mul3A_386 = vector.broadcast %get3A_366 : vector<256x1xf32> to vector<256x512xf32>
      %mul3A_387 = vector.broadcast %get3A_64 : vector<1x512xf32> to vector<256x512xf32>
      %mul3A_388 = arith.mulf %mul3A_386, %mul3A_387 : vector<256x512xf32>
      %mul3A_389 = vector.broadcast %get3A_369 : vector<256x1xf32> to vector<256x512xf32>
      %mul3A_390 = vector.broadcast %get3A_69 : vector<1x512xf32> to vector<256x512xf32>
      %mul3A_391 = arith.mulf %mul3A_389, %mul3A_390 : vector<256x512xf32>
      %add3A_392 = arith.addf %mul3A_388, %mul3A_391 : vector<256x512xf32>
      %mul3A_393 = vector.broadcast %get3A_372 : vector<256x1xf32> to vector<256x512xf32>
      %mul3A_394 = vector.broadcast %get3A_74 : vector<1x512xf32> to vector<256x512xf32>
      %mul3A_395 = arith.mulf %mul3A_393, %mul3A_394 : vector<256x512xf32>
      %add3A_396 = arith.addf %add3A_392, %mul3A_395 : vector<256x512xf32>
      %add3A_397 = vector.broadcast %get3A_79 : vector<1x512xf32> to vector<256x512xf32>
      %add3A_398 = arith.addf %add3A_396, %add3A_397 : vector<256x512xf32>
      %min3A_399 = arith.minimumf %add3A_385, %add3A_398 : vector<256x512xf32>
      %add3A_400 = arith.addf %add3A_385, %add3A_398 : vector<256x512xf32>
      %sub3A_401 = vector.broadcast %get3A_38 : vector<1x512xf32> to vector<256x512xf32>
      %sub3A_402 = arith.subf %sub3A_401, %add3A_400 : vector<256x512xf32>
      %min3A_403 = arith.minimumf %min3A_399, %sub3A_402 : vector<256x512xf32>
      %max3A_404 = arith.maximumf %max3A_363, %min3A_403 : vector<256x512xf32>
      %get3A_405 = arith.constant 0 : index
      %get3A_406 = arith.constant 24 : index
      %get3A_407 = vector.load %arg3[%get3A_405, %get3A_406] : memref<256x32xf32, #tpu.memory_space<vmem>>, vector<256x1xf32>
      %get3A_408 = arith.constant 0 : index
      %get3A_409 = arith.constant 25 : index
      %get3A_410 = vector.load %arg3[%get3A_408, %get3A_409] : memref<256x32xf32, #tpu.memory_space<vmem>>, vector<256x1xf32>
      %get3A_411 = arith.constant 0 : index
      %get3A_412 = arith.constant 26 : index
      %get3A_413 = vector.load %arg3[%get3A_411, %get3A_412] : memref<256x32xf32, #tpu.memory_space<vmem>>, vector<256x1xf32>
      %mul3A_414 = vector.broadcast %get3A_407 : vector<256x1xf32> to vector<256x512xf32>
      %mul3A_415 = vector.broadcast %get3A_44 : vector<1x512xf32> to vector<256x512xf32>
      %mul3A_416 = arith.mulf %mul3A_414, %mul3A_415 : vector<256x512xf32>
      %mul3A_417 = vector.broadcast %get3A_410 : vector<256x1xf32> to vector<256x512xf32>
      %mul3A_418 = vector.broadcast %get3A_49 : vector<1x512xf32> to vector<256x512xf32>
      %mul3A_419 = arith.mulf %mul3A_417, %mul3A_418 : vector<256x512xf32>
      %add3A_420 = arith.addf %mul3A_416, %mul3A_419 : vector<256x512xf32>
      %mul3A_421 = vector.broadcast %get3A_413 : vector<256x1xf32> to vector<256x512xf32>
      %mul3A_422 = vector.broadcast %get3A_54 : vector<1x512xf32> to vector<256x512xf32>
      %mul3A_423 = arith.mulf %mul3A_421, %mul3A_422 : vector<256x512xf32>
      %add3A_424 = arith.addf %add3A_420, %mul3A_423 : vector<256x512xf32>
      %add3A_425 = vector.broadcast %get3A_59 : vector<1x512xf32> to vector<256x512xf32>
      %add3A_426 = arith.addf %add3A_424, %add3A_425 : vector<256x512xf32>
      %mul3A_427 = vector.broadcast %get3A_407 : vector<256x1xf32> to vector<256x512xf32>
      %mul3A_428 = vector.broadcast %get3A_64 : vector<1x512xf32> to vector<256x512xf32>
      %mul3A_429 = arith.mulf %mul3A_427, %mul3A_428 : vector<256x512xf32>
      %mul3A_430 = vector.broadcast %get3A_410 : vector<256x1xf32> to vector<256x512xf32>
      %mul3A_431 = vector.broadcast %get3A_69 : vector<1x512xf32> to vector<256x512xf32>
      %mul3A_432 = arith.mulf %mul3A_430, %mul3A_431 : vector<256x512xf32>
      %add3A_433 = arith.addf %mul3A_429, %mul3A_432 : vector<256x512xf32>
      %mul3A_434 = vector.broadcast %get3A_413 : vector<256x1xf32> to vector<256x512xf32>
      %mul3A_435 = vector.broadcast %get3A_74 : vector<1x512xf32> to vector<256x512xf32>
      %mul3A_436 = arith.mulf %mul3A_434, %mul3A_435 : vector<256x512xf32>
      %add3A_437 = arith.addf %add3A_433, %mul3A_436 : vector<256x512xf32>
      %add3A_438 = vector.broadcast %get3A_79 : vector<1x512xf32> to vector<256x512xf32>
      %add3A_439 = arith.addf %add3A_437, %add3A_438 : vector<256x512xf32>
      %min3A_440 = arith.minimumf %add3A_426, %add3A_439 : vector<256x512xf32>
      %add3A_441 = arith.addf %add3A_426, %add3A_439 : vector<256x512xf32>
      %sub3A_442 = vector.broadcast %get3A_38 : vector<1x512xf32> to vector<256x512xf32>
      %sub3A_443 = arith.subf %sub3A_442, %add3A_441 : vector<256x512xf32>
      %min3A_444 = arith.minimumf %min3A_440, %sub3A_443 : vector<256x512xf32>
      %max3A_445 = arith.maximumf %max3A_404, %min3A_444 : vector<256x512xf32>
      %get3A_446 = arith.constant 0 : index
      %get3A_447 = arith.constant 27 : index
      %get3A_448 = vector.load %arg3[%get3A_446, %get3A_447] : memref<256x32xf32, #tpu.memory_space<vmem>>, vector<256x1xf32>
      %get3A_449 = arith.constant 0 : index
      %get3A_450 = arith.constant 28 : index
      %get3A_451 = vector.load %arg3[%get3A_449, %get3A_450] : memref<256x32xf32, #tpu.memory_space<vmem>>, vector<256x1xf32>
      %get3A_452 = arith.constant 0 : index
      %get3A_453 = arith.constant 29 : index
      %get3A_454 = vector.load %arg3[%get3A_452, %get3A_453] : memref<256x32xf32, #tpu.memory_space<vmem>>, vector<256x1xf32>
      %mul3A_455 = vector.broadcast %get3A_448 : vector<256x1xf32> to vector<256x512xf32>
      %mul3A_456 = vector.broadcast %get3A_44 : vector<1x512xf32> to vector<256x512xf32>
      %mul3A_457 = arith.mulf %mul3A_455, %mul3A_456 : vector<256x512xf32>
      %mul3A_458 = vector.broadcast %get3A_451 : vector<256x1xf32> to vector<256x512xf32>
      %mul3A_459 = vector.broadcast %get3A_49 : vector<1x512xf32> to vector<256x512xf32>
      %mul3A_460 = arith.mulf %mul3A_458, %mul3A_459 : vector<256x512xf32>
      %add3A_461 = arith.addf %mul3A_457, %mul3A_460 : vector<256x512xf32>
      %mul3A_462 = vector.broadcast %get3A_454 : vector<256x1xf32> to vector<256x512xf32>
      %mul3A_463 = vector.broadcast %get3A_54 : vector<1x512xf32> to vector<256x512xf32>
      %mul3A_464 = arith.mulf %mul3A_462, %mul3A_463 : vector<256x512xf32>
      %add3A_465 = arith.addf %add3A_461, %mul3A_464 : vector<256x512xf32>
      %add3A_466 = vector.broadcast %get3A_59 : vector<1x512xf32> to vector<256x512xf32>
      %add3A_467 = arith.addf %add3A_465, %add3A_466 : vector<256x512xf32>
      %mul3A_468 = vector.broadcast %get3A_448 : vector<256x1xf32> to vector<256x512xf32>
      %mul3A_469 = vector.broadcast %get3A_64 : vector<1x512xf32> to vector<256x512xf32>
      %mul3A_470 = arith.mulf %mul3A_468, %mul3A_469 : vector<256x512xf32>
      %mul3A_471 = vector.broadcast %get3A_451 : vector<256x1xf32> to vector<256x512xf32>
      %mul3A_472 = vector.broadcast %get3A_69 : vector<1x512xf32> to vector<256x512xf32>
      %mul3A_473 = arith.mulf %mul3A_471, %mul3A_472 : vector<256x512xf32>
      %add3A_474 = arith.addf %mul3A_470, %mul3A_473 : vector<256x512xf32>
      %mul3A_475 = vector.broadcast %get3A_454 : vector<256x1xf32> to vector<256x512xf32>
      %mul3A_476 = vector.broadcast %get3A_74 : vector<1x512xf32> to vector<256x512xf32>
      %mul3A_477 = arith.mulf %mul3A_475, %mul3A_476 : vector<256x512xf32>
      %add3A_478 = arith.addf %add3A_474, %mul3A_477 : vector<256x512xf32>
      %add3A_479 = vector.broadcast %get3A_79 : vector<1x512xf32> to vector<256x512xf32>
      %add3A_480 = arith.addf %add3A_478, %add3A_479 : vector<256x512xf32>
      %min3A_481 = arith.minimumf %add3A_467, %add3A_480 : vector<256x512xf32>
      %add3A_482 = arith.addf %add3A_467, %add3A_480 : vector<256x512xf32>
      %sub3A_483 = vector.broadcast %get3A_38 : vector<1x512xf32> to vector<256x512xf32>
      %sub3A_484 = arith.subf %sub3A_483, %add3A_482 : vector<256x512xf32>
      %min3A_485 = arith.minimumf %min3A_481, %sub3A_484 : vector<256x512xf32>
      %max3A_486 = arith.maximumf %max3A_445, %min3A_485 : vector<256x512xf32>
      %ge3A = arith.constant 0.000000e+00 : f32
      %ge3A_487 = vector.broadcast %ge3A : f32 to vector<256x512xf32>
      %ge3A_488 = arith.cmpf oge, %max3A_486, %ge3A_487 : vector<256x512xf32>
      %and3A_489 = arith.andi %and3A_35, %ge3A_488 : vector<256x512xi1>
      %get3A_490 = arith.constant 0 : index
      %get3A_491 = arith.constant 0 : index
      %get3A_492 = vector.load %arg7[%get3A_490, %get3A_491] : memref<256x1xf32, #tpu.memory_space<vmem>>, vector<256x1xf32>
      %jit3A = arith.constant 0.000000e+00 : f32
      %broadcast_in_dim3A_493 = vector.shape_cast %get3A_492 : vector<256x1xf32> to vector<256x1xf32>
      %broadcast_in_dim3A_494 = vector.broadcast %broadcast_in_dim3A_493 : vector<256x1xf32> to vector<256x512xf32>
      %broadcast_in_dim3A_495 = vector.broadcast %jit3A : f32 to vector<256x512xf32>
      %select_n3A = arith.select %and3A_489, %broadcast_in_dim3A_494, %broadcast_in_dim3A_495 : vector<256x512xi1>, vector<256x512xf32>
      %reduce_sum3A = vector.shape_cast %select_n3A : vector<256x512xf32> to vector<1x256x512xf32>
      %reduce_sum3A_496 = arith.constant dense<0.000000e+00> : vector<1xf32>
      %reduce_sum3A_497 = vector.multi_reduction <add>, %reduce_sum3A, %reduce_sum3A_496 [1, 2] : vector<1x256x512xf32> to vector<1xf32>
      %reduce_sum3A_498 = vector.shape_cast %reduce_sum3A_497 : vector<1xf32> to vector<1x1x1xf32>
      %reduce_sum3A_499 = vector.extract %reduce_sum3A_498[0, 0, 0] : f32 from vector<1x1x1xf32>
      %get3A_500 = arith.constant 0 : index
      %get3A_501 = arith.constant 0 : index
      %get3A_502 = memref.load %arg8[%get3A_500, %get3A_501] : memref<1x1xf32, #tpu.memory_space<smem>>
      %add3A_503 = arith.addf %get3A_502, %reduce_sum3A_499 : f32
      %swap3A = arith.constant 0 : index
      %swap3A_504 = arith.constant 0 : index
      %swap3A_505 = memref.load %arg8[%swap3A, %swap3A_504] : memref<1x1xf32, #tpu.memory_space<smem>>
      memref.store %add3A_503, %arg8[%swap3A, %swap3A_504] : memref<1x1xf32, #tpu.memory_space<smem>>
    } else {
    }
    %eq3A_10 = arith.constant 19 : i32
    %eq3A_11 = arith.cmpi eq, %arg0, %eq3A_10 : i32
    %eq3A_12 = arith.constant 9 : i32
    %eq3A_13 = arith.cmpi eq, %arg1, %eq3A_12 : i32
    %and3A_14 = arith.andi %eq3A_11, %eq3A_13 : i1
    %convert_element_type3A_15 = arith.extui %and3A_14 : i1 to i32
    %cond3A_16 = arith.constant 0 : i32
    %cond3A_17 = arith.cmpi ne, %convert_element_type3A_15, %cond3A_16 : i32
    scf.if %cond3A_17 {
      %get3A_18 = arith.constant 0 : index
      %get3A_19 = arith.constant 0 : index
      %get3A_20 = memref.load %arg8[%get3A_18, %get3A_19] : memref<1x1xf32, #tpu.memory_space<smem>>
      %mul3A = arith.constant 2.000000e-04 : f32
      %mul3A_21 = arith.mulf %get3A_20, %mul3A : f32
      %swap3A = arith.constant 0 : index
      %swap3A_22 = arith.constant 0 : index
      %swap3A_23 = memref.load %arg8[%swap3A, %swap3A_22] : memref<1x1xf32, #tpu.memory_space<smem>>
      memref.store %mul3A_21, %arg8[%swap3A, %swap3A_22] : memref<1x1xf32, #tpu.memory_space<smem>>
    } else {
    }
    return
  }
  func.func @transform_0(%arg0: i32, %arg1: i32) -> (i32, i32) {
    %c0_i32 = arith.constant 0 : i32
    %c0_i32_0 = arith.constant 0 : i32
    %c0_i32_1 = arith.constant 0 : i32
    return %c0_i32, %c0_i32_0 : i32, i32
  }
  func.func @transform_1(%arg0: i32, %arg1: i32) -> (i32, i32) {
    %c0_i32 = arith.constant 0 : i32
    %c0_i32_0 = arith.constant 0 : i32
    return %arg0, %c0_i32 : i32, i32
  }
  func.func @transform_2(%arg0: i32, %arg1: i32) -> (i32, i32, i32) {
    %c0_i32 = arith.constant 0 : i32
    %c0_i32_0 = arith.constant 0 : i32
    %c0_i32_1 = arith.constant 0 : i32
    return %c0_i32, %c0_i32_0, %arg1 : i32, i32, i32
  }
  func.func @transform_3(%arg0: i32, %arg1: i32) -> (i32, i32) {
    %c0_i32 = arith.constant 0 : i32
    %c0_i32_0 = arith.constant 0 : i32
    return %c0_i32, %arg0 : i32, i32
  }
  func.func @transform_4(%arg0: i32, %arg1: i32) -> (i32, i32) {
    %c0_i32 = arith.constant 0 : i32
    %c0_i32_0 = arith.constant 0 : i32
    return %c0_i32, %arg1 : i32, i32
  }
  func.func @transform_5(%arg0: i32, %arg1: i32) -> (i32, i32) {
    %c0_i32 = arith.constant 0 : i32
    %c0_i32_0 = arith.constant 0 : i32
    return %arg0, %c0_i32 : i32, i32
  }
  func.func @transform_6(%arg0: i32, %arg1: i32) -> (i32, i32) {
    %c0_i32 = arith.constant 0 : i32
    %c0_i32_0 = arith.constant 0 : i32
    %c0_i32_1 = arith.constant 0 : i32
    return %c0_i32, %c0_i32_0 : i32, i32
  }
}

</mosaic_0001>

<sc_bundles>
// kernel: kernel.5.cloned.1.call-start
scs
__scs_entry_jumppad:
0x0: {  	(pc) =	sbr.rel $0x88, $3  }
0x1: {  	(tag) =	ssettag $0x0;
	lr =	simm.s32 $0x1  }
0x2: {  	[smem:$0x3F9E] =	sst lr;
	_ =	strace $0xD0000000  }
0x3: {  	_ = 	snop  }
0x4: {  	_ = 	snop  }
0x5: {  	_ = 	snop  }
0x6: {  	_ = 	snop  }
0x7: {  	_ = 	snop  }
__scs_overlays_trampoline_lowered:
0x8: {  	[smem:$0x3FAD] =	sst s0  }
0x9: {  	[smem:$0x3FAE] =	sst s1  }
0xa: {  	[smem:$0x3FAF] =	sst s2  }
0xb: {  	[smem:$0x3FB0] =	sst s3  }
0xc: {  	[smem:$0x3FB1] =	sst s4  }
0xd: {  	[smem:$0x3FB2] =	sst s5  }
0xe: {  	[smem:$0x3FB3] =	sst s6  }
0xf: {  	[smem:$0x3FB4] =	sst s7  }
0x10: {  	[smem:$0x3FB5] =	sst s8  }
0x11: {  	[smem:$0x3FB6] =	sst s9;
	s0 =	simm.s32 @!p0 $0x0  }
0x12: {  	s1 =	sld [smem:$0x3F9C];
	s0 =	simm.s32 @p0 $0x1  }
0x13: {  	[smem:$0x3FB7] =	sst s0;
	s0 =	simm.s32 @!p1 $0x0  }
0x14: {  	s2 =	sld [smem:$0x3F9B];
	s0 =	simm.s32 @p1 $0x1  }
0x15: {  	[smem:$0x3FB8] =	sst s0;
	s0 =	simm.s32 @!p2 $0x0  }
0x16: {  	s3 =	sld [smem:$0x3FDB];
	s0 =	simm.s32 @p2 $0x1  }
0x17: {  	s4 =	simm.s32 $0x1BF5;
	[smem:$0x3FBA] =	sst s0  }
0x18: {  	s0 =	sld [smem:$0x3F9D];
	_ =	swait.ge [sflag:s4], $0x0  }
0x19: {  	s7 =	sld [smem:$0x3F9E]  }
0x1a: {  	s8 =	sadd.s32 $0xFFFFE003, lr  }
0x1b: {  	s9 =	sadd.s32 $0xFFFFFEF7, lr;
	s5 =	simm.s32 $0xFFFFFFFF;
	p2 =	slt.u32 s8, $0xFFFFF086  }
0x1c: {  	p1 =	slt.u32 s9, $0xF7A;
	s5 =	simm.s32 @!p2 $0x0  }
0x1d: {  	s5 =	simm.s32 @p1 $0x1;
	p0 =	seq.s32 s7, s2  }
0x1e: {  	s7 =	smul.u32 @!p0 $0xF7A, s2;
	p2 =	seq.s32 @!p0 s5, $0x0  }
0x1f: {  	s9 =	smul.u32 $0xF7A, s1;
	s8 =	simm.s32 @!p0 $0x1BF5;
	p2 =	por !p2, p0  }
0x20: {  	[sflag:s8] =	ssyncset.s32 @!p0 $0xFFFFF086;
	s6 =	sadd.s32 @!p0 s3, s7;
	s7 =	simm.s32 @!p0 $0x108  }
0x21: {  	s3 =	sadd.s32 s3, s9;
	s6 =	sadd.s32 @!p0 $0x88, s6;
	s7 =	simm.s32 @p2 $0x1082  }
0x22: {  	[simem:s7], [sflag:s8] =	dma.local @!p0 [hbm:s6], $0xF7A  }
0x23: {  	s9 =	sor.u32 $0xD0000000, s2;
	s6 =	simm.s32 $0x108;
	_ =	swait.ge @!p0 [sflag:s8], $0x0  }
0x24: {  	s3 =	sadd.s32 $0x88, s3;
	s6 =	simm.s32 @!p1 $0x1082;
	[sflag:s4] =	ssyncset.s32 $0xFFFFF086  }
0x25: {  	[simem:s6], [sflag:s4] =	dma.local [hbm:s3], $0xF7A  }
0x26: {  	[smem:$0x3F9E] =	sst s1;
	(tag) =	ssettag s2;
	_ =	strace s9  }
0x27: {  	s1 =	sld [smem:$0x3FAE]  }
0x28: {  	s2 =	sld [smem:$0x3FAF]  }
0x29: {  	s4 =	sld [smem:$0x3FB1]  }
0x2a: {  	p0 =	seq.s32 s5, $0x0;
	s5 =	sld [smem:$0x3FB2]  }
0x2b: {  	s6 =	sld [smem:$0x3FB3]  }
0x2c: {  	s7 =	sld [smem:$0x3FB4]  }
0x2d: {  	s3 =	simm.s32 $0x108;
	s8 =	sld [smem:$0x3FB5]  }
0x2e: {  	s3 =	simm.s32 @!p0 $0x1082;
	s9 =	sld [smem:$0x3FB6]  }
0x2f: {  	lr =	sadd.s32 s0, s3;
	s0 =	sld [smem:$0x3FAD]  }
0x30: {  	s3 =	sld [smem:$0x3FB0]  }
0x31: {  	[smem:$0x3FB9] =	sst s10  }
0x32: {  	s10 =	sld [smem:$0x3FB7];
	_ =	sdelay $0x3  }
0x33: {  	p0 =	seq.s32 s10, $0x1;
	s10 =	sld [smem:$0x3FB9];
	_ =	sdelay $0x3  }
0x34: {  	[smem:$0x3FB9] =	sst s10  }
0x35: {  	s10 =	sld [smem:$0x3FB8];
	_ =	sdelay $0x3  }
0x36: {  	p1 =	seq.s32 s10, $0x1;
	s10 =	sld [smem:$0x3FB9];
	_ =	sdelay $0x3  }
0x37: {  	[smem:$0x3FB9] =	sst s10  }
0x38: {  	s10 =	sld [smem:$0x3FBA]  }
0x39: {  	_ = 	snop;
	(pc) =	sbr.ind lr, $3  }
0x3a: {  	_ = 	snop  }
0x3b: {  	_ = 	snop  }
0x3c: {  	p2 =	seq.s32 s10, $0x1;
	s10 =	sld [smem:$0x3FB9]  }
0x3d: {  	_ =	shalt  }
0x3e: {  	_ =	shalt  }
0x3f: {  	_ =	shalt  }
0x40: {  	_ =	shalt  }
0x41: {  	_ =	shalt  }
0x42: {  	_ =	shalt  }
0x43: {  	_ =	shalt  }
0x44: {  	_ =	shalt  }
0x45: {  	_ =	shalt  }
0x46: {  	_ =	shalt  }
0x47: {  	_ =	shalt  }
0x48: {  	_ =	shalt  }
0x49: {  	_ =	shalt  }
0x4a: {  	_ =	shalt  }
0x4b: {  	_ =	shalt  }
0x4c: {  	_ =	shalt  }
0x4d: {  	_ =	shalt  }
0x4e: {  	_ =	shalt  }
0x4f: {  	_ =	shalt  }
0x50: {  	_ =	shalt  }
0x51: {  	_ =	shalt  }
0x52: {  	_ =	shalt  }
0x53: {  	_ =	shalt  }
0x54: {  	_ =	shalt  }
0x55: {  	_ =	shalt  }
0x56: {  	_ =	shalt  }
0x57: {  	_ =	shalt  }
0x58: {  	_ =	shalt  }
0x59: {  	_ =	shalt  }
0x5a: {  	_ =	shalt  }
0x5b: {  	_ =	shalt  }
0x5c: {  	_ =	shalt  }
0x5d: {  	_ =	shalt  }
0x5e: {  	_ =	shalt  }
0x5f: {  	_ =	shalt  }
0x60: {  	_ =	shalt  }
0x61: {  	_ =	shalt  }
0x62: {  	_ =	shalt  }
0x63: {  	_ =	shalt  }
0x64: {  	_ =	shalt  }
0x65: {  	_ =	shalt  }
0x66: {  	_ =	shalt  }
0x67: {  	_ =	shalt  }
0x68: {  	_ =	shalt  }
0x69: {  	_ =	shalt  }
0x6a: {  	_ =	shalt  }
0x6b: {  	_ =	shalt  }
0x6c: {  	_ =	shalt  }
0x6d: {  	_ =	shalt  }
0x6e: {  	_ =	shalt  }
0x6f: {  	_ =	shalt  }
0x70: {  	_ =	shalt  }
0x71: {  	_ =	shalt  }
0x72: {  	_ =	shalt  }
0x73: {  	_ =	shalt  }
0x74: {  	_ =	shalt  }
0x75: {  	_ =	shalt  }
0x76: {  	_ =	shalt  }
0x77: {  	_ =	shalt  }
0x78: {  	_ =	shalt  }
0x79: {  	_ =	shalt  }
0x7a: {  	_ =	shalt  }
0x7b: {  	_ =	shalt  }
0x7c: {  	_ =	shalt  }
0x7d: {  	_ =	shalt  }
0x7e: {  	_ =	shalt  }
0x7f: {  	_ =	shalt  }
0x80: {  	_ =	shalt  }
0x81: {  	_ =	shalt  }
0x82: {  	_ =	shalt  }
0x83: {  	_ =	shalt  }
0x84: {  	_ =	shalt  }
0x85: {  	_ =	shalt  }
0x86: {  	_ =	shalt  }
0x87: {  	_ =	shalt  }
.Lfunc_end0:
.L_simem_size_0:
called_computation_lowered:
.L_overlay_start_0:
0x88: {  	s2 =	sld [smem:$0x3FD9]  }
0x89: {  	s3 =	sld [smem:$0x3FFE];
	_ =	sdelay $0x1  }
0x8a: {  	s1 =	srdreg.scid  }
0x8b: {  	s0 =	sand.u32 $0x1, s1  }
0x8c: {  	s16 =	sshll.u32 s0, $0xA;
	s2 =	sadd.s32 s3, s2  }
0x8d: {  	s2 =	sadd.s32 s2, s16  }
0x8e: {  	[smem:$0x3FC5] =	sst s2  }
0x8f: {  	_ = 	snop  }
0x90: {  	(tm) =	ssettm $0x1  }
0x91: {  	s17 =	sld [smem:$0x3FFB];
	_ =	sdelay $0x3  }
0x92: {  	_ =	strace s17  }
0x93: {  	s2 =	sld [smem:$0x3FFC];
	_ =	sdelay $0x3  }
0x94: {  	_ =	strace s2  }
0x95: {  	s2 =	sld [smem:$0x3FFD];
	_ =	sdelay $0x3  }
0x96: {  	_ =	strace s2  }
0x97: {  	_ =	strace $0x8FFFFFFF  }
0x98: {  	s18 =	sld [smem:$0x3FDB];
	_ =	sdelay $0x1  }
0x99: {  	s19 =	simm.s32 $_scs_section_size  }
0x9a: {  	s4 =	simm.s32 $_size__tile_overlayer_lowered;
	s5 =	simm.s32 $_tile_overlayer_lowered  }
0x9b: {  	s22 =	simm.s32 $0x1BFF;
	s21 =	sshll.u32 s5, $0x1;
	s2 =	sadd.s32 s19, s18  }
0x9c: {  	s6 =	simm.s32 $0x0;
	s20 =	sshll.u32 s4, $0x1;
	s4 =	sadd.s32 s21, s2  }
0x9d: {  	[timem:s6], [sflag:s22] =	dma.local [hbm:s4], s20  }
0x9e: {  	_ =	swait.ge [sflag:s22], s20  }
0x9f: {  	s3 =	ssub.s32 $0x0, s20;
	[sflag:s22] =	ssyncset.done $0x0  }
0xa0: {  	[sflag:s22] =	ssyncadd.s32 s3;
	_ =	sdelay $0x1  }
0xa1: {  	s23 =	simm.s32 $0x1B8B  }
0xa2: {  	_ =	swait.ge [sflag:s23], $0x1  }
0xa3: {  	[sflag:s23] =	ssyncset.done $0x0  }
0xa4: {  	s25 =	simm.s32 $0x1B8E;
	s24 =	sld [smem:$0x3FFE];
	[sflag:s23] =	ssyncadd.s32 $0xFFFFFFFF  }
0xa5: {  	s26 =	simm.s32 $execute0_lowered;
	[smem:$0x3FD2] =	sst s25  }
0xa6: {  	s4 =	sshll.u32 s26, $0x1;
	_ =	strace $0x80000046;
	[dreg:$0x1] =	wrdreg $0xFFFFFFFF  }
0xa7: {  	s28 =	simm.s32 $_size_execute0_lowered;
	s2 =	sadd.s32 s2, s4;
	[dreg:$0x0] =	wrdreg $0x0  }
0xa8: {  	s4 =	sshll.u32 s28, $0x1;
	[dreg:$0x2] =	wrdreg s2  }
0xa9: {  	[dreg:$0x3] =	wrdreg s4  }
0xaa: {  	[dreg:$0x4] =	wrdreg $0xC0  }
0xab: {  	_ =	task [dreg:s6], $0x5FFFF  }
0xac: {  	[dreg:$0x1] =	wrdreg $0xFFFFFFFF  }
0xad: {  	[dreg:$0x0] =	wrdreg $0x60  }
0xae: {  	[dreg:$0x2] =	wrdreg s24  }
0xaf: {  	[dreg:$0x3] =	wrdreg $0x9  }
0xb0: {  	_ =	task.clear_ibuf [dreg:s6], $0x4FFFF;
	_ =	strace $0x90000046  }
0xb1: {  	s29 =	simm.s32 $0x9;
	_ =	strace $0x80000048  }
0xb2: {  	_ =	swait.ge [sflag:s29], $0x1  }
0xb3: {  	[sflag:s29] =	ssyncadd.s32 $0xFFFFFFFF  }
0xb4: {  	_ =	strace $0x90000048  }
0xb5: {  	_ =	sfence  }
0xb6: {  	s30 =	sld [smem:$0x0];
	_ =	sdelay $0x2  }
0xb7: {  	s31 =	sshll.u32 s1, $0xD;
	s1 =	sshrl.u32 s1, $0x2  }
0xb8: {  	s3 =	sand.u32 $0x4000, s31;
	s1 =	sadd.s32 s1, s30  }
0xb9: {  	s0 =	sor.u32 s3, s0;
	s1 =	sshll.u32 s1, $0x11  }
0xba: {  	s0 =	sor.u32 s1, s0  }
0xbb: {  	s0 =	sadd.s32 $0x8F2B, s0  }
0xbc: {  	[sflag:s0] =	ssyncadd.remote.s32 $0x1  }
0xbd: {  	_ =	sfence.sel $0xFFFF  }
0xbe: {  	[dreg:$0x0] =	wrdreg $0xFFFFFFFF;
	(pc) =	sbr.abs _section_cstart, $3  }
0xbf: {  	[dreg:$0x1] =	wrdreg $0xFFFFFFFF  }
0xc0: {  	_ =	task.clear_ibuf [dreg:s6], $0x2FFFF;
	_ =	strace $0x9FFFFFFF  }
0xc1: {  	(tm) =	ssettm $0x7FFFFFFF  }
tec
execute0_lowered:
.L_overlay_start_1:
0x0: {  	(tag) =	ssettag $0x1  }
0x1: {  	s1 =	srdreg.scid  }
0x2: {  	s0 =	stileid.u32;
	s4 =	rddreg [dreg:$0x0];
	s2 =	simm.s32 $0x0  }
0x3: {  	s12 =	simm.s32 $0xB00;
	s13 =	simm.s32 $0xC00;
	s14 =	simm.s32 $0xD00  }
0x4: {  	s15 =	simm.s32 $0x0;
	s5 =	sand.u32 $0x1, s1;
	s3 =	sshll.u32 s0, $0x1  }
0x5: {  	s1 =	rddreg [dreg:$0x1];
	s9 =	smul.u32 $0x140, s0;
	s3 =	sor.u32 s5, s3  }
0x6: {  	[smem:$0x7FF] =	sst s2;
	s7 =	ssub.s32 $0x2, s5;
	s6 =	smul.u32 $0xA0, s3  }
0x7: {  	_ =	strace $0x80000047;
	s11 =	smul.u32 $0xA0, s5;
	s8 =	sshrl.u32 s7, $0x1  }
0x8: {  	v0 =	vlaneseq.u32;
	s3 =	sadd.s32 $0x400, s4;
	s8 =	ssub.s32 s7, s8;
	s6 =	sshrl.u32 s6, $0x3  }
0x9: {  	v0 =	vmul.u32 $0xFFFFFFFF, v0;
	s9 =	sadd.s32 s11, s9;
	s11 =	simm.s32 $0xA00;
	s10 =	sadd.s32 s6, s4  }
0xa: {  	s8 =	smax.u32 s8, $0x1;
	s4 =	sadd.s32 $0xE00, s10;
	s5 =	sadd.s32 $0xA00, s10  }
0xb: {  	v0 =	vadd.s32 $0x1388, v0;
	s6 =	sadd.s32 $0x600, s10;
	s7 =	sadd.s32 $0x1200, s10;
	s10 =	simm.s32 $0x1  }
.LBB2_1:
0xc: {  	[tilespmem:s2], [sflag:$0x1] =	stream.linear.gather [hbm4b:s3+s2], $0xA00, $0x38;
	[tilespmem:$0xE00] =	vst v63  }
0xd: {  	_ =	swait.ge [sflag:s10], $0xA00  }
0xe: {  	[sflag:s10] =	ssyncset.done $0x0  }
0xf: {  	[sflag:s10] =	ssyncadd.s32 $0xFFFFF600  }
0x10: {  	[tilespmem:s11], [sflag:$0x1] =	stream.linear.gather [hbm4b:s4+s2], $0xA0, $0x38;
	[tilespmem:$0xE00] =	vst v63  }
0x11: {  	_ =	swait.ge [sflag:s10], $0xA0  }
0x12: {  	[sflag:s10] =	ssyncset.done $0x0  }
0x13: {  	[sflag:s10] =	ssyncadd.s32 $0xFFFFFF60  }
0x14: {  	[tilespmem:s12], [sflag:$0x1] =	stream.linear.gather [hbm4b:s5+s2], $0xA0, $0x38;
	[tilespmem:$0xE00] =	vst v63  }
0x15: {  	_ =	swait.ge [sflag:s10], $0xA0  }
0x16: {  	[sflag:s10] =	ssyncset.done $0x0  }
0x17: {  	[sflag:s10] =	ssyncadd.s32 $0xFFFFFF60  }
0x18: {  	[tilespmem:s13], [sflag:$0x1] =	stream.linear.gather [hbm4b:s6+s2], $0xA0, $0x38;
	[tilespmem:$0xE00] =	vst v63  }
0x19: {  	_ =	swait.ge [sflag:s10], $0xA0  }
0x1a: {  	[sflag:s10] =	ssyncset.done $0x0  }
0x1b: {  	s17 =	simm.s32 $0x0;
	[sflag:s10] =	ssyncadd.s32 $0xFFFFFF60  }
0x1c: {  	v1 =	vld [tilespmem:s17+$0xB00]  }
0x1d: {  	v2 =	vld [tilespmem:s17+$0xA00];
	_ =	sdelay $0x1  }
0x1e: {  	v3 =	vld [tilespmem:s17+$0xC00];
	_ =	sdelay $0x4  }
0x1f: {  	v1 =	vld.idx.msk [tilespmem:v1+s2+$0x0], $0xffff  }
0x20: {  	v2 =	vld.idx.msk [tilespmem:v2+s2+$0x0], $0xffff;
	_ =	sdelay $0x1  }
0x21: {  	v3 =	vld.idx.msk [tilespmem:v3+s2+$0x0], $0xffff;
	_ =	sdelay $0x1  }
0x22: {  	s16 =	simm.s32 $0x10  }
0x23: {  	v4 =	vld [tilespmem:s16+$0xB00];
	v1 =	vadd.f32 v1, v2  }
0x24: {  	v2 =	vld [tilespmem:s16+$0xA00]  }
0x25: {  	v1 =	vadd.f32 v3, v1  }
0x26: {  	v5 =	vld [tilespmem:s16+$0xC00]  }
0x27: {  	v3 =	vmov s9;
	v1 =	vmul.f32 $3.333333430e-01, v1  }
0x28: {  	vm0 =	vlt.u32 v3, v0  }
0x29: {  	v1 =	vnsel vm0, $0x4E6E6B28, v1  }
0x2a: {  	[tilespmem:s17+$0xD00] =	vst v1  }
0x2b: {  	v3 =	vld.idx.msk [tilespmem:v4+s2+$0x0], $0xffff  }
0x2c: {  	v4 =	vld.idx.msk [tilespmem:v2+s2+$0x0], $0xffff;
	_ =	sdelay $0x1  }
0x2d: {  	v2 =	vld.idx.msk [tilespmem:v5+s2+$0x0], $0xffff;
	_ =	sdelay $0x1  }
0x2e: {  	s17 =	simm.s32 $0x20  }
0x2f: {  	s19 =	simm.s32 $0xC0;
	s18 =	smov.u32 s9;
	v1 =	vld [tilespmem:s17+$0xB00];
	v3 =	vadd.f32 v3, v4  }
.LBB2_2:
0x30: {  	p0 =	sne.s32 s19, $0x240;
	v4 =	vld [tilespmem:s17+$0xA00]  }
0x31: {  	v2 =	vadd.f32 v2, v3  }
0x32: {  	s18 =	sadd.s32 $0x10, s18;
	v3 =	vld [tilespmem:s17+$0xC00]  }
0x33: {  	v5 =	vmov s18;
	v2 =	vmul.f32 $3.333333430e-01, v2  }
0x34: {  	vm0 =	vlt.u32 v5, v0  }
0x35: {  	v2 =	vnsel vm0, $0x4E6E6B28, v2  }
0x36: {  	[tilespmem:s16+$0xD00] =	vst v2;
	s16 =	smov.u32 s17  }
0x37: {  	v5 =	vld.idx.msk [tilespmem:v1+s2+$0x0], $0xffff  }
0x38: {  	v4 =	vld.idx.msk [tilespmem:v4+s2+$0x0], $0xffff;
	_ =	sdelay $0x1  }
.Ltmp0:
0x39: {  	v2 =	vld.idx.msk [tilespmem:v3+s2+$0x0], $0xffff;
	(pc) =	sbr.rel @p0 .LBB2_2-.Ltmp0, $3  }
0x3a: {  	_ =	sdelay $0x1  }
0x3b: {  	s17 =	sshra.s32 s19, $0x2  }
0x3c: {  	s19 =	sadd.s32 $0x40, s19;
	v3 =	vadd.f32 v5, v4;
	v1 =	vld [tilespmem:s17+$0xB00]  }
0x3d: {  	_ = 	snop  }
0x3e: {  	v4 =	vld [tilespmem:s17+$0xA00]  }
0x3f: {  	v2 =	vadd.f32 v2, v3  }
0x40: {  	s18 =	sadd.s32 $0x10, s18;
	v3 =	vld [tilespmem:s17+$0xC00]  }
0x41: {  	v5 =	vmov s18;
	v2 =	vmul.f32 $3.333333430e-01, v2  }
0x42: {  	vm0 =	vlt.u32 v5, v0  }
0x43: {  	v2 =	vnsel vm0, $0x4E6E6B28, v2  }
0x44: {  	[tilespmem:s16+$0xD00] =	vst v2  }
0x45: {  	v1 =	vld.idx.msk [tilespmem:v1+s2+$0x0], $0xffff  }
0x46: {  	v2 =	vld.idx.msk [tilespmem:v4+s2+$0x0], $0xffff;
	_ =	sdelay $0x1  }
0x47: {  	v3 =	vld.idx.msk [tilespmem:v3+s2+$0x0], $0xffff;
	_ =	sdelay $0x2  }
0x48: {  	v1 =	vadd.f32 v1, v2;
	_ =	sdelay $0x1  }
0x49: {  	v1 =	vadd.f32 v3, v1  }
0x4a: {  	s31 =	sadd.s32 $0x10, s18  }
0x4b: {  	v2 =	vmov s31;
	v1 =	vmul.f32 $3.333333430e-01, v1  }
0x4c: {  	s15 =	sadd.s32 $0x1, s15;
	vm15 =	vlt.u32 v2, v0  }
0x4d: {  	p0 =	sne.s32 s15, s8;
	v1 =	vnsel vm15, $0x4E6E6B28, v1  }
.Ltmp1:
0x4e: {  	[tilespmem:s17+$0xD00] =	vst v1;
	(pc) =	sbr.rel @p0 .LBB2_1-.Ltmp1, $4  }
0x4f: {  	[hbm4b:s7+s2] =	stream.linear.scatter [tilespmem:s14], [sflag:$0x1], $0xA0, $0x38;
	[tilespmem:$0xE00] =	vst v63  }
0x50: {  	_ =	swait.ge [sflag:s10], $0xA0  }
0x51: {  	[sflag:s10] =	ssyncset.done $0x0  }
0x52: {  	[sflag:s10] =	ssyncadd.s32 $0xFFFFFF60  }
0x53: {  	_ =	sfence.sel $0x180000  }
0x54: {  	[bflag:$0x0] =	sbarrier.arrive $0xFFFF  }
0x55: {  	p0 =	sne.s32 s0, $0x0;
	_ =	strace $0x90000047  }
0x56: {  	s0 =	sadd.s32 @!p0 $0x100000, s1;
	[bflag:$0x2] =	sbarrier.arrive $0xFFFF  }
0x57: {  	[sflag:s0] =	ssyncadd.tile.s32 @!p0 $0x1;
	_ =	shalt  }
.Lfunc_end2:
_tile_overlayer_lowered:
.L_overlay_start_2:
0x58: {  	(tag) =	ssettag $0x2  }
0x59: {  	s0 =	rddreg [dreg:$0x0];
	s2 =	stileid.u32  }
0x5a: {  	s1 =	rddreg [dreg:$0x1];
	p0 =	sne.s32 s2, $0x0  }
0x5b: {  	s3 =	rddreg [dreg:$0x2];
	[bflag:$0x3] =	sbarrier.arrive $0xFFFF;
	s2 =	simm.s32 @!p0 $0x1C01  }
0x5c: {  	[timem:s3], [sflag:s2] =	dma.local @!p0 [hbm:s0], s1  }
0x5d: {  	s0 =	simm.s32 @!p0 $0x1  }
0x5e: {  	_ =	swait.ge @!p0 [sflag:s0], s1  }
0x5f: {  	s1 =	ssub.s32 @!p0 $0x0, s1;
	[sflag:s0] =	ssyncset.done @!p0 $0x0  }
0x60: {  	[sflag:s0] =	ssyncadd.s32 @!p0 s1  }
0x61: {  	[bflag:$0x3] =	sbarrier.arrive $0xFFFF  }
0x62: {  	_ =	shalt  }

// kernel: kernel.8.cloned.1.call-start
scs
__scs_entry_jumppad:
0x0: {  	(pc) =	sbr.rel $0x88, $3  }
0x1: {  	(tag) =	ssettag $0x0;
	lr =	simm.s32 $0x1  }
0x2: {  	[smem:$0x3F9E] =	sst lr;
	_ =	strace $0xD0000000  }
0x3: {  	_ = 	snop  }
0x4: {  	_ = 	snop  }
0x5: {  	_ = 	snop  }
0x6: {  	_ = 	snop  }
0x7: {  	_ = 	snop  }
__scs_overlays_trampoline_lowered:
0x8: {  	[smem:$0x3FAD] =	sst s0  }
0x9: {  	[smem:$0x3FAE] =	sst s1  }
0xa: {  	[smem:$0x3FAF] =	sst s2  }
0xb: {  	[smem:$0x3FB0] =	sst s3  }
0xc: {  	[smem:$0x3FB1] =	sst s4  }
0xd: {  	[smem:$0x3FB2] =	sst s5  }
0xe: {  	[smem:$0x3FB3] =	sst s6  }
0xf: {  	[smem:$0x3FB4] =	sst s7  }
0x10: {  	[smem:$0x3FB5] =	sst s8  }
0x11: {  	[smem:$0x3FB6] =	sst s9;
	s0 =	simm.s32 @!p0 $0x0  }
0x12: {  	s1 =	sld [smem:$0x3F9C];
	s0 =	simm.s32 @p0 $0x1  }
0x13: {  	[smem:$0x3FB7] =	sst s0;
	s0 =	simm.s32 @!p1 $0x0  }
0x14: {  	s2 =	sld [smem:$0x3F9B];
	s0 =	simm.s32 @p1 $0x1  }
0x15: {  	[smem:$0x3FB8] =	sst s0;
	s0 =	simm.s32 @!p2 $0x0  }
0x16: {  	s3 =	sld [smem:$0x3FDB];
	s0 =	simm.s32 @p2 $0x1  }
0x17: {  	s4 =	simm.s32 $0x1BF5;
	[smem:$0x3FBA] =	sst s0  }
0x18: {  	s0 =	sld [smem:$0x3F9D];
	_ =	swait.ge [sflag:s4], $0x0  }
0x19: {  	s7 =	sld [smem:$0x3F9E]  }
0x1a: {  	s8 =	sadd.s32 $0xFFFFE003, lr  }
0x1b: {  	s9 =	sadd.s32 $0xFFFFFEF7, lr;
	s5 =	simm.s32 $0xFFFFFFFF;
	p2 =	slt.u32 s8, $0xFFFFF086  }
0x1c: {  	p1 =	slt.u32 s9, $0xF7A;
	s5 =	simm.s32 @!p2 $0x0  }
0x1d: {  	s5 =	simm.s32 @p1 $0x1;
	p0 =	seq.s32 s7, s2  }
0x1e: {  	s7 =	smul.u32 @!p0 $0xF7A, s2;
	p2 =	seq.s32 @!p0 s5, $0x0  }
0x1f: {  	s9 =	smul.u32 $0xF7A, s1;
	s8 =	simm.s32 @!p0 $0x1BF5;
	p2 =	por !p2, p0  }
0x20: {  	[sflag:s8] =	ssyncset.s32 @!p0 $0xFFFFF086;
	s6 =	sadd.s32 @!p0 s3, s7;
	s7 =	simm.s32 @!p0 $0x108  }
0x21: {  	s3 =	sadd.s32 s3, s9;
	s6 =	sadd.s32 @!p0 $0x88, s6;
	s7 =	simm.s32 @p2 $0x1082  }
0x22: {  	[simem:s7], [sflag:s8] =	dma.local @!p0 [hbm:s6], $0xF7A  }
0x23: {  	s9 =	sor.u32 $0xD0000000, s2;
	s6 =	simm.s32 $0x108;
	_ =	swait.ge @!p0 [sflag:s8], $0x0  }
0x24: {  	s3 =	sadd.s32 $0x88, s3;
	s6 =	simm.s32 @!p1 $0x1082;
	[sflag:s4] =	ssyncset.s32 $0xFFFFF086  }
0x25: {  	[simem:s6], [sflag:s4] =	dma.local [hbm:s3], $0xF7A  }
0x26: {  	[smem:$0x3F9E] =	sst s1;
	(tag) =	ssettag s2;
	_ =	strace s9  }
0x27: {  	s1 =	sld [smem:$0x3FAE]  }
0x28: {  	s2 =	sld [smem:$0x3FAF]  }
0x29: {  	s4 =	sld [smem:$0x3FB1]  }
0x2a: {  	p0 =	seq.s32 s5, $0x0;
	s5 =	sld [smem:$0x3FB2]  }
0x2b: {  	s6 =	sld [smem:$0x3FB3]  }
0x2c: {  	s7 =	sld [smem:$0x3FB4]  }
0x2d: {  	s3 =	simm.s32 $0x108;
	s8 =	sld [smem:$0x3FB5]  }
0x2e: {  	s3 =	simm.s32 @!p0 $0x1082;
	s9 =	sld [smem:$0x3FB6]  }
0x2f: {  	lr =	sadd.s32 s0, s3;
	s0 =	sld [smem:$0x3FAD]  }
0x30: {  	s3 =	sld [smem:$0x3FB0]  }
0x31: {  	[smem:$0x3FB9] =	sst s10  }
0x32: {  	s10 =	sld [smem:$0x3FB7];
	_ =	sdelay $0x3  }
0x33: {  	p0 =	seq.s32 s10, $0x1;
	s10 =	sld [smem:$0x3FB9];
	_ =	sdelay $0x3  }
0x34: {  	[smem:$0x3FB9] =	sst s10  }
0x35: {  	s10 =	sld [smem:$0x3FB8];
	_ =	sdelay $0x3  }
0x36: {  	p1 =	seq.s32 s10, $0x1;
	s10 =	sld [smem:$0x3FB9];
	_ =	sdelay $0x3  }
0x37: {  	[smem:$0x3FB9] =	sst s10  }
0x38: {  	s10 =	sld [smem:$0x3FBA]  }
0x39: {  	_ = 	snop;
	(pc) =	sbr.ind lr, $3  }
0x3a: {  	_ = 	snop  }
0x3b: {  	_ = 	snop  }
0x3c: {  	p2 =	seq.s32 s10, $0x1;
	s10 =	sld [smem:$0x3FB9]  }
0x3d: {  	_ =	shalt  }
0x3e: {  	_ =	shalt  }
0x3f: {  	_ =	shalt  }
0x40: {  	_ =	shalt  }
0x41: {  	_ =	shalt  }
0x42: {  	_ =	shalt  }
0x43: {  	_ =	shalt  }
0x44: {  	_ =	shalt  }
0x45: {  	_ =	shalt  }
0x46: {  	_ =	shalt  }
0x47: {  	_ =	shalt  }
0x48: {  	_ =	shalt  }
0x49: {  	_ =	shalt  }
0x4a: {  	_ =	shalt  }
0x4b: {  	_ =	shalt  }
0x4c: {  	_ =	shalt  }
0x4d: {  	_ =	shalt  }
0x4e: {  	_ =	shalt  }
0x4f: {  	_ =	shalt  }
0x50: {  	_ =	shalt  }
0x51: {  	_ =	shalt  }
0x52: {  	_ =	shalt  }
0x53: {  	_ =	shalt  }
0x54: {  	_ =	shalt  }
0x55: {  	_ =	shalt  }
0x56: {  	_ =	shalt  }
0x57: {  	_ =	shalt  }
0x58: {  	_ =	shalt  }
0x59: {  	_ =	shalt  }
0x5a: {  	_ =	shalt  }
0x5b: {  	_ =	shalt  }
0x5c: {  	_ =	shalt  }
0x5d: {  	_ =	shalt  }
0x5e: {  	_ =	shalt  }
0x5f: {  	_ =	shalt  }
0x60: {  	_ =	shalt  }
0x61: {  	_ =	shalt  }
0x62: {  	_ =	shalt  }
0x63: {  	_ =	shalt  }
0x64: {  	_ =	shalt  }
0x65: {  	_ =	shalt  }
0x66: {  	_ =	shalt  }
0x67: {  	_ =	shalt  }
0x68: {  	_ =	shalt  }
0x69: {  	_ =	shalt  }
0x6a: {  	_ =	shalt  }
0x6b: {  	_ =	shalt  }
0x6c: {  	_ =	shalt  }
0x6d: {  	_ =	shalt  }
0x6e: {  	_ =	shalt  }
0x6f: {  	_ =	shalt  }
0x70: {  	_ =	shalt  }
0x71: {  	_ =	shalt  }
0x72: {  	_ =	shalt  }
0x73: {  	_ =	shalt  }
0x74: {  	_ =	shalt  }
0x75: {  	_ =	shalt  }
0x76: {  	_ =	shalt  }
0x77: {  	_ =	shalt  }
0x78: {  	_ =	shalt  }
0x79: {  	_ =	shalt  }
0x7a: {  	_ =	shalt  }
0x7b: {  	_ =	shalt  }
0x7c: {  	_ =	shalt  }
0x7d: {  	_ =	shalt  }
0x7e: {  	_ =	shalt  }
0x7f: {  	_ =	shalt  }
0x80: {  	_ =	shalt  }
0x81: {  	_ =	shalt  }
0x82: {  	_ =	shalt  }
0x83: {  	_ =	shalt  }
0x84: {  	_ =	shalt  }
0x85: {  	_ =	shalt  }
0x86: {  	_ =	shalt  }
0x87: {  	_ =	shalt  }
.Lfunc_end0:
.L_simem_size_0:
called_computation.1_lowered:
.L_overlay_start_0:
0x88: {  	s2 =	sld [smem:$0x3FD9]  }
0x89: {  	s3 =	sld [smem:$0x3FFE];
	_ =	sdelay $0x1  }
0x8a: {  	s1 =	srdreg.scid  }
0x8b: {  	s0 =	sand.u32 $0x1, s1  }
0x8c: {  	s16 =	sshll.u32 s0, $0xA;
	s2 =	sadd.s32 s3, s2  }
0x8d: {  	s2 =	sadd.s32 s2, s16  }
0x8e: {  	[smem:$0x3FC5] =	sst s2  }
0x8f: {  	_ = 	snop  }
0x90: {  	(tm) =	ssettm $0x1  }
0x91: {  	s17 =	sld [smem:$0x3FFB];
	_ =	sdelay $0x3  }
0x92: {  	_ =	strace s17  }
0x93: {  	s2 =	sld [smem:$0x3FFC];
	_ =	sdelay $0x3  }
0x94: {  	_ =	strace s2  }
0x95: {  	s2 =	sld [smem:$0x3FFD];
	_ =	sdelay $0x3  }
0x96: {  	_ =	strace s2  }
0x97: {  	_ =	strace $0x8FFFFFFF  }
0x98: {  	s18 =	sld [smem:$0x3FDB];
	_ =	sdelay $0x1  }
0x99: {  	s19 =	simm.s32 $_scs_section_size  }
0x9a: {  	s4 =	simm.s32 $_size__tile_overlayer_lowered;
	s5 =	simm.s32 $_tile_overlayer_lowered  }
0x9b: {  	s22 =	simm.s32 $0x1BFF;
	s21 =	sshll.u32 s5, $0x1;
	s2 =	sadd.s32 s19, s18  }
0x9c: {  	s6 =	simm.s32 $0x0;
	s20 =	sshll.u32 s4, $0x1;
	s4 =	sadd.s32 s21, s2  }
0x9d: {  	[timem:s6], [sflag:s22] =	dma.local [hbm:s4], s20  }
0x9e: {  	_ =	swait.ge [sflag:s22], s20  }
0x9f: {  	s3 =	ssub.s32 $0x0, s20;
	[sflag:s22] =	ssyncset.done $0x0  }
0xa0: {  	[sflag:s22] =	ssyncadd.s32 s3;
	_ =	sdelay $0x1  }
0xa1: {  	s23 =	simm.s32 $0x1B8B  }
0xa2: {  	_ =	swait.ge [sflag:s23], $0x1  }
0xa3: {  	[sflag:s23] =	ssyncset.done $0x0  }
0xa4: {  	s25 =	simm.s32 $0x1B8E;
	s24 =	sld [smem:$0x3FFE];
	[sflag:s23] =	ssyncadd.s32 $0xFFFFFFFF  }
0xa5: {  	s26 =	simm.s32 $execute0_lowered;
	[smem:$0x3FD2] =	sst s25  }
0xa6: {  	s4 =	sshll.u32 s26, $0x1;
	_ =	strace $0x80000049;
	[dreg:$0x1] =	wrdreg $0xFFFFFFFF  }
0xa7: {  	s28 =	simm.s32 $_size_execute0_lowered;
	s2 =	sadd.s32 s2, s4;
	[dreg:$0x0] =	wrdreg $0x0  }
0xa8: {  	s4 =	sshll.u32 s28, $0x1;
	[dreg:$0x2] =	wrdreg s2  }
0xa9: {  	[dreg:$0x3] =	wrdreg s4  }
0xaa: {  	[dreg:$0x4] =	wrdreg $0xC0  }
0xab: {  	_ =	task [dreg:s6], $0x5FFFF  }
0xac: {  	[dreg:$0x1] =	wrdreg $0xFFFFFFFF  }
0xad: {  	[dreg:$0x0] =	wrdreg $0x60  }
0xae: {  	[dreg:$0x2] =	wrdreg s24  }
0xaf: {  	[dreg:$0x3] =	wrdreg $0x9  }
0xb0: {  	_ =	task.clear_ibuf [dreg:s6], $0x4FFFF;
	_ =	strace $0x90000049  }
0xb1: {  	s29 =	simm.s32 $0x9;
	_ =	strace $0x8000004B  }
0xb2: {  	_ =	swait.ge [sflag:s29], $0x1  }
0xb3: {  	[sflag:s29] =	ssyncadd.s32 $0xFFFFFFFF  }
0xb4: {  	_ =	strace $0x9000004B  }
0xb5: {  	_ =	sfence  }
0xb6: {  	s30 =	sld [smem:$0x0];
	_ =	sdelay $0x2  }
0xb7: {  	s31 =	sshll.u32 s1, $0xD;
	s1 =	sshrl.u32 s1, $0x2  }
0xb8: {  	s3 =	sand.u32 $0x4000, s31;
	s1 =	sadd.s32 s1, s30  }
0xb9: {  	s0 =	sor.u32 s3, s0;
	s1 =	sshll.u32 s1, $0x11  }
0xba: {  	s0 =	sor.u32 s1, s0  }
0xbb: {  	s0 =	sadd.s32 $0x8F2B, s0  }
0xbc: {  	[sflag:s0] =	ssyncadd.remote.s32 $0x1  }
0xbd: {  	_ =	sfence.sel $0xFFFF  }
0xbe: {  	[dreg:$0x0] =	wrdreg $0xFFFFFFFF;
	(pc) =	sbr.abs _section_cstart, $3  }
0xbf: {  	[dreg:$0x1] =	wrdreg $0xFFFFFFFF  }
0xc0: {  	_ =	task.clear_ibuf [dreg:s6], $0x2FFFF;
	_ =	strace $0x9FFFFFFF  }
0xc1: {  	(tm) =	ssettm $0x7FFFFFFF  }
tec
execute0_lowered:
.L_overlay_start_1:
0x0: {  	(tag) =	ssettag $0x1  }
0x1: {  	s14 =	rddreg [dreg:$0x0];
	s0 =	srdreg.scid  }
0x2: {  	s1 =	stileid.u32;
	s3 =	simm.s32 $0x0;
	s0 =	sand.u32 $0x1, s0  }
0x3: {  	s1 =	sshll.u32 s1, $0x1;
	[smem:$0x7FF] =	sst s3;
	s2 =	sadd.s32 $0x15600, s14  }
0x4: {  	s5 =	sadd.s32 $0x16A00, s14;
	s6 =	sadd.s32 $0x17A00, s14;
	s1 =	sor.u32 s0, s1  }
0x5: {  	s28 =	sadd.s32 $0x200, s14;
	s0 =	ssub.s32 $0x2, s0;
	s4 =	smul.u32 $0xA0, s1  }
0x6: {  	s29 =	sadd.s32 $0x1600, s14;
	s1 =	smul.u32 $0x280, s1;
	s16 =	sshrl.u32 s0, $0x1  }
0x7: {  	_ =	strace $0x8000004A;
	s0 =	ssub.s32 s0, s16;
	s7 =	sshrl.u32 s4, $0x3  }
0x8: {  	s1 =	sadd.s32 s1, s14;
	s8 =	sadd.s32 s7, s14;
	s20 =	sadd.s32 s5, s7  }
0x9: {  	s9 =	sadd.s32 $0x280, s7;
	s21 =	sadd.s32 s6, s7;
	[dreg:$0x7] =	wrdreg s20  }
0xa: {  	s10 =	sadd.s32 $0x500, s7;
	s11 =	sadd.s32 s2, s9;
	[dreg:$0x8] =	wrdreg s21  }
0xb: {  	s18 =	sadd.s32 $0x780, s7;
	s17 =	sadd.s32 s2, s10;
	[dreg:$0x2] =	wrdreg s11  }
0xc: {  	v1 =	vlaneseq.u32;
	vm0 =	vmmov $0xffff;
	s19 =	sadd.s32 $0xA00, s7;
	s12 =	sadd.s32 s2, s18;
	[dreg:$0x3] =	wrdreg s17  }
0xd: {  	v2 =	vand.u32 $0x3, v1;
	v0 =	vmul.u32 $0x80, v1;
	v1 =	vmul.u32 $0x20, v1;
	s13 =	sadd.s32 $0xC80, s7;
	s15 =	sadd.s32 s2, s19;
	[dreg:$0x4] =	wrdreg s12  }
0xe: {  	v4 =	vimm.f32 $1.000000000e+00;
	v5 =	vmul.u32 $0x20, v2;
	v2 =	vimm.f32 $-1.000000000e+00;
	s4 =	sadd.s32 s2, s7;
	s2 =	sadd.s32 s2, s13;
	[dreg:$0x5] =	wrdreg s15  }
0xf: {  	v6 =	vor.u32 $0x1, v1;
	v7 =	vor.u32 $0x2, v1;
	v8 =	vor.u32 $0x3, v1;
	s7 =	simm.s32 $0x7C00;
	s22 =	sadd.s32 s5, s9;
	[dreg:$0x6] =	wrdreg s2  }
0x10: {  	v9 =	vor.u32 $0x4, v1;
	v10 =	vor.u32 $0x5, v1;
	v11 =	vor.u32 $0x6, v1;
	s23 =	sadd.s32 s6, s9;
	s24 =	sadd.s32 s5, s10;
	[dreg:$0x9] =	wrdreg s22  }
0x11: {  	v12 =	vor.u32 $0x7, v1;
	v13 =	vor.u32 $0x8, v1;
	v14 =	vor.u32 $0x9, v1;
	s25 =	sadd.s32 s6, s10;
	s26 =	sadd.s32 s5, s18;
	[dreg:$0xa] =	wrdreg s23  }
0x12: {  	v15 =	vor.u32 $0xA, v1;
	v16 =	vor.u32 $0xB, v1;
	v17 =	vor.u32 $0xC, v1;
	s20 =	sadd.s32 s5, s13;
	s21 =	sadd.s32 s6, s13;
	[dreg:$0xb] =	wrdreg s24  }
0x13: {  	v18 =	vor.u32 $0xD, v1;
	v19 =	vor.u32 $0xE, v1;
	v20 =	vor.u32 $0xF, v1;
	s30 =	sadd.s32 $0xF00, s4;
	s31 =	sadd.s32 $0x1180, s4;
	[dreg:$0xc] =	wrdreg s25  }
0x14: {  	v21 =	vor.u32 $0x10, v1;
	v22 =	vor.u32 $0x11, v1;
	v23 =	vor.u32 $0x12, v1;
	[dreg:$0xd] =	wrdreg s26;
	s17 =	sadd.s32 s6, s18;
	s18 =	sadd.s32 s5, s19  }
0x15: {  	v24 =	vor.u32 $0x13, v1;
	v25 =	vor.u32 $0x14, v1;
	v26 =	vor.u32 $0x15, v1;
	s19 =	sadd.s32 s6, s19;
	s22 =	sadd.s32 $0x600, s8;
	s23 =	sadd.s32 $0x18A00, s1  }
0x16: {  	v27 =	vor.u32 $0x16, v1;
	v28 =	vor.u32 $0x17, v1;
	v29 =	vor.u32 $0x18, v1;
	s24 =	sadd.s32 $0xA00, s8;
	s25 =	smax.u32 s0, $0x1;
	s26 =	sadd.s32 $0x400, s14  }
0x17: {  	v30 =	vor.u32 $0x19, v1;
	v31 =	vor.u32 $0x1A, v1;
	v32 =	vor.u32 $0x1B, v1;
	s0 =	simm.s32 $0x2;
	s1 =	simm.s32 $0xA00;
	s2 =	simm.s32 $0x1400  }
0x18: {  	v33 =	vor.u32 $0x1C, v1;
	v34 =	vor.u32 $0x1D, v1;
	v5 =	vor.u32 $0xFFFFFF80, v5;
	s5 =	simm.s32 $0x1F00;
	s6 =	simm.s32 $0x1;
	s8 =	simm.s32 $0x0  }
.LBB2_1:
0x19: {  	[tilespmem:s3], [sflag:$0x2] =	stream.linear.gather [hbm4b:s26+s3], $0xA00, $0x38;
	[tilespmem:$0x9100] =	vst v63  }
0x1a: {  	_ =	swait.ge [sflag:s0], $0xA00  }
0x1b: {  	[sflag:s0] =	ssyncset.done $0x0  }
0x1c: {  	[sflag:s0] =	ssyncadd.s32 $0xFFFFF600  }
0x1d: {  	[tilespmem:s1], [sflag:$0x2] =	stream.linear.gather [hbm4b:s28+s3], $0xA00, $0x38;
	[tilespmem:$0x9100] =	vst v63  }
0x1e: {  	_ =	swait.ge [sflag:s0], $0xA00  }
0x1f: {  	[sflag:s0] =	ssyncset.done $0x0  }
0x20: {  	[sflag:s0] =	ssyncadd.s32 $0xFFFFF600  }
0x21: {  	s9 =	rddreg [dreg:$0x0]  }
0x22: {  	[tilespmem:s2], [sflag:$0x2] =	stream.linear.gather [hbm4b:s9+s3], $0xA00, $0x38;
	[tilespmem:$0x9100] =	vst v63  }
0x23: {  	_ =	swait.ge [sflag:s0], $0xA00  }
0x24: {  	[sflag:s0] =	ssyncset.done $0x0  }
0x25: {  	s9 =	simm.s32 $0x1E00;
	[sflag:s0] =	ssyncadd.s32 $0xFFFFF600  }
0x26: {  	[tilespmem:s9], [sflag:$0x2] =	stream.linear.gather [hbm4b:s22+s3], $0xA0, $0x38;
	[tilespmem:$0x9100] =	vst v63  }
0x27: {  	_ =	swait.ge [sflag:s0], $0xA0  }
0x28: {  	[sflag:s0] =	ssyncset.done $0x0  }
0x29: {  	[sflag:s0] =	ssyncadd.s32 $0xFFFFFF60  }
0x2a: {  	v35 =	vld [tilespmem:$0x1E00];
	_ =	sdelay $0x7  }
0x2b: {  	[tilespmem:s5], [sflag:$0x1] =	stream.indirect_vreg.gather [hbm4b:s29+s3], $0x80, v35, vm0, $0xb8;
	[tilespmem:$0x9100] =	vst v63  }
0x2c: {  	v35 =	vld [tilespmem:$0x1E10];
	_ =	sdelay $0x6  }
0x2d: {  	s10 =	simm.s32 $0x2700  }
0x2e: {  	[tilespmem:s10], [sflag:$0x1] =	stream.indirect_vreg.gather [hbm4b:s29+s3], $0x80, v35, vm0, $0xb8;
	[tilespmem:$0x9100] =	vst v63  }
0x2f: {  	v35 =	vld [tilespmem:$0x1E20];
	_ =	sdelay $0x6  }
0x30: {  	s15 =	simm.s32 $0x2F00  }
0x31: {  	[tilespmem:s15], [sflag:$0x1] =	stream.indirect_vreg.gather [hbm4b:s29+s3], $0x80, v35, vm0, $0xb8;
	[tilespmem:$0x9100] =	vst v63  }
0x32: {  	v35 =	vld [tilespmem:$0x1E30];
	_ =	sdelay $0x6  }
0x33: {  	s16 =	simm.s32 $0x3700  }
0x34: {  	[tilespmem:s16], [sflag:$0x1] =	stream.indirect_vreg.gather [hbm4b:s29+s3], $0x80, v35, vm0, $0xb8;
	[tilespmem:$0x9100] =	vst v63  }
0x35: {  	v35 =	vld [tilespmem:$0x1E40];
	_ =	sdelay $0x6  }
0x36: {  	s11 =	simm.s32 $0x3F00  }
0x37: {  	[tilespmem:s11], [sflag:$0x1] =	stream.indirect_vreg.gather [hbm4b:s29+s3], $0x80, v35, vm0, $0xb8;
	[tilespmem:$0x9100] =	vst v63  }
0x38: {  	v35 =	vld [tilespmem:$0x1E50];
	_ =	sdelay $0x6  }
0x39: {  	s12 =	simm.s32 $0x4700  }
0x3a: {  	[tilespmem:s12], [sflag:$0x1] =	stream.indirect_vreg.gather [hbm4b:s29+s3], $0x80, v35, vm0, $0xb8;
	[tilespmem:$0x9100] =	vst v63  }
0x3b: {  	v35 =	vld [tilespmem:$0x1E60];
	_ =	sdelay $0x6  }
0x3c: {  	s13 =	simm.s32 $0x4F00  }
0x3d: {  	[tilespmem:s13], [sflag:$0x1] =	stream.indirect_vreg.gather [hbm4b:s29+s3], $0x80, v35, vm0, $0xb8;
	[tilespmem:$0x9100] =	vst v63  }
0x3e: {  	v35 =	vld [tilespmem:$0x1E70];
	_ =	sdelay $0x6  }
0x3f: {  	s14 =	simm.s32 $0x5700  }
0x40: {  	[tilespmem:s14], [sflag:$0x1] =	stream.indirect_vreg.gather [hbm4b:s29+s3], $0x80, v35, vm0, $0xb8;
	[tilespmem:$0x9100] =	vst v63  }
0x41: {  	v35 =	vld [tilespmem:$0x1E80];
	_ =	sdelay $0x6  }
0x42: {  	s15 =	simm.s32 $0x5F00  }
0x43: {  	[tilespmem:s15], [sflag:$0x1] =	stream.indirect_vreg.gather [hbm4b:s29+s3], $0x80, v35, vm0, $0xb8;
	[tilespmem:$0x9100] =	vst v63  }
0x44: {  	v35 =	vld [tilespmem:$0x1E90];
	_ =	sdelay $0x6  }
0x45: {  	s16 =	simm.s32 $0x6700  }
0x46: {  	[tilespmem:s16], [sflag:$0x1] =	stream.indirect_vreg.gather [hbm4b:s29+s3], $0x80, v35, vm0, $0xb8;
	[tilespmem:$0x9100] =	vst v63  }
0x47: {  	_ =	swait.ge [sflag:s6], $0x800  }
0x48: {  	[sflag:s6] =	ssyncset.done $0x0  }
0x49: {  	[sflag:s6] =	ssyncadd.s32 $0xFFFFF800  }
0x4a: {  	_ =	swait.ge [sflag:s6], $0x800  }
0x4b: {  	[sflag:s6] =	ssyncset.done $0x0  }
0x4c: {  	[sflag:s6] =	ssyncadd.s32 $0xFFFFF800  }
0x4d: {  	_ =	swait.ge [sflag:s6], $0x800  }
0x4e: {  	[sflag:s6] =	ssyncset.done $0x0  }
0x4f: {  	[sflag:s6] =	ssyncadd.s32 $0xFFFFF800  }
0x50: {  	_ =	swait.ge [sflag:s6], $0x800  }
0x51: {  	[sflag:s6] =	ssyncset.done $0x0  }
0x52: {  	[sflag:s6] =	ssyncadd.s32 $0xFFFFF800  }
0x53: {  	_ =	swait.ge [sflag:s6], $0x800  }
0x54: {  	[sflag:s6] =	ssyncset.done $0x0  }
0x55: {  	[sflag:s6] =	ssyncadd.s32 $0xFFFFF800  }
0x56: {  	_ =	swait.ge [sflag:s6], $0x800  }
0x57: {  	[sflag:s6] =	ssyncset.done $0x0  }
0x58: {  	[sflag:s6] =	ssyncadd.s32 $0xFFFFF800  }
0x59: {  	_ =	swait.ge [sflag:s6], $0x800  }
0x5a: {  	[sflag:s6] =	ssyncset.done $0x0  }
0x5b: {  	[sflag:s6] =	ssyncadd.s32 $0xFFFFF800  }
0x5c: {  	_ =	swait.ge [sflag:s6], $0x800  }
0x5d: {  	[sflag:s6] =	ssyncset.done $0x0  }
0x5e: {  	[sflag:s6] =	ssyncadd.s32 $0xFFFFF800  }
0x5f: {  	_ =	swait.ge [sflag:s6], $0x800  }
0x60: {  	[sflag:s6] =	ssyncset.done $0x0  }
0x61: {  	[sflag:s6] =	ssyncadd.s32 $0xFFFFF800  }
0x62: {  	s10 =	simm.s32 $0x75E0;
	s11 =	simm.s32 $0x7220;
	_ =	swait.ge [sflag:s6], $0x800  }
0x63: {  	s12 =	simm.s32 $0x79E0;
	s13 =	simm.s32 $0x9000;
	[sflag:s6] =	ssyncset.done $0x0  }
0x64: {  	s14 =	simm.s32 $0x0;
	s15 =	simm.s32 $0x0;
	[sflag:s6] =	ssyncadd.s32 $0xFFFFF800  }
.LBB2_2:
0x65: {  	v35 =	vmov s15  }
0x66: {  	v35 =	vshll.u32 v35, $0x7  }
0x67: {  	v38 =	vor.u32 v0, v35  }
0x68: {  	v35 =	vor.u32 $0x1E, v38;
	_ =	sdelay $0x1  }
0x69: {  	v36 =	vor.u32 $0x1F, v38;
	_ =	sdelay $0x1  }
0x6a: {  	v37 =	vor.u32 $0x20, v38  }
0x6b: {  	v35 =	vld.idx.msk [tilespmem:v35+s5+$0x0], $0xffff;
	_ =	sdelay $0x1  }
0x6c: {  	v41 =	vld.idx.msk [tilespmem:v36+s5+$0x0], $0xffff;
	_ =	sdelay $0x1  }
0x6d: {  	v45 =	vld.idx.msk [tilespmem:v37+s5+$0x0], $0xffff;
	_ =	sdelay $0x3  }
0x6e: {  	v42 =	vld.idx.msk [tilespmem:v35+s3+$0x0], $0xffff  }
0x6f: {  	v37 =	vld.idx.msk [tilespmem:v35+s1+$0x0], $0xffff  }
0x70: {  	v43 =	vld.idx.msk [tilespmem:v41+s3+$0x0], $0xffff  }
0x71: {  	v39 =	vld.idx.msk [tilespmem:v41+s1+$0x0], $0xffff  }
0x72: {  	v44 =	vld.idx.msk [tilespmem:v45+s3+$0x0], $0xffff  }
0x73: {  	v36 =	vld.idx.msk [tilespmem:v45+s1+$0x0], $0xffff  }
0x74: {  	v40 =	vld.idx.msk [tilespmem:v35+s2+$0x0], $0xffff  }
0x75: {  	v41 =	vld.idx.msk [tilespmem:v41+s2+$0x0], $0xffff  }
0x76: {  	v35 =	vld.idx.msk [tilespmem:v45+s2+$0x0], $0xffff;
	_ =	sdelay $0x1  }
0x77: {  	v45 =	vsub.f32 v43, v42;
	v46 =	vsub.f32 v39, v37  }
0x78: {  	v47 =	vsub.f32 v44, v42;
	v48 =	vsub.f32 v36, v37  }
0x79: {  	v51 =	vsub.f32 v41, v40;
	v49 =	vmul.f32 v45, v45;
	v50 =	vmul.f32 v46, v46  }
0x7a: {  	v54 =	vsub.f32 v35, v40;
	v52 =	vmul.f32 v47, v45;
	v53 =	vmul.f32 v48, v46  }
0x7b: {  	v55 =	vmul.f32 v47, v47;
	v56 =	vmul.f32 v48, v48  }
0x7c: {  	v61 =	vmul.f32 v51, v51;
	v62 =	vmul.f32 v54, v51;
	v49 =	vadd.f32 v50, v49  }
0x7d: {  	v63 =	vmul.f32 v54, v54;
	v52 =	vadd.f32 v53, v52;
	v55 =	vadd.f32 v56, v55  }
0x7e: {  	v49 =	vadd.f32 v61, v49  }
0x7f: {  	v50 =	vadd.f32 v62, v52;
	v52 =	vadd.f32 v63, v55;
	_ =	sdelay $0x1  }
0x80: {  	v59 =	vmul.f32 v52, v49;
	v60 =	vmul.f32 v50, v50;
	_ =	sdelay $0x1  }
0x81: {  	v53 =	vsub.f32 v59, v60  }
0x82: {  	v57 =	vmul.f32 v51, v40  }
0x83: {  	v56 =	vmul.f32 v46, v37;
	v55 =	vmul.f32 v45, v42;
	vm1 =	vgt.f32 v53, $0.0e+00  }
0x84: {  	v58 =	vmul.f32 v47, v42;
	v59 =	vmul.f32 v48, v37;
	v60 =	vsel vm1, $0x3F800000, v2  }
0x85: {  	v55 =	vadd.f32 v56, v55;
	v50 =	vmul.f32 v60, v50;
	v52 =	vmul.f32 v60, v52  }
0x86: {  	v62 =	vmul.f32 v54, v40;
	v61 =	vadd.f32 v59, v58  }
0x87: {  	v55 =	vadd.f32 v57, v55;
	v57 =	vmul.f32 v52, v45;
	v59 =	vmul.f32 v50, v47  }
0x88: {  	v56 =	vadd.f32 v62, v61;
	v58 =	vmul.f32 v52, v46;
	v61 =	vmul.f32 v50, v48  }
0x89: {  	v63 =	vmul.f32 v52, v51;
	v2 =	vmul.f32 v50, v54  }
0x8a: {  	v3 =	vmul.f32 v50, v56;
	v52 =	vmul.f32 v52, v55  }
0x8b: {  	v62 =	vor.u32 $0x21, v38;
	v45 =	vmul.f32 v50, v45;
	v46 =	vmul.f32 v50, v46  }
0x8c: {  	v51 =	vmul.f32 v50, v51;
	v50 =	vmul.f32 v50, v55;
	v55 =	vadd.f32 v41, v40  }
0x8d: {  	v49 =	vmul.f32 v60, v49;
	v57 =	vsub.f32 v57, v59;
	v58 =	vsub.f32 v58, v61  }
0x8e: {  	v59 =	vadd.f32 v43, v42;
	v61 =	vadd.f32 v39, v37  }
0x8f: {  	v47 =	vmul.f32 v49, v47;
	v2 =	vsub.f32 v63, v2;
	v3 =	vsub.f32 v3, v52;
	v52 =	vld [tilespmem:s9+$0x0]  }
0x90: {  	v62 =	vld.idx.msk [tilespmem:v62+s5+$0x0], $0xffff;
	[tilespmem:s11+$0xFFFFFCE0] =	vst v57;
	v57 =	vadd.f32 v44, v59;
	v63 =	vadd.f32 v36, v61  }
0x91: {  	v48 =	vmul.f32 v49, v48;
	v54 =	vmul.f32 v49, v54;
	v55 =	vadd.f32 v35, v55;
	[tilespmem:s11+$0xFFFFFD80] =	vst v58  }
0x92: {  	v45 =	vsub.f32 v47, v45;
	[tilespmem:s11+$0xFFFFFE20] =	vst v2;
	v47 =	vmul.f32 $3.333333430e-01, v57;
	v57 =	vmul.f32 $3.333333430e-01, v63  }
0x93: {  	s16 =	sand.u32 $0xF0, s15;
	v56 =	vmul.f32 v49, v56;
	v2 =	vsub.f32 v48, v46;
	v58 =	vmul.f32 $3.333333430e-01, v55;
	[tilespmem:s11+$0xFFFFFEC0] =	vst v3  }
0x94: {  	v3 =	vsub.f32 v54, v51;
	[tilespmem:s16+$0x7180] =	vst v45;
	v59 =	vmul.f32 v47, v47;
	v61 =	vmul.f32 v57, v57  }
0x95: {  	v63 =	vsub.f32 v50, v56;
	[tilespmem:s11+$0x0] =	vst v2  }
0x96: {  	v50 =	vmul.f32 v58, v58;
	[tilespmem:s11+$0xA0] =	vst v3;
	v2 =	vadd.f32 v61, v59  }
0x97: {  	[tilespmem:s11+$0x140] =	vst v63  }
0x98: {  	[tilespmem:s10+$0xFFFFFE20] =	vst v47;
	v2 =	vadd.f32 v50, v2  }
0x99: {  	vm2 =	vlt.s32 v52, $0x1388;
	[tilespmem:s10+$0xFFFFFEC0] =	vst v57  }
0x9a: {  	[tilespmem:s10+$0xFFFFFF60] =	vst v58;
	v2 =	vnsel vm2, $0x4E6E6B28, v2  }
0x9b: {  	[tilespmem:s10+$0x0] =	vst v2  }
0x9c: {  	v51 =	vimm.f32 $0.0e+00;
	v3 =	vmul.f32 $-2.000000000e+00, v47;
	[tilespmem:s16+$0x7680] =	vst v4  }
0x9d: {  	v52 =	vmul.f32 $-2.000000000e+00, v57;
	[tilespmem:s10+$0x140] =	vst v51  }
0x9e: {  	[tilespmem:s12+$0xFFFFFE20] =	vst v3  }
0x9f: {  	v3 =	vmul.f32 $-2.000000000e+00, v58;
	[tilespmem:s12+$0xFFFFFEC0] =	vst v52  }
0xa0: {  	v54 =	vmul.f32 v60, v53;
	vm2 =	vlt.f32 v53, $0.0e+00;
	[tilespmem:s12+$0x0] =	vst v4  }
0xa1: {  	vm1 =	vmor vm1, vm2;
	[tilespmem:s12+$0xFFFFFF60] =	vst v3;
	v3 =	vor.u32 $0xA, v38  }
0xa2: {  	v45 =	vnsel vm1, $0xBF800000, v54;
	[tilespmem:s16+$0x7A80] =	vst v2  }
0xa3: {  	v2 =	vor.u32 $0x14, v38;
	[tilespmem:s12+$0x140] =	vst v45  }
0xa4: {  	[tilespmem:s13+$0x0] =	vst v62  }
0xa5: {  	v45 =	vld.idx.msk [tilespmem:v38+s5+$0x0], $0xffff  }
0xa6: {  	v3 =	vld.idx.msk [tilespmem:v3+s5+$0x0], $0xffff;
	_ =	sdelay $0x1  }
0xa7: {  	v2 =	vld.idx.msk [tilespmem:v2+s5+$0x0], $0xffff;
	_ =	sdelay $0x1  }
0xa8: {  	v63 =	vor.u32 s14, v7;
	v61 =	vor.u32 s14, v6;
	v55 =	vmul.f32 v45, v42  }
0xa9: {  	v58 =	vor.u32 s14, v1;
	v59 =	vmul.f32 v45, v37;
	v56 =	vmul.f32 v3, v43  }
0xaa: {  	v48 =	vand.u32 v5, v58;
	v45 =	vmul.f32 v45, v40;
	v60 =	vmul.f32 v3, v39  }
0xab: {  	v3 =	vmul.f32 v3, v41;
	v57 =	vmul.f32 v2, v44;
	v46 =	vadd.f32 v56, v55  }
0xac: {  	v52 =	vor.u32 $0x1, v38;
	v62 =	vmul.f32 v2, v36;
	v47 =	vadd.f32 v60, v59  }
0xad: {  	v2 =	vmul.f32 v2, v35;
	v3 =	vadd.f32 v3, v45;
	v46 =	vadd.f32 v57, v46  }
0xae: {  	v53 =	vor.u32 $0xB, v38;
	v47 =	vadd.f32 v62, v47  }
0xaf: {  	v2 =	vadd.f32 v2, v3;
	v3 =	vor.u32 $0x15, v38;
	[tilespmem:v48+s7+$0x0] =	vst.idx.msk $0xffff, v46  }
0xb0: {  	[tilespmem:v61+s7+$0x0] =	vst.idx.msk $0xffff, v47  }
0xb1: {  	[tilespmem:v63+s7+$0x0] =	vst.idx.msk $0xffff, v2  }
0xb2: {  	v2 =	vld.idx.msk [tilespmem:v52+s5+$0x0], $0xffff  }
0xb3: {  	v54 =	vld.idx.msk [tilespmem:v53+s5+$0x0], $0xffff  }
0xb4: {  	v3 =	vld.idx.msk [tilespmem:v3+s5+$0x0], $0xffff;
	_ =	sdelay $0x3  }
0xb5: {  	v60 =	vor.u32 s14, v8;
	v55 =	vmul.f32 v2, v42  }
0xb6: {  	v61 =	vor.u32 s14, v9;
	v56 =	vmul.f32 v54, v43;
	v57 =	vmul.f32 v3, v44  }
0xb7: {  	v63 =	vor.u32 s14, v10;
	v58 =	vmul.f32 v2, v37;
	v59 =	vmul.f32 v54, v39  }
0xb8: {  	v2 =	vmul.f32 v2, v40;
	v45 =	vmul.f32 v54, v41;
	v46 =	vadd.f32 v56, v55  }
0xb9: {  	v53 =	vor.u32 $0x2, v38;
	v62 =	vmul.f32 v3, v36;
	v47 =	vadd.f32 v59, v58  }
0xba: {  	v3 =	vmul.f32 v3, v35;
	v2 =	vadd.f32 v45, v2;
	v46 =	vadd.f32 v57, v46  }
0xbb: {  	v54 =	vor.u32 $0xC, v38;
	v47 =	vadd.f32 v62, v47  }
0xbc: {  	v2 =	vadd.f32 v3, v2;
	v3 =	vor.u32 $0x16, v38;
	[tilespmem:v60+s7+$0x0] =	vst.idx.msk $0xffff, v46  }
0xbd: {  	[tilespmem:v61+s7+$0x0] =	vst.idx.msk $0xffff, v47  }
0xbe: {  	[tilespmem:v63+s7+$0x0] =	vst.idx.msk $0xffff, v2  }
0xbf: {  	v2 =	vld.idx.msk [tilespmem:v53+s5+$0x0], $0xffff  }
0xc0: {  	v55 =	vld.idx.msk [tilespmem:v54+s5+$0x0], $0xffff  }
0xc1: {  	v3 =	vld.idx.msk [tilespmem:v3+s5+$0x0], $0xffff;
	_ =	sdelay $0x3  }
0xc2: {  	v60 =	vor.u32 s14, v11;
	v56 =	vmul.f32 v2, v42  }
0xc3: {  	v61 =	vor.u32 s14, v12;
	v57 =	vmul.f32 v55, v43;
	v58 =	vmul.f32 v3, v44  }
0xc4: {  	v63 =	vor.u32 s14, v13;
	v59 =	vmul.f32 v2, v37;
	v48 =	vmul.f32 v55, v39  }
0xc5: {  	v2 =	vmul.f32 v2, v40;
	v45 =	vmul.f32 v55, v41;
	v46 =	vadd.f32 v57, v56  }
0xc6: {  	v53 =	vor.u32 $0x3, v38;
	v62 =	vmul.f32 v3, v36;
	v47 =	vadd.f32 v48, v59  }
0xc7: {  	v3 =	vmul.f32 v3, v35;
	v2 =	vadd.f32 v45, v2;
	v46 =	vadd.f32 v58, v46  }
0xc8: {  	v54 =	vor.u32 $0xD, v38;
	v47 =	vadd.f32 v62, v47  }
0xc9: {  	v2 =	vadd.f32 v3, v2;
	v3 =	vor.u32 $0x17, v38;
	[tilespmem:v60+s7+$0x0] =	vst.idx.msk $0xffff, v46  }
0xca: {  	[tilespmem:v61+s7+$0x0] =	vst.idx.msk $0xffff, v47  }
0xcb: {  	[tilespmem:v63+s7+$0x0] =	vst.idx.msk $0xffff, v2  }
0xcc: {  	v2 =	vld.idx.msk [tilespmem:v53+s5+$0x0], $0xffff  }
0xcd: {  	v55 =	vld.idx.msk [tilespmem:v54+s5+$0x0], $0xffff  }
0xce: {  	v3 =	vld.idx.msk [tilespmem:v3+s5+$0x0], $0xffff;
	_ =	sdelay $0x3  }
0xcf: {  	v60 =	vor.u32 s14, v14;
	v56 =	vmul.f32 v2, v42  }
0xd0: {  	v61 =	vor.u32 s14, v15;
	v57 =	vmul.f32 v55, v43;
	v58 =	vmul.f32 v3, v44  }
0xd1: {  	v63 =	vor.u32 s14, v16;
	v59 =	vmul.f32 v2, v37;
	v48 =	vmul.f32 v55, v39  }
0xd2: {  	v2 =	vmul.f32 v2, v40;
	v45 =	vmul.f32 v55, v41;
	v46 =	vadd.f32 v57, v56  }
0xd3: {  	v53 =	vor.u32 $0x4, v38;
	v62 =	vmul.f32 v3, v36;
	v47 =	vadd.f32 v48, v59  }
0xd4: {  	v3 =	vmul.f32 v3, v35;
	v2 =	vadd.f32 v45, v2;
	v46 =	vadd.f32 v58, v46  }
0xd5: {  	v54 =	vor.u32 $0xE, v38;
	v47 =	vadd.f32 v62, v47  }
0xd6: {  	v2 =	vadd.f32 v3, v2;
	v3 =	vor.u32 $0x18, v38;
	[tilespmem:v60+s7+$0x0] =	vst.idx.msk $0xffff, v46  }
0xd7: {  	[tilespmem:v61+s7+$0x0] =	vst.idx.msk $0xffff, v47  }
0xd8: {  	[tilespmem:v63+s7+$0x0] =	vst.idx.msk $0xffff, v2  }
0xd9: {  	v2 =	vld.idx.msk [tilespmem:v53+s5+$0x0], $0xffff  }
0xda: {  	v55 =	vld.idx.msk [tilespmem:v54+s5+$0x0], $0xffff  }
0xdb: {  	v3 =	vld.idx.msk [tilespmem:v3+s5+$0x0], $0xffff;
	_ =	sdelay $0x3  }
0xdc: {  	v60 =	vor.u32 s14, v17;
	v56 =	vmul.f32 v2, v42  }
0xdd: {  	v61 =	vor.u32 s14, v18;
	v57 =	vmul.f32 v55, v43;
	v58 =	vmul.f32 v3, v44  }
0xde: {  	v63 =	vor.u32 s14, v19;
	v59 =	vmul.f32 v2, v37;
	v48 =	vmul.f32 v55, v39  }
0xdf: {  	v2 =	vmul.f32 v2, v40;
	v45 =	vmul.f32 v55, v41;
	v46 =	vadd.f32 v57, v56  }
0xe0: {  	v53 =	vor.u32 $0x5, v38;
	v62 =	vmul.f32 v3, v36;
	v47 =	vadd.f32 v48, v59  }
0xe1: {  	v3 =	vmul.f32 v3, v35;
	v2 =	vadd.f32 v45, v2;
	v46 =	vadd.f32 v58, v46  }
0xe2: {  	v54 =	vor.u32 $0xF, v38;
	v47 =	vadd.f32 v62, v47  }
0xe3: {  	v2 =	vadd.f32 v3, v2;
	v3 =	vor.u32 $0x19, v38;
	[tilespmem:v60+s7+$0x0] =	vst.idx.msk $0xffff, v46  }
0xe4: {  	[tilespmem:v61+s7+$0x0] =	vst.idx.msk $0xffff, v47  }
0xe5: {  	[tilespmem:v63+s7+$0x0] =	vst.idx.msk $0xffff, v2  }
0xe6: {  	v2 =	vld.idx.msk [tilespmem:v53+s5+$0x0], $0xffff  }
0xe7: {  	v55 =	vld.idx.msk [tilespmem:v54+s5+$0x0], $0xffff  }
0xe8: {  	v3 =	vld.idx.msk [tilespmem:v3+s5+$0x0], $0xffff;
	_ =	sdelay $0x3  }
0xe9: {  	v60 =	vor.u32 s14, v20;
	v56 =	vmul.f32 v2, v42  }
0xea: {  	v61 =	vor.u32 s14, v21;
	v57 =	vmul.f32 v55, v43;
	v58 =	vmul.f32 v3, v44  }
0xeb: {  	v63 =	vor.u32 s14, v22;
	v59 =	vmul.f32 v2, v37;
	v48 =	vmul.f32 v55, v39  }
0xec: {  	v2 =	vmul.f32 v2, v40;
	v45 =	vmul.f32 v55, v41;
	v46 =	vadd.f32 v57, v56  }
0xed: {  	v53 =	vor.u32 $0x6, v38;
	v62 =	vmul.f32 v3, v36;
	v47 =	vadd.f32 v48, v59  }
0xee: {  	v3 =	vmul.f32 v3, v35;
	v2 =	vadd.f32 v45, v2;
	v46 =	vadd.f32 v58, v46  }
0xef: {  	v54 =	vor.u32 $0x10, v38;
	v47 =	vadd.f32 v62, v47  }
0xf0: {  	v2 =	vadd.f32 v3, v2;
	v3 =	vor.u32 $0x1A, v38;
	[tilespmem:v60+s7+$0x0] =	vst.idx.msk $0xffff, v46  }
0xf1: {  	[tilespmem:v61+s7+$0x0] =	vst.idx.msk $0xffff, v47  }
0xf2: {  	[tilespmem:v63+s7+$0x0] =	vst.idx.msk $0xffff, v2  }
0xf3: {  	v2 =	vld.idx.msk [tilespmem:v53+s5+$0x0], $0xffff  }
0xf4: {  	v55 =	vld.idx.msk [tilespmem:v54+s5+$0x0], $0xffff  }
0xf5: {  	v3 =	vld.idx.msk [tilespmem:v3+s5+$0x0], $0xffff;
	_ =	sdelay $0x3  }
0xf6: {  	v60 =	vor.u32 s14, v23;
	v56 =	vmul.f32 v2, v42  }
0xf7: {  	v61 =	vor.u32 s14, v24;
	v57 =	vmul.f32 v55, v43;
	v58 =	vmul.f32 v3, v44  }
0xf8: {  	v63 =	vor.u32 s14, v25;
	v59 =	vmul.f32 v2, v37;
	v48 =	vmul.f32 v55, v39  }
0xf9: {  	v2 =	vmul.f32 v2, v40;
	v45 =	vmul.f32 v55, v41;
	v46 =	vadd.f32 v57, v56  }
0xfa: {  	v53 =	vor.u32 $0x7, v38;
	v62 =	vmul.f32 v3, v36;
	v47 =	vadd.f32 v48, v59  }
0xfb: {  	v3 =	vmul.f32 v3, v35;
	v2 =	vadd.f32 v45, v2;
	v46 =	vadd.f32 v58, v46  }
0xfc: {  	v54 =	vor.u32 $0x11, v38;
	v47 =	vadd.f32 v62, v47  }
0xfd: {  	v2 =	vadd.f32 v3, v2;
	v3 =	vor.u32 $0x1B, v38;
	[tilespmem:v60+s7+$0x0] =	vst.idx.msk $0xffff, v46  }
0xfe: {  	[tilespmem:v61+s7+$0x0] =	vst.idx.msk $0xffff, v47  }
0xff: {  	[tilespmem:v63+s7+$0x0] =	vst.idx.msk $0xffff, v2  }
0x100: {  	v2 =	vld.idx.msk [tilespmem:v53+s5+$0x0], $0xffff  }
0x101: {  	v55 =	vld.idx.msk [tilespmem:v54+s5+$0x0], $0xffff  }
0x102: {  	v3 =	vld.idx.msk [tilespmem:v3+s5+$0x0], $0xffff;
	_ =	sdelay $0x3  }
0x103: {  	v60 =	vor.u32 s14, v26;
	v56 =	vmul.f32 v2, v42  }
0x104: {  	v61 =	vor.u32 s14, v27;
	v57 =	vmul.f32 v55, v43;
	v58 =	vmul.f32 v3, v44  }
0x105: {  	v63 =	vor.u32 s14, v28;
	v59 =	vmul.f32 v2, v37;
	v48 =	vmul.f32 v55, v39  }
0x106: {  	v2 =	vmul.f32 v2, v40;
	v45 =	vmul.f32 v55, v41;
	v46 =	vadd.f32 v57, v56  }
0x107: {  	v54 =	vor.u32 $0x8, v38;
	v62 =	vmul.f32 v3, v36;
	v47 =	vadd.f32 v48, v59  }
0x108: {  	v3 =	vmul.f32 v3, v35;
	v2 =	vadd.f32 v45, v2;
	v46 =	vadd.f32 v58, v46  }
0x109: {  	v55 =	vor.u32 $0x12, v38;
	v47 =	vadd.f32 v62, v47  }
0x10a: {  	v2 =	vadd.f32 v3, v2;
	v3 =	vor.u32 $0x1C, v38;
	[tilespmem:v60+s7+$0x0] =	vst.idx.msk $0xffff, v46  }
0x10b: {  	[tilespmem:v61+s7+$0x0] =	vst.idx.msk $0xffff, v47  }
0x10c: {  	[tilespmem:v63+s7+$0x0] =	vst.idx.msk $0xffff, v2  }
0x10d: {  	v2 =	vld.idx.msk [tilespmem:v54+s5+$0x0], $0xffff  }
0x10e: {  	v56 =	vld.idx.msk [tilespmem:v55+s5+$0x0], $0xffff  }
0x10f: {  	v3 =	vld.idx.msk [tilespmem:v3+s5+$0x0], $0xffff;
	_ =	sdelay $0x3  }
0x110: {  	v62 =	vor.u32 s14, v30;
	v57 =	vmul.f32 v2, v42  }
0x111: {  	v61 =	vor.u32 s14, v29;
	v58 =	vmul.f32 v56, v43;
	v59 =	vmul.f32 v3, v44  }
0x112: {  	v54 =	vor.u32 s14, v31;
	v60 =	vmul.f32 v2, v37;
	v48 =	vmul.f32 v56, v39  }
0x113: {  	v2 =	vmul.f32 v2, v40;
	v45 =	vmul.f32 v56, v41;
	v46 =	vadd.f32 v58, v57  }
0x114: {  	v55 =	vor.u32 $0x9, v38;
	v63 =	vmul.f32 v3, v36;
	v47 =	vadd.f32 v48, v60  }
0x115: {  	v3 =	vmul.f32 v3, v35;
	v2 =	vadd.f32 v45, v2;
	v46 =	vadd.f32 v59, v46  }
0x116: {  	v56 =	vor.u32 $0x13, v38;
	v47 =	vadd.f32 v63, v47  }
0x117: {  	v2 =	vadd.f32 v3, v2;
	v3 =	vor.u32 $0x1D, v38;
	[tilespmem:v61+s7+$0x0] =	vst.idx.msk $0xffff, v46  }
0x118: {  	[tilespmem:v62+s7+$0x0] =	vst.idx.msk $0xffff, v47  }
0x119: {  	[tilespmem:v54+s7+$0x0] =	vst.idx.msk $0xffff, v2  }
0x11a: {  	v2 =	vld.idx.msk [tilespmem:v55+s5+$0x0], $0xffff  }
0x11b: {  	v57 =	vld.idx.msk [tilespmem:v56+s5+$0x0], $0xffff  }
0x11c: {  	v3 =	vld.idx.msk [tilespmem:v3+s5+$0x0], $0xffff;
	_ =	sdelay $0x3  }
0x11d: {  	v42 =	vmul.f32 v2, v42  }
0x11e: {  	v60 =	vor.u32 s14, v33;
	v43 =	vmul.f32 v57, v43;
	v58 =	vmul.f32 v3, v44  }
0x11f: {  	v59 =	vor.u32 s14, v32;
	v37 =	vmul.f32 v2, v37;
	v39 =	vmul.f32 v57, v39  }
0x120: {  	v2 =	vmul.f32 v2, v40;
	v38 =	vmul.f32 v57, v41;
	v42 =	vadd.f32 v43, v42  }
0x121: {  	p0 =	sne.s32 s15, $0x90;
	v61 =	vor.u32 s14, v34;
	v36 =	vmul.f32 v3, v36;
	v37 =	vadd.f32 v39, v37  }
.Ltmp0:
0x122: {  	v3 =	vmul.f32 v3, v35;
	v2 =	vadd.f32 v38, v2;
	v62 =	vadd.f32 v58, v42;
	(pc) =	sbr.rel @p0 .LBB2_2-.Ltmp0, $4  }
0x123: {  	v63 =	vadd.f32 v36, v37  }
0x124: {  	s15 =	sadd.s32 $0x10, s15;
	v2 =	vadd.f32 v3, v2;
	[tilespmem:v59+s7+$0x0] =	vst.idx.msk $0xffff, v62  }
0x125: {  	s9 =	sadd.s32 $0x10, s9;
	s11 =	sadd.s32 $0x10, s11;
	s10 =	sadd.s32 $0x10, s10;
	[tilespmem:v60+s7+$0x0] =	vst.idx.msk $0xffff, v63  }
0x126: {  	s12 =	sadd.s32 $0x10, s12;
	s13 =	sadd.s32 $0x10, s13;
	s14 =	sadd.s32 $0x200, s14;
	[tilespmem:v61+s7+$0x0] =	vst.idx.msk $0xffff, v2;
	v2 =	vimm.f32 $-1.000000000e+00  }
0x127: {  	s9 =	simm.s32 $0x6F00  }
0x128: {  	[hbm4b:s4+s3] =	stream.linear.scatter [tilespmem:s9], [sflag:$0x1], $0xA0, $0x38;
	[tilespmem:$0x9100] =	vst v63  }
0x129: {  	s16 =	rddreg [dreg:$0x2];
	s10 =	simm.s32 $0x6FA0  }
0x12a: {  	[hbm4b:s16+s3] =	stream.linear.scatter [tilespmem:s10], [sflag:$0x1], $0xA0, $0x38;
	[tilespmem:$0x9100] =	vst v63  }
0x12b: {  	s11 =	rddreg [dreg:$0x3];
	s12 =	simm.s32 $0x7040  }
0x12c: {  	[hbm4b:s11+s3] =	stream.linear.scatter [tilespmem:s12], [sflag:$0x1], $0xA0, $0x38;
	[tilespmem:$0x9100] =	vst v63  }
0x12d: {  	s13 =	rddreg [dreg:$0x4];
	s14 =	simm.s32 $0x70E0  }
0x12e: {  	[hbm4b:s13+s3] =	stream.linear.scatter [tilespmem:s14], [sflag:$0x1], $0xA0, $0x38;
	[tilespmem:$0x9100] =	vst v63  }
0x12f: {  	s15 =	rddreg [dreg:$0x5];
	s16 =	simm.s32 $0x7180  }
0x130: {  	[hbm4b:s15+s3] =	stream.linear.scatter [tilespmem:s16], [sflag:$0x1], $0xA0, $0x38;
	[tilespmem:$0x9100] =	vst v63  }
0x131: {  	s11 =	rddreg [dreg:$0x6];
	s12 =	simm.s32 $0x7220  }
0x132: {  	[hbm4b:s11+s3] =	stream.linear.scatter [tilespmem:s12], [sflag:$0x1], $0xA0, $0x38;
	[tilespmem:$0x9100] =	vst v63  }
0x133: {  	s13 =	simm.s32 $0x72C0  }
0x134: {  	[hbm4b:s30+s3] =	stream.linear.scatter [tilespmem:s13], [sflag:$0x1], $0xA0, $0x38;
	[tilespmem:$0x9100] =	vst v63  }
0x135: {  	s14 =	simm.s32 $0x7360  }
0x136: {  	[hbm4b:s31+s3] =	stream.linear.scatter [tilespmem:s14], [sflag:$0x1], $0xA0, $0x38;
	[tilespmem:$0x9100] =	vst v63  }
0x137: {  	s15 =	rddreg [dreg:$0x7];
	s16 =	simm.s32 $0x7400  }
0x138: {  	[hbm4b:s15+s3] =	stream.linear.scatter [tilespmem:s16], [sflag:$0x1], $0xA0, $0x38;
	[tilespmem:$0x9100] =	vst v63  }
0x139: {  	s11 =	rddreg [dreg:$0x8];
	s12 =	simm.s32 $0x7800  }
0x13a: {  	[hbm4b:s11+s3] =	stream.linear.scatter [tilespmem:s12], [sflag:$0x1], $0xA0, $0x38;
	[tilespmem:$0x9100] =	vst v63  }
0x13b: {  	s13 =	rddreg [dreg:$0x9];
	s14 =	simm.s32 $0x74A0  }
0x13c: {  	[hbm4b:s13+s3] =	stream.linear.scatter [tilespmem:s14], [sflag:$0x1], $0xA0, $0x38;
	[tilespmem:$0x9100] =	vst v63  }
0x13d: {  	s15 =	rddreg [dreg:$0xa];
	s16 =	simm.s32 $0x78A0  }
0x13e: {  	[hbm4b:s15+s3] =	stream.linear.scatter [tilespmem:s16], [sflag:$0x1], $0xA0, $0x38;
	[tilespmem:$0x9100] =	vst v63  }
0x13f: {  	s11 =	rddreg [dreg:$0xb];
	s12 =	simm.s32 $0x7540  }
0x140: {  	[hbm4b:s11+s3] =	stream.linear.scatter [tilespmem:s12], [sflag:$0x1], $0xA0, $0x38;
	[tilespmem:$0x9100] =	vst v63  }
0x141: {  	s13 =	rddreg [dreg:$0xc];
	s14 =	simm.s32 $0x7940  }
0x142: {  	[hbm4b:s13+s3] =	stream.linear.scatter [tilespmem:s14], [sflag:$0x1], $0xA0, $0x38;
	[tilespmem:$0x9100] =	vst v63  }
0x143: {  	s15 =	rddreg [dreg:$0xd];
	s16 =	simm.s32 $0x75E0  }
0x144: {  	[hbm4b:s15+s3] =	stream.linear.scatter [tilespmem:s16], [sflag:$0x1], $0xA0, $0x38;
	[tilespmem:$0x9100] =	vst v63  }
0x145: {  	s11 =	simm.s32 $0x79E0  }
0x146: {  	[hbm4b:s17+s3] =	stream.linear.scatter [tilespmem:s11], [sflag:$0x1], $0xA0, $0x38;
	[tilespmem:$0x9100] =	vst v63  }
0x147: {  	s12 =	simm.s32 $0x7680  }
0x148: {  	[hbm4b:s18+s3] =	stream.linear.scatter [tilespmem:s12], [sflag:$0x1], $0xA0, $0x38;
	[tilespmem:$0x9100] =	vst v63  }
0x149: {  	s13 =	simm.s32 $0x7A80  }
0x14a: {  	[hbm4b:s19+s3] =	stream.linear.scatter [tilespmem:s13], [sflag:$0x1], $0xA0, $0x38;
	[tilespmem:$0x9100] =	vst v63  }
0x14b: {  	s14 =	simm.s32 $0x7720  }
0x14c: {  	[hbm4b:s20+s3] =	stream.linear.scatter [tilespmem:s14], [sflag:$0x1], $0xA0, $0x38;
	[tilespmem:$0x9100] =	vst v63  }
0x14d: {  	s15 =	simm.s32 $0x7B20  }
0x14e: {  	[hbm4b:s21+s3] =	stream.linear.scatter [tilespmem:s15], [sflag:$0x1], $0xA0, $0x38;
	[tilespmem:$0x9100] =	vst v63  }
0x14f: {  	_ = 	snop  }
0x150: {  	[hbm4b:s23+s3] =	stream.linear.scatter [tilespmem:s7], [sflag:$0x1], $0x1400, $0x38;
	[tilespmem:$0x9100] =	vst v63  }
0x151: {  	s16 =	simm.s32 $0x9000  }
0x152: {  	[hbm4b:s24+s3] =	stream.linear.scatter [tilespmem:s16], [sflag:$0x1], $0xA0, $0x38;
	[tilespmem:$0x9100] =	vst v63  }
0x153: {  	_ =	swait.ge [sflag:s6], $0xA0  }
0x154: {  	[sflag:s6] =	ssyncset.done $0x0  }
0x155: {  	[sflag:s6] =	ssyncadd.s32 $0xFFFFFF60  }
0x156: {  	_ =	swait.ge [sflag:s6], $0xA0  }
0x157: {  	[sflag:s6] =	ssyncset.done $0x0  }
0x158: {  	[sflag:s6] =	ssyncadd.s32 $0xFFFFFF60  }
0x159: {  	_ =	swait.ge [sflag:s6], $0xA0  }
0x15a: {  	[sflag:s6] =	ssyncset.done $0x0  }
0x15b: {  	[sflag:s6] =	ssyncadd.s32 $0xFFFFFF60  }
0x15c: {  	_ =	swait.ge [sflag:s6], $0xA0  }
0x15d: {  	[sflag:s6] =	ssyncset.done $0x0  }
0x15e: {  	[sflag:s6] =	ssyncadd.s32 $0xFFFFFF60  }
0x15f: {  	_ =	swait.ge [sflag:s6], $0xA0  }
0x160: {  	[sflag:s6] =	ssyncset.done $0x0  }
0x161: {  	[sflag:s6] =	ssyncadd.s32 $0xFFFFFF60  }
0x162: {  	_ =	swait.ge [sflag:s6], $0xA0  }
0x163: {  	[sflag:s6] =	ssyncset.done $0x0  }
0x164: {  	[sflag:s6] =	ssyncadd.s32 $0xFFFFFF60  }
0x165: {  	_ =	swait.ge [sflag:s6], $0xA0  }
0x166: {  	[sflag:s6] =	ssyncset.done $0x0  }
0x167: {  	[sflag:s6] =	ssyncadd.s32 $0xFFFFFF60  }
0x168: {  	_ =	swait.ge [sflag:s6], $0xA0  }
0x169: {  	[sflag:s6] =	ssyncset.done $0x0  }
0x16a: {  	[sflag:s6] =	ssyncadd.s32 $0xFFFFFF60  }
0x16b: {  	_ =	swait.ge [sflag:s6], $0xA0  }
0x16c: {  	[sflag:s6] =	ssyncset.done $0x0  }
0x16d: {  	[sflag:s6] =	ssyncadd.s32 $0xFFFFFF60  }
0x16e: {  	_ =	swait.ge [sflag:s6], $0xA0  }
0x16f: {  	[sflag:s6] =	ssyncset.done $0x0  }
0x170: {  	[sflag:s6] =	ssyncadd.s32 $0xFFFFFF60  }
0x171: {  	_ =	swait.ge [sflag:s6], $0xA0  }
0x172: {  	[sflag:s6] =	ssyncset.done $0x0  }
0x173: {  	[sflag:s6] =	ssyncadd.s32 $0xFFFFFF60  }
0x174: {  	_ =	swait.ge [sflag:s6], $0xA0  }
0x175: {  	[sflag:s6] =	ssyncset.done $0x0  }
0x176: {  	[sflag:s6] =	ssyncadd.s32 $0xFFFFFF60  }
0x177: {  	_ =	swait.ge [sflag:s6], $0xA0  }
0x178: {  	[sflag:s6] =	ssyncset.done $0x0  }
0x179: {  	[sflag:s6] =	ssyncadd.s32 $0xFFFFFF60  }
0x17a: {  	_ =	swait.ge [sflag:s6], $0xA0  }
0x17b: {  	[sflag:s6] =	ssyncset.done $0x0  }
0x17c: {  	[sflag:s6] =	ssyncadd.s32 $0xFFFFFF60  }
0x17d: {  	_ =	swait.ge [sflag:s6], $0xA0  }
0x17e: {  	[sflag:s6] =	ssyncset.done $0x0  }
0x17f: {  	[sflag:s6] =	ssyncadd.s32 $0xFFFFFF60  }
0x180: {  	_ =	swait.ge [sflag:s6], $0xA0  }
0x181: {  	[sflag:s6] =	ssyncset.done $0x0  }
0x182: {  	[sflag:s6] =	ssyncadd.s32 $0xFFFFFF60  }
0x183: {  	_ =	swait.ge [sflag:s6], $0xA0  }
0x184: {  	[sflag:s6] =	ssyncset.done $0x0  }
0x185: {  	[sflag:s6] =	ssyncadd.s32 $0xFFFFFF60  }
0x186: {  	_ =	swait.ge [sflag:s6], $0xA0  }
0x187: {  	[sflag:s6] =	ssyncset.done $0x0  }
0x188: {  	[sflag:s6] =	ssyncadd.s32 $0xFFFFFF60  }
0x189: {  	_ =	swait.ge [sflag:s6], $0xA0  }
0x18a: {  	[sflag:s6] =	ssyncset.done $0x0  }
0x18b: {  	[sflag:s6] =	ssyncadd.s32 $0xFFFFFF60  }
0x18c: {  	_ =	swait.ge [sflag:s6], $0xA0  }
0x18d: {  	[sflag:s6] =	ssyncset.done $0x0  }
0x18e: {  	s8 =	sadd.s32 $0x1, s8;
	[sflag:s6] =	ssyncadd.s32 $0xFFFFFF60  }
0x18f: {  	p0 =	sne.s32 s8, s25;
	_ =	swait.ge [sflag:s6], $0x1400  }
.Ltmp1:
0x190: {  	[sflag:s6] =	ssyncset.done $0x0;
	(pc) =	sbr.rel @p0 .LBB2_1-.Ltmp1, $4  }
0x191: {  	[sflag:s6] =	ssyncadd.s32 $0xFFFFEC00  }
0x192: {  	_ =	swait.ge [sflag:s6], $0xA0  }
0x193: {  	[sflag:s6] =	ssyncset.done $0x0  }
0x194: {  	[sflag:s6] =	ssyncadd.s32 $0xFFFFFF60  }
0x195: {  	_ =	sfence.sel $0x180000  }
0x196: {  	[bflag:$0x0] =	sbarrier.arrive $0xFFFF  }
0x197: {  	_ =	strace $0x9000004A  }
0x198: {  	s0 =	stileid.u32;
	[bflag:$0x2] =	sbarrier.arrive $0xFFFF  }
0x199: {  	p0 =	sne.s32 s0, $0x0;
	s0 =	rddreg [dreg:$0x1]  }
0x19a: {  	s0 =	sadd.s32 @!p0 $0x100000, s0  }
0x19b: {  	[sflag:s0] =	ssyncadd.tile.s32 @!p0 $0x1;
	_ =	shalt  }
.Lfunc_end2:
_tile_overlayer_lowered:
.L_overlay_start_2:
0x19c: {  	(tag) =	ssettag $0x2  }
0x19d: {  	s0 =	rddreg [dreg:$0x0];
	s2 =	stileid.u32  }
0x19e: {  	s1 =	rddreg [dreg:$0x1];
	p0 =	sne.s32 s2, $0x0  }
0x19f: {  	s3 =	rddreg [dreg:$0x2];
	[bflag:$0x3] =	sbarrier.arrive $0xFFFF;
	s2 =	simm.s32 @!p0 $0x1C02  }
0x1a0: {  	[timem:s3], [sflag:s2] =	dma.local @!p0 [hbm:s0], s1  }
0x1a1: {  	s0 =	simm.s32 @!p0 $0x2  }
0x1a2: {  	_ =	swait.ge @!p0 [sflag:s0], s1  }
0x1a3: {  	s1 =	ssub.s32 @!p0 $0x0, s1;
	[sflag:s0] =	ssyncset.done @!p0 $0x0  }
0x1a4: {  	[sflag:s0] =	ssyncadd.s32 @!p0 s1  }
0x1a5: {  	[bflag:$0x3] =	sbarrier.arrive $0xFFFF  }
0x1a6: {  	_ =	shalt  }

</sc_bundles>
